<compile_context>
chip_gen: v7x
topology: tpu7x:2x2x1
jax: 0.10.2.dev20260603
libtpu: 0.0.44.dev20260713+nightly
codegen_flags: <defaults>
</compile_context>

<pallas_src>
import functools

import jax
import jax.numpy as jnp
from jax import lax
from jax.experimental import pallas as pl
from jax.experimental.pallas import tpu as pltpu
from jax.experimental.pallas import tpu_sc as plsc

EMB_DIM = 32
BLK = 128


@functools.lru_cache(maxsize=None)
def _make_lookup(batch, hist):
    info = plsc.get_sparse_core_info()
    num_cores, num_subcores = info.num_cores, info.num_subcores
    num_workers = num_cores * num_subcores
    b_per_w = batch // num_workers
    nblk = b_per_w // BLK
    steps = hist * nblk
    assert batch % num_workers == 0 and b_per_w % BLK == 0 and steps % 4 == 0

    mesh = plsc.VectorSubcoreMesh(core_axis_name="c", subcore_axis_name="s")

    @functools.partial(
        pl.kernel,
        mesh=mesh,
        compiler_params=pltpu.CompilerParams(
            use_tc_tiling_on_sc=False, needs_layout_passes=False
        ),
        out_type=jax.ShapeDtypeStruct((hist, batch, EMB_DIM), jnp.float32),
        scratch_types=(
            [pltpu.VMEM((hist, b_per_w), jnp.int32)]
            + [pltpu.VMEM((BLK, EMB_DIM), jnp.float32) for _ in range(4)]
            + [pltpu.SemaphoreType.DMA]
            + [pltpu.SemaphoreType.DMA for _ in range(4)]
            + [pltpu.SemaphoreType.DMA for _ in range(4)]
        ),
    )
    def lookup(w_hbm, xf_hbm, out_hbm, idx_all, g0, g1, g2, g3, si,
               sg0, sg1, sg2, sg3, so0, so1, so2, so3):
        gs, sgs, sos = (g0, g1, g2, g3), (sg0, sg1, sg2, sg3), (so0, so1, so2, so3)
        wid = lax.axis_index("s") * num_cores + lax.axis_index("c")
        bbase = wid * b_per_w

        for h in range(hist):
            pltpu.async_copy(
                xf_hbm.at[pl.ds(h * batch + bbase, b_per_w)], idx_all.at[h], si
            )
        for h in range(hist):
            pltpu.make_async_copy(
                xf_hbm.at[pl.ds(h * batch + bbase, b_per_w)], idx_all.at[h], si
            ).wait()

        def idx_slice(s):
            h = s // nblk
            off = (s % nblk) * BLK
            return idx_all.at[h, pl.ds(off, BLK)]

        def out_slice(s):
            h = s // nblk
            b0 = bbase + (s % nblk) * BLK
            return out_hbm.at[h, pl.ds(b0, BLK), :]

        def fire_gather(s, buf):
            pltpu.async_copy(w_hbm.at[idx_slice(s)], gs[buf], sgs[buf])

        def wait_gather(s, buf):
            pltpu.make_async_copy(w_hbm.at[idx_slice(s)], gs[buf], sgs[buf]).wait()

        def drain_out(s, buf):
            pltpu.make_async_copy(gs[buf], out_slice(s), sos[buf]).wait()

        def step(s, k, fire_next):
            wait_gather(s, k)
            if fire_next:
                nslot = (k + 3) % 4
                if isinstance(s, int):
                    if s >= 1:
                        drain_out(s - 1, nslot)
                else:

                    @pl.when(s >= 1)
                    def _():
                        drain_out(s - 1, nslot)

                fire_gather(s + 3, nslot)
            pltpu.async_copy(gs[k], out_slice(s), sos[k])

        for k in range(3):
            fire_gather(k, k)

        def quad(g4, carry):
            for k in range(4):
                s = 4 * g4 + k
                step(s, k, True)
            return carry

        lax.fori_loop(0, steps // 4 - 1, quad, 0)

        for k in range(4):
            s = steps - 4 + k
            step(s, k, s + 3 < steps)
        for k in range(4):
            s = steps - 4 + k
            drain_out(s, s % 4)

    return lookup


@jax.jit
def kernel(x, weight):
    b, h = x.shape
    xf = x.T.reshape(b * h)
    out = _make_lookup(b, h)(weight, xf)
    return jnp.transpose(out, (1, 0, 2))

# --- scband reference (transcript-rebuilt; emitter-appended) ---
"""Pipeline reference for scband-embedding-34505767256143 (READ-ONLY COPY).

The authoritative reference and input builder live on the scoring server;
editing this copy changes nothing except your own understanding.
"""

import jax, jax.numpy as jnp
import numpy as np

NUM_EMBEDDINGS = 1000000
EMBEDDING_DIM = 32
BATCH = 16384
HIST = 50


def setup_inputs(seed: int = 0) -> dict:
    key = jax.random.key(seed)
    k1, k2 = jax.random.split(key)
    x = jax.random.randint(k1, (BATCH, HIST), 0, NUM_EMBEDDINGS, dtype=jnp.int64) if jax.config.read('jax_enable_x64') else jax.random.randint(k1, (BATCH, HIST), 0, NUM_EMBEDDINGS, dtype=jnp.int32)
    weight = jax.random.normal(k2, (NUM_EMBEDDINGS, EMBEDDING_DIM), dtype=jnp.float32) * (NUM_EMBEDDINGS ** (-0.5))
    return {"x": x, "weight": weight}


def reference(x, weight):
    # out = self.weight[x]
    out = jnp.take(weight, x, axis=0)
    return out

if __name__ == "__main__":
    import jax
    _d = setup_inputs()
    print(jax.jit(kernel)(*tuple(_d.values())))

</pallas_src>

<mosaic_0001>
#map = affine_map<(d0, d1) -> (0, 0)>
#map1 = affine_map<(d0, d1) -> (0)>
#map2 = affine_map<(d0, d1) -> (0, 0, 0)>
module attributes {stable_mosaic.version = 14 : i64} {
  func.func @lookup(%arg0: i32, %arg1: i32, %arg2: memref<1000000x32xf32, #tpu.memory_space<hbm>>, %arg3: memref<819200xi32, #tpu.memory_space<hbm>>, %arg4: memref<50x16384x32xf32, #tpu.memory_space<hbm>>, %arg5: memref<50x512xi32, #tpu.memory_space<vmem>>, %arg6: memref<128x32xf32, #tpu.memory_space<vmem>>, %arg7: memref<128x32xf32, #tpu.memory_space<vmem>>, %arg8: memref<128x32xf32, #tpu.memory_space<vmem>>, %arg9: memref<128x32xf32, #tpu.memory_space<vmem>>, %arg10: memref<!tpu.dma_semaphore, #tpu.memory_space<semaphore_mem>>, %arg11: memref<!tpu.dma_semaphore, #tpu.memory_space<semaphore_mem>>, %arg12: memref<!tpu.dma_semaphore, #tpu.memory_space<semaphore_mem>>, %arg13: memref<!tpu.dma_semaphore, #tpu.memory_space<semaphore_mem>>, %arg14: memref<!tpu.dma_semaphore, #tpu.memory_space<semaphore_mem>>, %arg15: memref<!tpu.dma_semaphore, #tpu.memory_space<semaphore_mem>>, %arg16: memref<!tpu.dma_semaphore, #tpu.memory_space<semaphore_mem>>, %arg17: memref<!tpu.dma_semaphore, #tpu.memory_space<semaphore_mem>>, %arg18: memref<!tpu.dma_semaphore, #tpu.memory_space<semaphore_mem>>) attributes {dimension_semantics = [#tpu.dimension_semantics<core_parallel>, #tpu.dimension_semantics<subcore_parallel>], iteration_bounds = array<i64: 2, 16>, scalar_prefetch = 0 : i64, scratch_operands = 14 : i64, tpu.core_type = #tpu.core_type<sc_vector_subcore>, window_params = [{transform_indices = #map}, {transform_indices = #map1}, {transform_indices = #map2}]} {
    %mul3A = arith.constant 2 : i32
    %mul3A_0 = arith.muli %arg1, %mul3A : i32
    %add3A = arith.addi %mul3A_0, %arg0 : i32
    %mul3A_1 = arith.constant 512 : i32
    %mul3A_2 = arith.muli %add3A, %mul3A_1 : i32
    %add3A_3 = arith.constant 0 : i32
    %add3A_4 = arith.addi %add3A_3, %mul3A_2 : i32
    %dma_start3A = arith.constant 0 : i32
    %dma_start3A_5 = arith.constant 0 : i32
    %dma_start3A_6 = tpu.memref_slice %arg5[%dma_start3A, %dma_start3A_5] : memref<50x512xi32, #tpu.memory_space<vmem>> -> memref<1x512xi32, #tpu.memory_space<vmem>>
    %dma_start3A_7 = tpu.memref_squeeze %dma_start3A_6 : memref<1x512xi32, #tpu.memory_space<vmem>> -> memref<512xi32, #tpu.memory_space<vmem>>
    %dma_start3A_8 = tpu.memref_slice %arg3[%add3A_4] : memref<819200xi32, #tpu.memory_space<hbm>> -> memref<512xi32, #tpu.memory_space<hbm>>
    %dma_start3A_9 = arith.constant 0 : i32
    %dma_start3A_10 = tpu.memref_slice %arg5[%dma_start3A, %dma_start3A_9] : memref<50x512xi32, #tpu.memory_space<vmem>> -> memref<1x512xi32, #tpu.memory_space<vmem>>
    %dma_start3A_11 = tpu.memref_squeeze %dma_start3A_10 : memref<1x512xi32, #tpu.memory_space<vmem>> -> memref<512xi32, #tpu.memory_space<vmem>>
    %dma_start3A_12 = tpu.memref_slice %arg3[%add3A_4] : memref<819200xi32, #tpu.memory_space<hbm>> -> memref<512xi32, #tpu.memory_space<hbm>>
    tpu.enqueue_dma source(%dma_start3A_12 : memref<512xi32, #tpu.memory_space<hbm>>) target(%dma_start3A_11 : memref<512xi32, #tpu.memory_space<vmem>>) target_semaphore(%arg10 : memref<!tpu.dma_semaphore, #tpu.memory_space<semaphore_mem>>)
    %add3A_13 = arith.constant 16384 : i32
    %add3A_14 = arith.addi %add3A_13, %mul3A_2 : i32
    %dma_start3A_15 = arith.constant 1 : i32
    %dma_start3A_16 = arith.constant 0 : i32
    %dma_start3A_17 = tpu.memref_slice %arg5[%dma_start3A_15, %dma_start3A_16] : memref<50x512xi32, #tpu.memory_space<vmem>> -> memref<1x512xi32, #tpu.memory_space<vmem>>
    %dma_start3A_18 = tpu.memref_squeeze %dma_start3A_17 : memref<1x512xi32, #tpu.memory_space<vmem>> -> memref<512xi32, #tpu.memory_space<vmem>>
    %dma_start3A_19 = tpu.memref_slice %arg3[%add3A_14] : memref<819200xi32, #tpu.memory_space<hbm>> -> memref<512xi32, #tpu.memory_space<hbm>>
    %dma_start3A_20 = arith.constant 0 : i32
    %dma_start3A_21 = tpu.memref_slice %arg5[%dma_start3A_15, %dma_start3A_20] : memref<50x512xi32, #tpu.memory_space<vmem>> -> memref<1x512xi32, #tpu.memory_space<vmem>>
    %dma_start3A_22 = tpu.memref_squeeze %dma_start3A_21 : memref<1x512xi32, #tpu.memory_space<vmem>> -> memref<512xi32, #tpu.memory_space<vmem>>
    %dma_start3A_23 = tpu.memref_slice %arg3[%add3A_14] : memref<819200xi32, #tpu.memory_space<hbm>> -> memref<512xi32, #tpu.memory_space<hbm>>
    tpu.enqueue_dma source(%dma_start3A_23 : memref<512xi32, #tpu.memory_space<hbm>>) target(%dma_start3A_22 : memref<512xi32, #tpu.memory_space<vmem>>) target_semaphore(%arg10 : memref<!tpu.dma_semaphore, #tpu.memory_space<semaphore_mem>>)
    %add3A_24 = arith.constant 32768 : i32
    %add3A_25 = arith.addi %add3A_24, %mul3A_2 : i32
    %dma_start3A_26 = arith.constant 2 : i32
    %dma_start3A_27 = arith.constant 0 : i32
    %dma_start3A_28 = tpu.memref_slice %arg5[%dma_start3A_26, %dma_start3A_27] : memref<50x512xi32, #tpu.memory_space<vmem>> -> memref<1x512xi32, #tpu.memory_space<vmem>>
    %dma_start3A_29 = tpu.memref_squeeze %dma_start3A_28 : memref<1x512xi32, #tpu.memory_space<vmem>> -> memref<512xi32, #tpu.memory_space<vmem>>
    %dma_start3A_30 = tpu.memref_slice %arg3[%add3A_25] : memref<819200xi32, #tpu.memory_space<hbm>> -> memref<512xi32, #tpu.memory_space<hbm>>
    %dma_start3A_31 = arith.constant 0 : i32
    %dma_start3A_32 = tpu.memref_slice %arg5[%dma_start3A_26, %dma_start3A_31] : memref<50x512xi32, #tpu.memory_space<vmem>> -> memref<1x512xi32, #tpu.memory_space<vmem>>
    %dma_start3A_33 = tpu.memref_squeeze %dma_start3A_32 : memref<1x512xi32, #tpu.memory_space<vmem>> -> memref<512xi32, #tpu.memory_space<vmem>>
    %dma_start3A_34 = tpu.memref_slice %arg3[%add3A_25] : memref<819200xi32, #tpu.memory_space<hbm>> -> memref<512xi32, #tpu.memory_space<hbm>>
    tpu.enqueue_dma source(%dma_start3A_34 : memref<512xi32, #tpu.memory_space<hbm>>) target(%dma_start3A_33 : memref<512xi32, #tpu.memory_space<vmem>>) target_semaphore(%arg10 : memref<!tpu.dma_semaphore, #tpu.memory_space<semaphore_mem>>)
    %add3A_35 = arith.constant 49152 : i32
    %add3A_36 = arith.addi %add3A_35, %mul3A_2 : i32
    %dma_start3A_37 = arith.constant 3 : i32
    %dma_start3A_38 = arith.constant 0 : i32
    %dma_start3A_39 = tpu.memref_slice %arg5[%dma_start3A_37, %dma_start3A_38] : memref<50x512xi32, #tpu.memory_space<vmem>> -> memref<1x512xi32, #tpu.memory_space<vmem>>
    %dma_start3A_40 = tpu.memref_squeeze %dma_start3A_39 : memref<1x512xi32, #tpu.memory_space<vmem>> -> memref<512xi32, #tpu.memory_space<vmem>>
    %dma_start3A_41 = tpu.memref_slice %arg3[%add3A_36] : memref<819200xi32, #tpu.memory_space<hbm>> -> memref<512xi32, #tpu.memory_space<hbm>>
    %dma_start3A_42 = arith.constant 0 : i32
    %dma_start3A_43 = tpu.memref_slice %arg5[%dma_start3A_37, %dma_start3A_42] : memref<50x512xi32, #tpu.memory_space<vmem>> -> memref<1x512xi32, #tpu.memory_space<vmem>>
    %dma_start3A_44 = tpu.memref_squeeze %dma_start3A_43 : memref<1x512xi32, #tpu.memory_space<vmem>> -> memref<512xi32, #tpu.memory_space<vmem>>
    %dma_start3A_45 = tpu.memref_slice %arg3[%add3A_36] : memref<819200xi32, #tpu.memory_space<hbm>> -> memref<512xi32, #tpu.memory_space<hbm>>
    tpu.enqueue_dma source(%dma_start3A_45 : memref<512xi32, #tpu.memory_space<hbm>>) target(%dma_start3A_44 : memref<512xi32, #tpu.memory_space<vmem>>) target_semaphore(%arg10 : memref<!tpu.dma_semaphore, #tpu.memory_space<semaphore_mem>>)
    %add3A_46 = arith.constant 65536 : i32
    %add3A_47 = arith.addi %add3A_46, %mul3A_2 : i32
    %dma_start3A_48 = arith.constant 4 : i32
    %dma_start3A_49 = arith.constant 0 : i32
    %dma_start3A_50 = tpu.memref_slice %arg5[%dma_start3A_48, %dma_start3A_49] : memref<50x512xi32, #tpu.memory_space<vmem>> -> memref<1x512xi32, #tpu.memory_space<vmem>>
    %dma_start3A_51 = tpu.memref_squeeze %dma_start3A_50 : memref<1x512xi32, #tpu.memory_space<vmem>> -> memref<512xi32, #tpu.memory_space<vmem>>
    %dma_start3A_52 = tpu.memref_slice %arg3[%add3A_47] : memref<819200xi32, #tpu.memory_space<hbm>> -> memref<512xi32, #tpu.memory_space<hbm>>
    %dma_start3A_53 = arith.constant 0 : i32
    %dma_start3A_54 = tpu.memref_slice %arg5[%dma_start3A_48, %dma_start3A_53] : memref<50x512xi32, #tpu.memory_space<vmem>> -> memref<1x512xi32, #tpu.memory_space<vmem>>
    %dma_start3A_55 = tpu.memref_squeeze %dma_start3A_54 : memref<1x512xi32, #tpu.memory_space<vmem>> -> memref<512xi32, #tpu.memory_space<vmem>>
    %dma_start3A_56 = tpu.memref_slice %arg3[%add3A_47] : memref<819200xi32, #tpu.memory_space<hbm>> -> memref<512xi32, #tpu.memory_space<hbm>>
    tpu.enqueue_dma source(%dma_start3A_56 : memref<512xi32, #tpu.memory_space<hbm>>) target(%dma_start3A_55 : memref<512xi32, #tpu.memory_space<vmem>>) target_semaphore(%arg10 : memref<!tpu.dma_semaphore, #tpu.memory_space<semaphore_mem>>)
    %add3A_57 = arith.constant 81920 : i32
    %add3A_58 = arith.addi %add3A_57, %mul3A_2 : i32
    %dma_start3A_59 = arith.constant 5 : i32
    %dma_start3A_60 = arith.constant 0 : i32
    %dma_start3A_61 = tpu.memref_slice %arg5[%dma_start3A_59, %dma_start3A_60] : memref<50x512xi32, #tpu.memory_space<vmem>> -> memref<1x512xi32, #tpu.memory_space<vmem>>
    %dma_start3A_62 = tpu.memref_squeeze %dma_start3A_61 : memref<1x512xi32, #tpu.memory_space<vmem>> -> memref<512xi32, #tpu.memory_space<vmem>>
    %dma_start3A_63 = tpu.memref_slice %arg3[%add3A_58] : memref<819200xi32, #tpu.memory_space<hbm>> -> memref<512xi32, #tpu.memory_space<hbm>>
    %dma_start3A_64 = arith.constant 0 : i32
    %dma_start3A_65 = tpu.memref_slice %arg5[%dma_start3A_59, %dma_start3A_64] : memref<50x512xi32, #tpu.memory_space<vmem>> -> memref<1x512xi32, #tpu.memory_space<vmem>>
    %dma_start3A_66 = tpu.memref_squeeze %dma_start3A_65 : memref<1x512xi32, #tpu.memory_space<vmem>> -> memref<512xi32, #tpu.memory_space<vmem>>
    %dma_start3A_67 = tpu.memref_slice %arg3[%add3A_58] : memref<819200xi32, #tpu.memory_space<hbm>> -> memref<512xi32, #tpu.memory_space<hbm>>
    tpu.enqueue_dma source(%dma_start3A_67 : memref<512xi32, #tpu.memory_space<hbm>>) target(%dma_start3A_66 : memref<512xi32, #tpu.memory_space<vmem>>) target_semaphore(%arg10 : memref<!tpu.dma_semaphore, #tpu.memory_space<semaphore_mem>>)
    %add3A_68 = arith.constant 98304 : i32
    %add3A_69 = arith.addi %add3A_68, %mul3A_2 : i32
    %dma_start3A_70 = arith.constant 6 : i32
    %dma_start3A_71 = arith.constant 0 : i32
    %dma_start3A_72 = tpu.memref_slice %arg5[%dma_start3A_70, %dma_start3A_71] : memref<50x512xi32, #tpu.memory_space<vmem>> -> memref<1x512xi32, #tpu.memory_space<vmem>>
    %dma_start3A_73 = tpu.memref_squeeze %dma_start3A_72 : memref<1x512xi32, #tpu.memory_space<vmem>> -> memref<512xi32, #tpu.memory_space<vmem>>
    %dma_start3A_74 = tpu.memref_slice %arg3[%add3A_69] : memref<819200xi32, #tpu.memory_space<hbm>> -> memref<512xi32, #tpu.memory_space<hbm>>
    %dma_start3A_75 = arith.constant 0 : i32
    %dma_start3A_76 = tpu.memref_slice %arg5[%dma_start3A_70, %dma_start3A_75] : memref<50x512xi32, #tpu.memory_space<vmem>> -> memref<1x512xi32, #tpu.memory_space<vmem>>
    %dma_start3A_77 = tpu.memref_squeeze %dma_start3A_76 : memref<1x512xi32, #tpu.memory_space<vmem>> -> memref<512xi32, #tpu.memory_space<vmem>>
    %dma_start3A_78 = tpu.memref_slice %arg3[%add3A_69] : memref<819200xi32, #tpu.memory_space<hbm>> -> memref<512xi32, #tpu.memory_space<hbm>>
    tpu.enqueue_dma source(%dma_start3A_78 : memref<512xi32, #tpu.memory_space<hbm>>) target(%dma_start3A_77 : memref<512xi32, #tpu.memory_space<vmem>>) target_semaphore(%arg10 : memref<!tpu.dma_semaphore, #tpu.memory_space<semaphore_mem>>)
    %add3A_79 = arith.constant 114688 : i32
    %add3A_80 = arith.addi %add3A_79, %mul3A_2 : i32
    %dma_start3A_81 = arith.constant 7 : i32
    %dma_start3A_82 = arith.constant 0 : i32
    %dma_start3A_83 = tpu.memref_slice %arg5[%dma_start3A_81, %dma_start3A_82] : memref<50x512xi32, #tpu.memory_space<vmem>> -> memref<1x512xi32, #tpu.memory_space<vmem>>
    %dma_start3A_84 = tpu.memref_squeeze %dma_start3A_83 : memref<1x512xi32, #tpu.memory_space<vmem>> -> memref<512xi32, #tpu.memory_space<vmem>>
    %dma_start3A_85 = tpu.memref_slice %arg3[%add3A_80] : memref<819200xi32, #tpu.memory_space<hbm>> -> memref<512xi32, #tpu.memory_space<hbm>>
    %dma_start3A_86 = arith.constant 0 : i32
    %dma_start3A_87 = tpu.memref_slice %arg5[%dma_start3A_81, %dma_start3A_86] : memref<50x512xi32, #tpu.memory_space<vmem>> -> memref<1x512xi32, #tpu.memory_space<vmem>>
    %dma_start3A_88 = tpu.memref_squeeze %dma_start3A_87 : memref<1x512xi32, #tpu.memory_space<vmem>> -> memref<512xi32, #tpu.memory_space<vmem>>
    %dma_start3A_89 = tpu.memref_slice %arg3[%add3A_80] : memref<819200xi32, #tpu.memory_space<hbm>> -> memref<512xi32, #tpu.memory_space<hbm>>
    tpu.enqueue_dma source(%dma_start3A_89 : memref<512xi32, #tpu.memory_space<hbm>>) target(%dma_start3A_88 : memref<512xi32, #tpu.memory_space<vmem>>) target_semaphore(%arg10 : memref<!tpu.dma_semaphore, #tpu.memory_space<semaphore_mem>>)
    %add3A_90 = arith.constant 131072 : i32
    %add3A_91 = arith.addi %add3A_90, %mul3A_2 : i32
    %dma_start3A_92 = arith.constant 8 : i32
    %dma_start3A_93 = arith.constant 0 : i32
    %dma_start3A_94 = tpu.memref_slice %arg5[%dma_start3A_92, %dma_start3A_93] : memref<50x512xi32, #tpu.memory_space<vmem>> -> memref<1x512xi32, #tpu.memory_space<vmem>>
    %dma_start3A_95 = tpu.memref_squeeze %dma_start3A_94 : memref<1x512xi32, #tpu.memory_space<vmem>> -> memref<512xi32, #tpu.memory_space<vmem>>
    %dma_start3A_96 = tpu.memref_slice %arg3[%add3A_91] : memref<819200xi32, #tpu.memory_space<hbm>> -> memref<512xi32, #tpu.memory_space<hbm>>
    %dma_start3A_97 = arith.constant 0 : i32
    %dma_start3A_98 = tpu.memref_slice %arg5[%dma_start3A_92, %dma_start3A_97] : memref<50x512xi32, #tpu.memory_space<vmem>> -> memref<1x512xi32, #tpu.memory_space<vmem>>
    %dma_start3A_99 = tpu.memref_squeeze %dma_start3A_98 : memref<1x512xi32, #tpu.memory_space<vmem>> -> memref<512xi32, #tpu.memory_space<vmem>>
    %dma_start3A_100 = tpu.memref_slice %arg3[%add3A_91] : memref<819200xi32, #tpu.memory_space<hbm>> -> memref<512xi32, #tpu.memory_space<hbm>>
    tpu.enqueue_dma source(%dma_start3A_100 : memref<512xi32, #tpu.memory_space<hbm>>) target(%dma_start3A_99 : memref<512xi32, #tpu.memory_space<vmem>>) target_semaphore(%arg10 : memref<!tpu.dma_semaphore, #tpu.memory_space<semaphore_mem>>)
    %add3A_101 = arith.constant 147456 : i32
    %add3A_102 = arith.addi %add3A_101, %mul3A_2 : i32
    %dma_start3A_103 = arith.constant 9 : i32
    %dma_start3A_104 = arith.constant 0 : i32
    %dma_start3A_105 = tpu.memref_slice %arg5[%dma_start3A_103, %dma_start3A_104] : memref<50x512xi32, #tpu.memory_space<vmem>> -> memref<1x512xi32, #tpu.memory_space<vmem>>
    %dma_start3A_106 = tpu.memref_squeeze %dma_start3A_105 : memref<1x512xi32, #tpu.memory_space<vmem>> -> memref<512xi32, #tpu.memory_space<vmem>>
    %dma_start3A_107 = tpu.memref_slice %arg3[%add3A_102] : memref<819200xi32, #tpu.memory_space<hbm>> -> memref<512xi32, #tpu.memory_space<hbm>>
    %dma_start3A_108 = arith.constant 0 : i32
    %dma_start3A_109 = tpu.memref_slice %arg5[%dma_start3A_103, %dma_start3A_108] : memref<50x512xi32, #tpu.memory_space<vmem>> -> memref<1x512xi32, #tpu.memory_space<vmem>>
    %dma_start3A_110 = tpu.memref_squeeze %dma_start3A_109 : memref<1x512xi32, #tpu.memory_space<vmem>> -> memref<512xi32, #tpu.memory_space<vmem>>
    %dma_start3A_111 = tpu.memref_slice %arg3[%add3A_102] : memref<819200xi32, #tpu.memory_space<hbm>> -> memref<512xi32, #tpu.memory_space<hbm>>
    tpu.enqueue_dma source(%dma_start3A_111 : memref<512xi32, #tpu.memory_space<hbm>>) target(%dma_start3A_110 : memref<512xi32, #tpu.memory_space<vmem>>) target_semaphore(%arg10 : memref<!tpu.dma_semaphore, #tpu.memory_space<semaphore_mem>>)
    %add3A_112 = arith.constant 163840 : i32
    %add3A_113 = arith.addi %add3A_112, %mul3A_2 : i32
    %dma_start3A_114 = arith.constant 10 : i32
    %dma_start3A_115 = arith.constant 0 : i32
    %dma_start3A_116 = tpu.memref_slice %arg5[%dma_start3A_114, %dma_start3A_115] : memref<50x512xi32, #tpu.memory_space<vmem>> -> memref<1x512xi32, #tpu.memory_space<vmem>>
    %dma_start3A_117 = tpu.memref_squeeze %dma_start3A_116 : memref<1x512xi32, #tpu.memory_space<vmem>> -> memref<512xi32, #tpu.memory_space<vmem>>
    %dma_start3A_118 = tpu.memref_slice %arg3[%add3A_113] : memref<819200xi32, #tpu.memory_space<hbm>> -> memref<512xi32, #tpu.memory_space<hbm>>
    %dma_start3A_119 = arith.constant 0 : i32
    %dma_start3A_120 = tpu.memref_slice %arg5[%dma_start3A_114, %dma_start3A_119] : memref<50x512xi32, #tpu.memory_space<vmem>> -> memref<1x512xi32, #tpu.memory_space<vmem>>
    %dma_start3A_121 = tpu.memref_squeeze %dma_start3A_120 : memref<1x512xi32, #tpu.memory_space<vmem>> -> memref<512xi32, #tpu.memory_space<vmem>>
    %dma_start3A_122 = tpu.memref_slice %arg3[%add3A_113] : memref<819200xi32, #tpu.memory_space<hbm>> -> memref<512xi32, #tpu.memory_space<hbm>>
    tpu.enqueue_dma source(%dma_start3A_122 : memref<512xi32, #tpu.memory_space<hbm>>) target(%dma_start3A_121 : memref<512xi32, #tpu.memory_space<vmem>>) target_semaphore(%arg10 : memref<!tpu.dma_semaphore, #tpu.memory_space<semaphore_mem>>)
    %add3A_123 = arith.constant 180224 : i32
    %add3A_124 = arith.addi %add3A_123, %mul3A_2 : i32
    %dma_start3A_125 = arith.constant 11 : i32
    %dma_start3A_126 = arith.constant 0 : i32
    %dma_start3A_127 = tpu.memref_slice %arg5[%dma_start3A_125, %dma_start3A_126] : memref<50x512xi32, #tpu.memory_space<vmem>> -> memref<1x512xi32, #tpu.memory_space<vmem>>
    %dma_start3A_128 = tpu.memref_squeeze %dma_start3A_127 : memref<1x512xi32, #tpu.memory_space<vmem>> -> memref<512xi32, #tpu.memory_space<vmem>>
    %dma_start3A_129 = tpu.memref_slice %arg3[%add3A_124] : memref<819200xi32, #tpu.memory_space<hbm>> -> memref<512xi32, #tpu.memory_space<hbm>>
    %dma_start3A_130 = arith.constant 0 : i32
    %dma_start3A_131 = tpu.memref_slice %arg5[%dma_start3A_125, %dma_start3A_130] : memref<50x512xi32, #tpu.memory_space<vmem>> -> memref<1x512xi32, #tpu.memory_space<vmem>>
    %dma_start3A_132 = tpu.memref_squeeze %dma_start3A_131 : memref<1x512xi32, #tpu.memory_space<vmem>> -> memref<512xi32, #tpu.memory_space<vmem>>
    %dma_start3A_133 = tpu.memref_slice %arg3[%add3A_124] : memref<819200xi32, #tpu.memory_space<hbm>> -> memref<512xi32, #tpu.memory_space<hbm>>
    tpu.enqueue_dma source(%dma_start3A_133 : memref<512xi32, #tpu.memory_space<hbm>>) target(%dma_start3A_132 : memref<512xi32, #tpu.memory_space<vmem>>) target_semaphore(%arg10 : memref<!tpu.dma_semaphore, #tpu.memory_space<semaphore_mem>>)
    %add3A_134 = arith.constant 196608 : i32
    %add3A_135 = arith.addi %add3A_134, %mul3A_2 : i32
    %dma_start3A_136 = arith.constant 12 : i32
    %dma_start3A_137 = arith.constant 0 : i32
    %dma_start3A_138 = tpu.memref_slice %arg5[%dma_start3A_136, %dma_start3A_137] : memref<50x512xi32, #tpu.memory_space<vmem>> -> memref<1x512xi32, #tpu.memory_space<vmem>>
    %dma_start3A_139 = tpu.memref_squeeze %dma_start3A_138 : memref<1x512xi32, #tpu.memory_space<vmem>> -> memref<512xi32, #tpu.memory_space<vmem>>
    %dma_start3A_140 = tpu.memref_slice %arg3[%add3A_135] : memref<819200xi32, #tpu.memory_space<hbm>> -> memref<512xi32, #tpu.memory_space<hbm>>
    %dma_start3A_141 = arith.constant 0 : i32
    %dma_start3A_142 = tpu.memref_slice %arg5[%dma_start3A_136, %dma_start3A_141] : memref<50x512xi32, #tpu.memory_space<vmem>> -> memref<1x512xi32, #tpu.memory_space<vmem>>
    %dma_start3A_143 = tpu.memref_squeeze %dma_start3A_142 : memref<1x512xi32, #tpu.memory_space<vmem>> -> memref<512xi32, #tpu.memory_space<vmem>>
    %dma_start3A_144 = tpu.memref_slice %arg3[%add3A_135] : memref<819200xi32, #tpu.memory_space<hbm>> -> memref<512xi32, #tpu.memory_space<hbm>>
    tpu.enqueue_dma source(%dma_start3A_144 : memref<512xi32, #tpu.memory_space<hbm>>) target(%dma_start3A_143 : memref<512xi32, #tpu.memory_space<vmem>>) target_semaphore(%arg10 : memref<!tpu.dma_semaphore, #tpu.memory_space<semaphore_mem>>)
    %add3A_145 = arith.constant 212992 : i32
    %add3A_146 = arith.addi %add3A_145, %mul3A_2 : i32
    %dma_start3A_147 = arith.constant 13 : i32
    %dma_start3A_148 = arith.constant 0 : i32
    %dma_start3A_149 = tpu.memref_slice %arg5[%dma_start3A_147, %dma_start3A_148] : memref<50x512xi32, #tpu.memory_space<vmem>> -> memref<1x512xi32, #tpu.memory_space<vmem>>
    %dma_start3A_150 = tpu.memref_squeeze %dma_start3A_149 : memref<1x512xi32, #tpu.memory_space<vmem>> -> memref<512xi32, #tpu.memory_space<vmem>>
    %dma_start3A_151 = tpu.memref_slice %arg3[%add3A_146] : memref<819200xi32, #tpu.memory_space<hbm>> -> memref<512xi32, #tpu.memory_space<hbm>>
    %dma_start3A_152 = arith.constant 0 : i32
    %dma_start3A_153 = tpu.memref_slice %arg5[%dma_start3A_147, %dma_start3A_152] : memref<50x512xi32, #tpu.memory_space<vmem>> -> memref<1x512xi32, #tpu.memory_space<vmem>>
    %dma_start3A_154 = tpu.memref_squeeze %dma_start3A_153 : memref<1x512xi32, #tpu.memory_space<vmem>> -> memref<512xi32, #tpu.memory_space<vmem>>
    %dma_start3A_155 = tpu.memref_slice %arg3[%add3A_146] : memref<819200xi32, #tpu.memory_space<hbm>> -> memref<512xi32, #tpu.memory_space<hbm>>
    tpu.enqueue_dma source(%dma_start3A_155 : memref<512xi32, #tpu.memory_space<hbm>>) target(%dma_start3A_154 : memref<512xi32, #tpu.memory_space<vmem>>) target_semaphore(%arg10 : memref<!tpu.dma_semaphore, #tpu.memory_space<semaphore_mem>>)
    %add3A_156 = arith.constant 229376 : i32
    %add3A_157 = arith.addi %add3A_156, %mul3A_2 : i32
    %dma_start3A_158 = arith.constant 14 : i32
    %dma_start3A_159 = arith.constant 0 : i32
    %dma_start3A_160 = tpu.memref_slice %arg5[%dma_start3A_158, %dma_start3A_159] : memref<50x512xi32, #tpu.memory_space<vmem>> -> memref<1x512xi32, #tpu.memory_space<vmem>>
    %dma_start3A_161 = tpu.memref_squeeze %dma_start3A_160 : memref<1x512xi32, #tpu.memory_space<vmem>> -> memref<512xi32, #tpu.memory_space<vmem>>
    %dma_start3A_162 = tpu.memref_slice %arg3[%add3A_157] : memref<819200xi32, #tpu.memory_space<hbm>> -> memref<512xi32, #tpu.memory_space<hbm>>
    %dma_start3A_163 = arith.constant 0 : i32
    %dma_start3A_164 = tpu.memref_slice %arg5[%dma_start3A_158, %dma_start3A_163] : memref<50x512xi32, #tpu.memory_space<vmem>> -> memref<1x512xi32, #tpu.memory_space<vmem>>
    %dma_start3A_165 = tpu.memref_squeeze %dma_start3A_164 : memref<1x512xi32, #tpu.memory_space<vmem>> -> memref<512xi32, #tpu.memory_space<vmem>>
    %dma_start3A_166 = tpu.memref_slice %arg3[%add3A_157] : memref<819200xi32, #tpu.memory_space<hbm>> -> memref<512xi32, #tpu.memory_space<hbm>>
    tpu.enqueue_dma source(%dma_start3A_166 : memref<512xi32, #tpu.memory_space<hbm>>) target(%dma_start3A_165 : memref<512xi32, #tpu.memory_space<vmem>>) target_semaphore(%arg10 : memref<!tpu.dma_semaphore, #tpu.memory_space<semaphore_mem>>)
    %add3A_167 = arith.constant 245760 : i32
    %add3A_168 = arith.addi %add3A_167, %mul3A_2 : i32
    %dma_start3A_169 = arith.constant 15 : i32
    %dma_start3A_170 = arith.constant 0 : i32
    %dma_start3A_171 = tpu.memref_slice %arg5[%dma_start3A_169, %dma_start3A_170] : memref<50x512xi32, #tpu.memory_space<vmem>> -> memref<1x512xi32, #tpu.memory_space<vmem>>
    %dma_start3A_172 = tpu.memref_squeeze %dma_start3A_171 : memref<1x512xi32, #tpu.memory_space<vmem>> -> memref<512xi32, #tpu.memory_space<vmem>>
    %dma_start3A_173 = tpu.memref_slice %arg3[%add3A_168] : memref<819200xi32, #tpu.memory_space<hbm>> -> memref<512xi32, #tpu.memory_space<hbm>>
    %dma_start3A_174 = arith.constant 0 : i32
    %dma_start3A_175 = tpu.memref_slice %arg5[%dma_start3A_169, %dma_start3A_174] : memref<50x512xi32, #tpu.memory_space<vmem>> -> memref<1x512xi32, #tpu.memory_space<vmem>>
    %dma_start3A_176 = tpu.memref_squeeze %dma_start3A_175 : memref<1x512xi32, #tpu.memory_space<vmem>> -> memref<512xi32, #tpu.memory_space<vmem>>
    %dma_start3A_177 = tpu.memref_slice %arg3[%add3A_168] : memref<819200xi32, #tpu.memory_space<hbm>> -> memref<512xi32, #tpu.memory_space<hbm>>
    tpu.enqueue_dma source(%dma_start3A_177 : memref<512xi32, #tpu.memory_space<hbm>>) target(%dma_start3A_176 : memref<512xi32, #tpu.memory_space<vmem>>) target_semaphore(%arg10 : memref<!tpu.dma_semaphore, #tpu.memory_space<semaphore_mem>>)
    %add3A_178 = arith.constant 262144 : i32
    %add3A_179 = arith.addi %add3A_178, %mul3A_2 : i32
    %dma_start3A_180 = arith.constant 16 : i32
    %dma_start3A_181 = arith.constant 0 : i32
    %dma_start3A_182 = tpu.memref_slice %arg5[%dma_start3A_180, %dma_start3A_181] : memref<50x512xi32, #tpu.memory_space<vmem>> -> memref<1x512xi32, #tpu.memory_space<vmem>>
    %dma_start3A_183 = tpu.memref_squeeze %dma_start3A_182 : memref<1x512xi32, #tpu.memory_space<vmem>> -> memref<512xi32, #tpu.memory_space<vmem>>
    %dma_start3A_184 = tpu.memref_slice %arg3[%add3A_179] : memref<819200xi32, #tpu.memory_space<hbm>> -> memref<512xi32, #tpu.memory_space<hbm>>
    %dma_start3A_185 = arith.constant 0 : i32
    %dma_start3A_186 = tpu.memref_slice %arg5[%dma_start3A_180, %dma_start3A_185] : memref<50x512xi32, #tpu.memory_space<vmem>> -> memref<1x512xi32, #tpu.memory_space<vmem>>
    %dma_start3A_187 = tpu.memref_squeeze %dma_start3A_186 : memref<1x512xi32, #tpu.memory_space<vmem>> -> memref<512xi32, #tpu.memory_space<vmem>>
    %dma_start3A_188 = tpu.memref_slice %arg3[%add3A_179] : memref<819200xi32, #tpu.memory_space<hbm>> -> memref<512xi32, #tpu.memory_space<hbm>>
    tpu.enqueue_dma source(%dma_start3A_188 : memref<512xi32, #tpu.memory_space<hbm>>) target(%dma_start3A_187 : memref<512xi32, #tpu.memory_space<vmem>>) target_semaphore(%arg10 : memref<!tpu.dma_semaphore, #tpu.memory_space<semaphore_mem>>)
    %add3A_189 = arith.constant 278528 : i32
    %add3A_190 = arith.addi %add3A_189, %mul3A_2 : i32
    %dma_start3A_191 = arith.constant 17 : i32
    %dma_start3A_192 = arith.constant 0 : i32
    %dma_start3A_193 = tpu.memref_slice %arg5[%dma_start3A_191, %dma_start3A_192] : memref<50x512xi32, #tpu.memory_space<vmem>> -> memref<1x512xi32, #tpu.memory_space<vmem>>
    %dma_start3A_194 = tpu.memref_squeeze %dma_start3A_193 : memref<1x512xi32, #tpu.memory_space<vmem>> -> memref<512xi32, #tpu.memory_space<vmem>>
    %dma_start3A_195 = tpu.memref_slice %arg3[%add3A_190] : memref<819200xi32, #tpu.memory_space<hbm>> -> memref<512xi32, #tpu.memory_space<hbm>>
    %dma_start3A_196 = arith.constant 0 : i32
    %dma_start3A_197 = tpu.memref_slice %arg5[%dma_start3A_191, %dma_start3A_196] : memref<50x512xi32, #tpu.memory_space<vmem>> -> memref<1x512xi32, #tpu.memory_space<vmem>>
    %dma_start3A_198 = tpu.memref_squeeze %dma_start3A_197 : memref<1x512xi32, #tpu.memory_space<vmem>> -> memref<512xi32, #tpu.memory_space<vmem>>
    %dma_start3A_199 = tpu.memref_slice %arg3[%add3A_190] : memref<819200xi32, #tpu.memory_space<hbm>> -> memref<512xi32, #tpu.memory_space<hbm>>
    tpu.enqueue_dma source(%dma_start3A_199 : memref<512xi32, #tpu.memory_space<hbm>>) target(%dma_start3A_198 : memref<512xi32, #tpu.memory_space<vmem>>) target_semaphore(%arg10 : memref<!tpu.dma_semaphore, #tpu.memory_space<semaphore_mem>>)
    %add3A_200 = arith.constant 294912 : i32
    %add3A_201 = arith.addi %add3A_200, %mul3A_2 : i32
    %dma_start3A_202 = arith.constant 18 : i32
    %dma_start3A_203 = arith.constant 0 : i32
    %dma_start3A_204 = tpu.memref_slice %arg5[%dma_start3A_202, %dma_start3A_203] : memref<50x512xi32, #tpu.memory_space<vmem>> -> memref<1x512xi32, #tpu.memory_space<vmem>>
    %dma_start3A_205 = tpu.memref_squeeze %dma_start3A_204 : memref<1x512xi32, #tpu.memory_space<vmem>> -> memref<512xi32, #tpu.memory_space<vmem>>
    %dma_start3A_206 = tpu.memref_slice %arg3[%add3A_201] : memref<819200xi32, #tpu.memory_space<hbm>> -> memref<512xi32, #tpu.memory_space<hbm>>
    %dma_start3A_207 = arith.constant 0 : i32
    %dma_start3A_208 = tpu.memref_slice %arg5[%dma_start3A_202, %dma_start3A_207] : memref<50x512xi32, #tpu.memory_space<vmem>> -> memref<1x512xi32, #tpu.memory_space<vmem>>
    %dma_start3A_209 = tpu.memref_squeeze %dma_start3A_208 : memref<1x512xi32, #tpu.memory_space<vmem>> -> memref<512xi32, #tpu.memory_space<vmem>>
    %dma_start3A_210 = tpu.memref_slice %arg3[%add3A_201] : memref<819200xi32, #tpu.memory_space<hbm>> -> memref<512xi32, #tpu.memory_space<hbm>>
    tpu.enqueue_dma source(%dma_start3A_210 : memref<512xi32, #tpu.memory_space<hbm>>) target(%dma_start3A_209 : memref<512xi32, #tpu.memory_space<vmem>>) target_semaphore(%arg10 : memref<!tpu.dma_semaphore, #tpu.memory_space<semaphore_mem>>)
    %add3A_211 = arith.constant 311296 : i32
    %add3A_212 = arith.addi %add3A_211, %mul3A_2 : i32
    %dma_start3A_213 = arith.constant 19 : i32
    %dma_start3A_214 = arith.constant 0 : i32
    %dma_start3A_215 = tpu.memref_slice %arg5[%dma_start3A_213, %dma_start3A_214] : memref<50x512xi32, #tpu.memory_space<vmem>> -> memref<1x512xi32, #tpu.memory_space<vmem>>
    %dma_start3A_216 = tpu.memref_squeeze %dma_start3A_215 : memref<1x512xi32, #tpu.memory_space<vmem>> -> memref<512xi32, #tpu.memory_space<vmem>>
    %dma_start3A_217 = tpu.memref_slice %arg3[%add3A_212] : memref<819200xi32, #tpu.memory_space<hbm>> -> memref<512xi32, #tpu.memory_space<hbm>>
    %dma_start3A_218 = arith.constant 0 : i32
    %dma_start3A_219 = tpu.memref_slice %arg5[%dma_start3A_213, %dma_start3A_218] : memref<50x512xi32, #tpu.memory_space<vmem>> -> memref<1x512xi32, #tpu.memory_space<vmem>>
    %dma_start3A_220 = tpu.memref_squeeze %dma_start3A_219 : memref<1x512xi32, #tpu.memory_space<vmem>> -> memref<512xi32, #tpu.memory_space<vmem>>
    %dma_start3A_221 = tpu.memref_slice %arg3[%add3A_212] : memref<819200xi32, #tpu.memory_space<hbm>> -> memref<512xi32, #tpu.memory_space<hbm>>
    tpu.enqueue_dma source(%dma_start3A_221 : memref<512xi32, #tpu.memory_space<hbm>>) target(%dma_start3A_220 : memref<512xi32, #tpu.memory_space<vmem>>) target_semaphore(%arg10 : memref<!tpu.dma_semaphore, #tpu.memory_space<semaphore_mem>>)
    %add3A_222 = arith.constant 327680 : i32
    %add3A_223 = arith.addi %add3A_222, %mul3A_2 : i32
    %dma_start3A_224 = arith.constant 20 : i32
    %dma_start3A_225 = arith.constant 0 : i32
    %dma_start3A_226 = tpu.memref_slice %arg5[%dma_start3A_224, %dma_start3A_225] : memref<50x512xi32, #tpu.memory_space<vmem>> -> memref<1x512xi32, #tpu.memory_space<vmem>>
    %dma_start3A_227 = tpu.memref_squeeze %dma_start3A_226 : memref<1x512xi32, #tpu.memory_space<vmem>> -> memref<512xi32, #tpu.memory_space<vmem>>
    %dma_start3A_228 = tpu.memref_slice %arg3[%add3A_223] : memref<819200xi32, #tpu.memory_space<hbm>> -> memref<512xi32, #tpu.memory_space<hbm>>
    %dma_start3A_229 = arith.constant 0 : i32
    %dma_start3A_230 = tpu.memref_slice %arg5[%dma_start3A_224, %dma_start3A_229] : memref<50x512xi32, #tpu.memory_space<vmem>> -> memref<1x512xi32, #tpu.memory_space<vmem>>
    %dma_start3A_231 = tpu.memref_squeeze %dma_start3A_230 : memref<1x512xi32, #tpu.memory_space<vmem>> -> memref<512xi32, #tpu.memory_space<vmem>>
    %dma_start3A_232 = tpu.memref_slice %arg3[%add3A_223] : memref<819200xi32, #tpu.memory_space<hbm>> -> memref<512xi32, #tpu.memory_space<hbm>>
    tpu.enqueue_dma source(%dma_start3A_232 : memref<512xi32, #tpu.memory_space<hbm>>) target(%dma_start3A_231 : memref<512xi32, #tpu.memory_space<vmem>>) target_semaphore(%arg10 : memref<!tpu.dma_semaphore, #tpu.memory_space<semaphore_mem>>)
    %add3A_233 = arith.constant 344064 : i32
    %add3A_234 = arith.addi %add3A_233, %mul3A_2 : i32
    %dma_start3A_235 = arith.constant 21 : i32
    %dma_start3A_236 = arith.constant 0 : i32
    %dma_start3A_237 = tpu.memref_slice %arg5[%dma_start3A_235, %dma_start3A_236] : memref<50x512xi32, #tpu.memory_space<vmem>> -> memref<1x512xi32, #tpu.memory_space<vmem>>
    %dma_start3A_238 = tpu.memref_squeeze %dma_start3A_237 : memref<1x512xi32, #tpu.memory_space<vmem>> -> memref<512xi32, #tpu.memory_space<vmem>>
    %dma_start3A_239 = tpu.memref_slice %arg3[%add3A_234] : memref<819200xi32, #tpu.memory_space<hbm>> -> memref<512xi32, #tpu.memory_space<hbm>>
    %dma_start3A_240 = arith.constant 0 : i32
    %dma_start3A_241 = tpu.memref_slice %arg5[%dma_start3A_235, %dma_start3A_240] : memref<50x512xi32, #tpu.memory_space<vmem>> -> memref<1x512xi32, #tpu.memory_space<vmem>>
    %dma_start3A_242 = tpu.memref_squeeze %dma_start3A_241 : memref<1x512xi32, #tpu.memory_space<vmem>> -> memref<512xi32, #tpu.memory_space<vmem>>
    %dma_start3A_243 = tpu.memref_slice %arg3[%add3A_234] : memref<819200xi32, #tpu.memory_space<hbm>> -> memref<512xi32, #tpu.memory_space<hbm>>
    tpu.enqueue_dma source(%dma_start3A_243 : memref<512xi32, #tpu.memory_space<hbm>>) target(%dma_start3A_242 : memref<512xi32, #tpu.memory_space<vmem>>) target_semaphore(%arg10 : memref<!tpu.dma_semaphore, #tpu.memory_space<semaphore_mem>>)
    %add3A_244 = arith.constant 360448 : i32
    %add3A_245 = arith.addi %add3A_244, %mul3A_2 : i32
    %dma_start3A_246 = arith.constant 22 : i32
    %dma_start3A_247 = arith.constant 0 : i32
    %dma_start3A_248 = tpu.memref_slice %arg5[%dma_start3A_246, %dma_start3A_247] : memref<50x512xi32, #tpu.memory_space<vmem>> -> memref<1x512xi32, #tpu.memory_space<vmem>>
    %dma_start3A_249 = tpu.memref_squeeze %dma_start3A_248 : memref<1x512xi32, #tpu.memory_space<vmem>> -> memref<512xi32, #tpu.memory_space<vmem>>
    %dma_start3A_250 = tpu.memref_slice %arg3[%add3A_245] : memref<819200xi32, #tpu.memory_space<hbm>> -> memref<512xi32, #tpu.memory_space<hbm>>
    %dma_start3A_251 = arith.constant 0 : i32
    %dma_start3A_252 = tpu.memref_slice %arg5[%dma_start3A_246, %dma_start3A_251] : memref<50x512xi32, #tpu.memory_space<vmem>> -> memref<1x512xi32, #tpu.memory_space<vmem>>
    %dma_start3A_253 = tpu.memref_squeeze %dma_start3A_252 : memref<1x512xi32, #tpu.memory_space<vmem>> -> memref<512xi32, #tpu.memory_space<vmem>>
    %dma_start3A_254 = tpu.memref_slice %arg3[%add3A_245] : memref<819200xi32, #tpu.memory_space<hbm>> -> memref<512xi32, #tpu.memory_space<hbm>>
    tpu.enqueue_dma source(%dma_start3A_254 : memref<512xi32, #tpu.memory_space<hbm>>) target(%dma_start3A_253 : memref<512xi32, #tpu.memory_space<vmem>>) target_semaphore(%arg10 : memref<!tpu.dma_semaphore, #tpu.memory_space<semaphore_mem>>)
    %add3A_255 = arith.constant 376832 : i32
    %add3A_256 = arith.addi %add3A_255, %mul3A_2 : i32
    %dma_start3A_257 = arith.constant 23 : i32
    %dma_start3A_258 = arith.constant 0 : i32
    %dma_start3A_259 = tpu.memref_slice %arg5[%dma_start3A_257, %dma_start3A_258] : memref<50x512xi32, #tpu.memory_space<vmem>> -> memref<1x512xi32, #tpu.memory_space<vmem>>
    %dma_start3A_260 = tpu.memref_squeeze %dma_start3A_259 : memref<1x512xi32, #tpu.memory_space<vmem>> -> memref<512xi32, #tpu.memory_space<vmem>>
    %dma_start3A_261 = tpu.memref_slice %arg3[%add3A_256] : memref<819200xi32, #tpu.memory_space<hbm>> -> memref<512xi32, #tpu.memory_space<hbm>>
    %dma_start3A_262 = arith.constant 0 : i32
    %dma_start3A_263 = tpu.memref_slice %arg5[%dma_start3A_257, %dma_start3A_262] : memref<50x512xi32, #tpu.memory_space<vmem>> -> memref<1x512xi32, #tpu.memory_space<vmem>>
    %dma_start3A_264 = tpu.memref_squeeze %dma_start3A_263 : memref<1x512xi32, #tpu.memory_space<vmem>> -> memref<512xi32, #tpu.memory_space<vmem>>
    %dma_start3A_265 = tpu.memref_slice %arg3[%add3A_256] : memref<819200xi32, #tpu.memory_space<hbm>> -> memref<512xi32, #tpu.memory_space<hbm>>
    tpu.enqueue_dma source(%dma_start3A_265 : memref<512xi32, #tpu.memory_space<hbm>>) target(%dma_start3A_264 : memref<512xi32, #tpu.memory_space<vmem>>) target_semaphore(%arg10 : memref<!tpu.dma_semaphore, #tpu.memory_space<semaphore_mem>>)
    %add3A_266 = arith.constant 393216 : i32
    %add3A_267 = arith.addi %add3A_266, %mul3A_2 : i32
    %dma_start3A_268 = arith.constant 24 : i32
    %dma_start3A_269 = arith.constant 0 : i32
    %dma_start3A_270 = tpu.memref_slice %arg5[%dma_start3A_268, %dma_start3A_269] : memref<50x512xi32, #tpu.memory_space<vmem>> -> memref<1x512xi32, #tpu.memory_space<vmem>>
    %dma_start3A_271 = tpu.memref_squeeze %dma_start3A_270 : memref<1x512xi32, #tpu.memory_space<vmem>> -> memref<512xi32, #tpu.memory_space<vmem>>
    %dma_start3A_272 = tpu.memref_slice %arg3[%add3A_267] : memref<819200xi32, #tpu.memory_space<hbm>> -> memref<512xi32, #tpu.memory_space<hbm>>
    %dma_start3A_273 = arith.constant 0 : i32
    %dma_start3A_274 = tpu.memref_slice %arg5[%dma_start3A_268, %dma_start3A_273] : memref<50x512xi32, #tpu.memory_space<vmem>> -> memref<1x512xi32, #tpu.memory_space<vmem>>
    %dma_start3A_275 = tpu.memref_squeeze %dma_start3A_274 : memref<1x512xi32, #tpu.memory_space<vmem>> -> memref<512xi32, #tpu.memory_space<vmem>>
    %dma_start3A_276 = tpu.memref_slice %arg3[%add3A_267] : memref<819200xi32, #tpu.memory_space<hbm>> -> memref<512xi32, #tpu.memory_space<hbm>>
    tpu.enqueue_dma source(%dma_start3A_276 : memref<512xi32, #tpu.memory_space<hbm>>) target(%dma_start3A_275 : memref<512xi32, #tpu.memory_space<vmem>>) target_semaphore(%arg10 : memref<!tpu.dma_semaphore, #tpu.memory_space<semaphore_mem>>)
    %add3A_277 = arith.constant 409600 : i32
    %add3A_278 = arith.addi %add3A_277, %mul3A_2 : i32
    %dma_start3A_279 = arith.constant 25 : i32
    %dma_start3A_280 = arith.constant 0 : i32
    %dma_start3A_281 = tpu.memref_slice %arg5[%dma_start3A_279, %dma_start3A_280] : memref<50x512xi32, #tpu.memory_space<vmem>> -> memref<1x512xi32, #tpu.memory_space<vmem>>
    %dma_start3A_282 = tpu.memref_squeeze %dma_start3A_281 : memref<1x512xi32, #tpu.memory_space<vmem>> -> memref<512xi32, #tpu.memory_space<vmem>>
    %dma_start3A_283 = tpu.memref_slice %arg3[%add3A_278] : memref<819200xi32, #tpu.memory_space<hbm>> -> memref<512xi32, #tpu.memory_space<hbm>>
    %dma_start3A_284 = arith.constant 0 : i32
    %dma_start3A_285 = tpu.memref_slice %arg5[%dma_start3A_279, %dma_start3A_284] : memref<50x512xi32, #tpu.memory_space<vmem>> -> memref<1x512xi32, #tpu.memory_space<vmem>>
    %dma_start3A_286 = tpu.memref_squeeze %dma_start3A_285 : memref<1x512xi32, #tpu.memory_space<vmem>> -> memref<512xi32, #tpu.memory_space<vmem>>
    %dma_start3A_287 = tpu.memref_slice %arg3[%add3A_278] : memref<819200xi32, #tpu.memory_space<hbm>> -> memref<512xi32, #tpu.memory_space<hbm>>
    tpu.enqueue_dma source(%dma_start3A_287 : memref<512xi32, #tpu.memory_space<hbm>>) target(%dma_start3A_286 : memref<512xi32, #tpu.memory_space<vmem>>) target_semaphore(%arg10 : memref<!tpu.dma_semaphore, #tpu.memory_space<semaphore_mem>>)
    %add3A_288 = arith.constant 425984 : i32
    %add3A_289 = arith.addi %add3A_288, %mul3A_2 : i32
    %dma_start3A_290 = arith.constant 26 : i32
    %dma_start3A_291 = arith.constant 0 : i32
    %dma_start3A_292 = tpu.memref_slice %arg5[%dma_start3A_290, %dma_start3A_291] : memref<50x512xi32, #tpu.memory_space<vmem>> -> memref<1x512xi32, #tpu.memory_space<vmem>>
    %dma_start3A_293 = tpu.memref_squeeze %dma_start3A_292 : memref<1x512xi32, #tpu.memory_space<vmem>> -> memref<512xi32, #tpu.memory_space<vmem>>
    %dma_start3A_294 = tpu.memref_slice %arg3[%add3A_289] : memref<819200xi32, #tpu.memory_space<hbm>> -> memref<512xi32, #tpu.memory_space<hbm>>
    %dma_start3A_295 = arith.constant 0 : i32
    %dma_start3A_296 = tpu.memref_slice %arg5[%dma_start3A_290, %dma_start3A_295] : memref<50x512xi32, #tpu.memory_space<vmem>> -> memref<1x512xi32, #tpu.memory_space<vmem>>
    %dma_start3A_297 = tpu.memref_squeeze %dma_start3A_296 : memref<1x512xi32, #tpu.memory_space<vmem>> -> memref<512xi32, #tpu.memory_space<vmem>>
    %dma_start3A_298 = tpu.memref_slice %arg3[%add3A_289] : memref<819200xi32, #tpu.memory_space<hbm>> -> memref<512xi32, #tpu.memory_space<hbm>>
    tpu.enqueue_dma source(%dma_start3A_298 : memref<512xi32, #tpu.memory_space<hbm>>) target(%dma_start3A_297 : memref<512xi32, #tpu.memory_space<vmem>>) target_semaphore(%arg10 : memref<!tpu.dma_semaphore, #tpu.memory_space<semaphore_mem>>)
    %add3A_299 = arith.constant 442368 : i32
    %add3A_300 = arith.addi %add3A_299, %mul3A_2 : i32
    %dma_start3A_301 = arith.constant 27 : i32
    %dma_start3A_302 = arith.constant 0 : i32
    %dma_start3A_303 = tpu.memref_slice %arg5[%dma_start3A_301, %dma_start3A_302] : memref<50x512xi32, #tpu.memory_space<vmem>> -> memref<1x512xi32, #tpu.memory_space<vmem>>
    %dma_start3A_304 = tpu.memref_squeeze %dma_start3A_303 : memref<1x512xi32, #tpu.memory_space<vmem>> -> memref<512xi32, #tpu.memory_space<vmem>>
    %dma_start3A_305 = tpu.memref_slice %arg3[%add3A_300] : memref<819200xi32, #tpu.memory_space<hbm>> -> memref<512xi32, #tpu.memory_space<hbm>>
    %dma_start3A_306 = arith.constant 0 : i32
    %dma_start3A_307 = tpu.memref_slice %arg5[%dma_start3A_301, %dma_start3A_306] : memref<50x512xi32, #tpu.memory_space<vmem>> -> memref<1x512xi32, #tpu.memory_space<vmem>>
    %dma_start3A_308 = tpu.memref_squeeze %dma_start3A_307 : memref<1x512xi32, #tpu.memory_space<vmem>> -> memref<512xi32, #tpu.memory_space<vmem>>
    %dma_start3A_309 = tpu.memref_slice %arg3[%add3A_300] : memref<819200xi32, #tpu.memory_space<hbm>> -> memref<512xi32, #tpu.memory_space<hbm>>
    tpu.enqueue_dma source(%dma_start3A_309 : memref<512xi32, #tpu.memory_space<hbm>>) target(%dma_start3A_308 : memref<512xi32, #tpu.memory_space<vmem>>) target_semaphore(%arg10 : memref<!tpu.dma_semaphore, #tpu.memory_space<semaphore_mem>>)
    %add3A_310 = arith.constant 458752 : i32
    %add3A_311 = arith.addi %add3A_310, %mul3A_2 : i32
    %dma_start3A_312 = arith.constant 28 : i32
    %dma_start3A_313 = arith.constant 0 : i32
    %dma_start3A_314 = tpu.memref_slice %arg5[%dma_start3A_312, %dma_start3A_313] : memref<50x512xi32, #tpu.memory_space<vmem>> -> memref<1x512xi32, #tpu.memory_space<vmem>>
    %dma_start3A_315 = tpu.memref_squeeze %dma_start3A_314 : memref<1x512xi32, #tpu.memory_space<vmem>> -> memref<512xi32, #tpu.memory_space<vmem>>
    %dma_start3A_316 = tpu.memref_slice %arg3[%add3A_311] : memref<819200xi32, #tpu.memory_space<hbm>> -> memref<512xi32, #tpu.memory_space<hbm>>
    %dma_start3A_317 = arith.constant 0 : i32
    %dma_start3A_318 = tpu.memref_slice %arg5[%dma_start3A_312, %dma_start3A_317] : memref<50x512xi32, #tpu.memory_space<vmem>> -> memref<1x512xi32, #tpu.memory_space<vmem>>
    %dma_start3A_319 = tpu.memref_squeeze %dma_start3A_318 : memref<1x512xi32, #tpu.memory_space<vmem>> -> memref<512xi32, #tpu.memory_space<vmem>>
    %dma_start3A_320 = tpu.memref_slice %arg3[%add3A_311] : memref<819200xi32, #tpu.memory_space<hbm>> -> memref<512xi32, #tpu.memory_space<hbm>>
    tpu.enqueue_dma source(%dma_start3A_320 : memref<512xi32, #tpu.memory_space<hbm>>) target(%dma_start3A_319 : memref<512xi32, #tpu.memory_space<vmem>>) target_semaphore(%arg10 : memref<!tpu.dma_semaphore, #tpu.memory_space<semaphore_mem>>)
    %add3A_321 = arith.constant 475136 : i32
    %add3A_322 = arith.addi %add3A_321, %mul3A_2 : i32
    %dma_start3A_323 = arith.constant 29 : i32
    %dma_start3A_324 = arith.constant 0 : i32
    %dma_start3A_325 = tpu.memref_slice %arg5[%dma_start3A_323, %dma_start3A_324] : memref<50x512xi32, #tpu.memory_space<vmem>> -> memref<1x512xi32, #tpu.memory_space<vmem>>
    %dma_start3A_326 = tpu.memref_squeeze %dma_start3A_325 : memref<1x512xi32, #tpu.memory_space<vmem>> -> memref<512xi32, #tpu.memory_space<vmem>>
    %dma_start3A_327 = tpu.memref_slice %arg3[%add3A_322] : memref<819200xi32, #tpu.memory_space<hbm>> -> memref<512xi32, #tpu.memory_space<hbm>>
    %dma_start3A_328 = arith.constant 0 : i32
    %dma_start3A_329 = tpu.memref_slice %arg5[%dma_start3A_323, %dma_start3A_328] : memref<50x512xi32, #tpu.memory_space<vmem>> -> memref<1x512xi32, #tpu.memory_space<vmem>>
    %dma_start3A_330 = tpu.memref_squeeze %dma_start3A_329 : memref<1x512xi32, #tpu.memory_space<vmem>> -> memref<512xi32, #tpu.memory_space<vmem>>
    %dma_start3A_331 = tpu.memref_slice %arg3[%add3A_322] : memref<819200xi32, #tpu.memory_space<hbm>> -> memref<512xi32, #tpu.memory_space<hbm>>
    tpu.enqueue_dma source(%dma_start3A_331 : memref<512xi32, #tpu.memory_space<hbm>>) target(%dma_start3A_330 : memref<512xi32, #tpu.memory_space<vmem>>) target_semaphore(%arg10 : memref<!tpu.dma_semaphore, #tpu.memory_space<semaphore_mem>>)
    %add3A_332 = arith.constant 491520 : i32
    %add3A_333 = arith.addi %add3A_332, %mul3A_2 : i32
    %dma_start3A_334 = arith.constant 30 : i32
    %dma_start3A_335 = arith.constant 0 : i32
    %dma_start3A_336 = tpu.memref_slice %arg5[%dma_start3A_334, %dma_start3A_335] : memref<50x512xi32, #tpu.memory_space<vmem>> -> memref<1x512xi32, #tpu.memory_space<vmem>>
    %dma_start3A_337 = tpu.memref_squeeze %dma_start3A_336 : memref<1x512xi32, #tpu.memory_space<vmem>> -> memref<512xi32, #tpu.memory_space<vmem>>
    %dma_start3A_338 = tpu.memref_slice %arg3[%add3A_333] : memref<819200xi32, #tpu.memory_space<hbm>> -> memref<512xi32, #tpu.memory_space<hbm>>
    %dma_start3A_339 = arith.constant 0 : i32
    %dma_start3A_340 = tpu.memref_slice %arg5[%dma_start3A_334, %dma_start3A_339] : memref<50x512xi32, #tpu.memory_space<vmem>> -> memref<1x512xi32, #tpu.memory_space<vmem>>
    %dma_start3A_341 = tpu.memref_squeeze %dma_start3A_340 : memref<1x512xi32, #tpu.memory_space<vmem>> -> memref<512xi32, #tpu.memory_space<vmem>>
    %dma_start3A_342 = tpu.memref_slice %arg3[%add3A_333] : memref<819200xi32, #tpu.memory_space<hbm>> -> memref<512xi32, #tpu.memory_space<hbm>>
    tpu.enqueue_dma source(%dma_start3A_342 : memref<512xi32, #tpu.memory_space<hbm>>) target(%dma_start3A_341 : memref<512xi32, #tpu.memory_space<vmem>>) target_semaphore(%arg10 : memref<!tpu.dma_semaphore, #tpu.memory_space<semaphore_mem>>)
    %add3A_343 = arith.constant 507904 : i32
    %add3A_344 = arith.addi %add3A_343, %mul3A_2 : i32
    %dma_start3A_345 = arith.constant 31 : i32
    %dma_start3A_346 = arith.constant 0 : i32
    %dma_start3A_347 = tpu.memref_slice %arg5[%dma_start3A_345, %dma_start3A_346] : memref<50x512xi32, #tpu.memory_space<vmem>> -> memref<1x512xi32, #tpu.memory_space<vmem>>
    %dma_start3A_348 = tpu.memref_squeeze %dma_start3A_347 : memref<1x512xi32, #tpu.memory_space<vmem>> -> memref<512xi32, #tpu.memory_space<vmem>>
    %dma_start3A_349 = tpu.memref_slice %arg3[%add3A_344] : memref<819200xi32, #tpu.memory_space<hbm>> -> memref<512xi32, #tpu.memory_space<hbm>>
    %dma_start3A_350 = arith.constant 0 : i32
    %dma_start3A_351 = tpu.memref_slice %arg5[%dma_start3A_345, %dma_start3A_350] : memref<50x512xi32, #tpu.memory_space<vmem>> -> memref<1x512xi32, #tpu.memory_space<vmem>>
    %dma_start3A_352 = tpu.memref_squeeze %dma_start3A_351 : memref<1x512xi32, #tpu.memory_space<vmem>> -> memref<512xi32, #tpu.memory_space<vmem>>
    %dma_start3A_353 = tpu.memref_slice %arg3[%add3A_344] : memref<819200xi32, #tpu.memory_space<hbm>> -> memref<512xi32, #tpu.memory_space<hbm>>
    tpu.enqueue_dma source(%dma_start3A_353 : memref<512xi32, #tpu.memory_space<hbm>>) target(%dma_start3A_352 : memref<512xi32, #tpu.memory_space<vmem>>) target_semaphore(%arg10 : memref<!tpu.dma_semaphore, #tpu.memory_space<semaphore_mem>>)
    %add3A_354 = arith.constant 524288 : i32
    %add3A_355 = arith.addi %add3A_354, %mul3A_2 : i32
    %dma_start3A_356 = arith.constant 32 : i32
    %dma_start3A_357 = arith.constant 0 : i32
    %dma_start3A_358 = tpu.memref_slice %arg5[%dma_start3A_356, %dma_start3A_357] : memref<50x512xi32, #tpu.memory_space<vmem>> -> memref<1x512xi32, #tpu.memory_space<vmem>>
    %dma_start3A_359 = tpu.memref_squeeze %dma_start3A_358 : memref<1x512xi32, #tpu.memory_space<vmem>> -> memref<512xi32, #tpu.memory_space<vmem>>
    %dma_start3A_360 = tpu.memref_slice %arg3[%add3A_355] : memref<819200xi32, #tpu.memory_space<hbm>> -> memref<512xi32, #tpu.memory_space<hbm>>
    %dma_start3A_361 = arith.constant 0 : i32
    %dma_start3A_362 = tpu.memref_slice %arg5[%dma_start3A_356, %dma_start3A_361] : memref<50x512xi32, #tpu.memory_space<vmem>> -> memref<1x512xi32, #tpu.memory_space<vmem>>
    %dma_start3A_363 = tpu.memref_squeeze %dma_start3A_362 : memref<1x512xi32, #tpu.memory_space<vmem>> -> memref<512xi32, #tpu.memory_space<vmem>>
    %dma_start3A_364 = tpu.memref_slice %arg3[%add3A_355] : memref<819200xi32, #tpu.memory_space<hbm>> -> memref<512xi32, #tpu.memory_space<hbm>>
    tpu.enqueue_dma source(%dma_start3A_364 : memref<512xi32, #tpu.memory_space<hbm>>) target(%dma_start3A_363 : memref<512xi32, #tpu.memory_space<vmem>>) target_semaphore(%arg10 : memref<!tpu.dma_semaphore, #tpu.memory_space<semaphore_mem>>)
    %add3A_365 = arith.constant 540672 : i32
    %add3A_366 = arith.addi %add3A_365, %mul3A_2 : i32
    %dma_start3A_367 = arith.constant 33 : i32
    %dma_start3A_368 = arith.constant 0 : i32
    %dma_start3A_369 = tpu.memref_slice %arg5[%dma_start3A_367, %dma_start3A_368] : memref<50x512xi32, #tpu.memory_space<vmem>> -> memref<1x512xi32, #tpu.memory_space<vmem>>
    %dma_start3A_370 = tpu.memref_squeeze %dma_start3A_369 : memref<1x512xi32, #tpu.memory_space<vmem>> -> memref<512xi32, #tpu.memory_space<vmem>>
    %dma_start3A_371 = tpu.memref_slice %arg3[%add3A_366] : memref<819200xi32, #tpu.memory_space<hbm>> -> memref<512xi32, #tpu.memory_space<hbm>>
    %dma_start3A_372 = arith.constant 0 : i32
    %dma_start3A_373 = tpu.memref_slice %arg5[%dma_start3A_367, %dma_start3A_372] : memref<50x512xi32, #tpu.memory_space<vmem>> -> memref<1x512xi32, #tpu.memory_space<vmem>>
    %dma_start3A_374 = tpu.memref_squeeze %dma_start3A_373 : memref<1x512xi32, #tpu.memory_space<vmem>> -> memref<512xi32, #tpu.memory_space<vmem>>
    %dma_start3A_375 = tpu.memref_slice %arg3[%add3A_366] : memref<819200xi32, #tpu.memory_space<hbm>> -> memref<512xi32, #tpu.memory_space<hbm>>
    tpu.enqueue_dma source(%dma_start3A_375 : memref<512xi32, #tpu.memory_space<hbm>>) target(%dma_start3A_374 : memref<512xi32, #tpu.memory_space<vmem>>) target_semaphore(%arg10 : memref<!tpu.dma_semaphore, #tpu.memory_space<semaphore_mem>>)
    %add3A_376 = arith.constant 557056 : i32
    %add3A_377 = arith.addi %add3A_376, %mul3A_2 : i32
    %dma_start3A_378 = arith.constant 34 : i32
    %dma_start3A_379 = arith.constant 0 : i32
    %dma_start3A_380 = tpu.memref_slice %arg5[%dma_start3A_378, %dma_start3A_379] : memref<50x512xi32, #tpu.memory_space<vmem>> -> memref<1x512xi32, #tpu.memory_space<vmem>>
    %dma_start3A_381 = tpu.memref_squeeze %dma_start3A_380 : memref<1x512xi32, #tpu.memory_space<vmem>> -> memref<512xi32, #tpu.memory_space<vmem>>
    %dma_start3A_382 = tpu.memref_slice %arg3[%add3A_377] : memref<819200xi32, #tpu.memory_space<hbm>> -> memref<512xi32, #tpu.memory_space<hbm>>
    %dma_start3A_383 = arith.constant 0 : i32
    %dma_start3A_384 = tpu.memref_slice %arg5[%dma_start3A_378, %dma_start3A_383] : memref<50x512xi32, #tpu.memory_space<vmem>> -> memref<1x512xi32, #tpu.memory_space<vmem>>
    %dma_start3A_385 = tpu.memref_squeeze %dma_start3A_384 : memref<1x512xi32, #tpu.memory_space<vmem>> -> memref<512xi32, #tpu.memory_space<vmem>>
    %dma_start3A_386 = tpu.memref_slice %arg3[%add3A_377] : memref<819200xi32, #tpu.memory_space<hbm>> -> memref<512xi32, #tpu.memory_space<hbm>>
    tpu.enqueue_dma source(%dma_start3A_386 : memref<512xi32, #tpu.memory_space<hbm>>) target(%dma_start3A_385 : memref<512xi32, #tpu.memory_space<vmem>>) target_semaphore(%arg10 : memref<!tpu.dma_semaphore, #tpu.memory_space<semaphore_mem>>)
    %add3A_387 = arith.constant 573440 : i32
    %add3A_388 = arith.addi %add3A_387, %mul3A_2 : i32
    %dma_start3A_389 = arith.constant 35 : i32
    %dma_start3A_390 = arith.constant 0 : i32
    %dma_start3A_391 = tpu.memref_slice %arg5[%dma_start3A_389, %dma_start3A_390] : memref<50x512xi32, #tpu.memory_space<vmem>> -> memref<1x512xi32, #tpu.memory_space<vmem>>
    %dma_start3A_392 = tpu.memref_squeeze %dma_start3A_391 : memref<1x512xi32, #tpu.memory_space<vmem>> -> memref<512xi32, #tpu.memory_space<vmem>>
    %dma_start3A_393 = tpu.memref_slice %arg3[%add3A_388] : memref<819200xi32, #tpu.memory_space<hbm>> -> memref<512xi32, #tpu.memory_space<hbm>>
    %dma_start3A_394 = arith.constant 0 : i32
    %dma_start3A_395 = tpu.memref_slice %arg5[%dma_start3A_389, %dma_start3A_394] : memref<50x512xi32, #tpu.memory_space<vmem>> -> memref<1x512xi32, #tpu.memory_space<vmem>>
    %dma_start3A_396 = tpu.memref_squeeze %dma_start3A_395 : memref<1x512xi32, #tpu.memory_space<vmem>> -> memref<512xi32, #tpu.memory_space<vmem>>
    %dma_start3A_397 = tpu.memref_slice %arg3[%add3A_388] : memref<819200xi32, #tpu.memory_space<hbm>> -> memref<512xi32, #tpu.memory_space<hbm>>
    tpu.enqueue_dma source(%dma_start3A_397 : memref<512xi32, #tpu.memory_space<hbm>>) target(%dma_start3A_396 : memref<512xi32, #tpu.memory_space<vmem>>) target_semaphore(%arg10 : memref<!tpu.dma_semaphore, #tpu.memory_space<semaphore_mem>>)
    %add3A_398 = arith.constant 589824 : i32
    %add3A_399 = arith.addi %add3A_398, %mul3A_2 : i32
    %dma_start3A_400 = arith.constant 36 : i32
    %dma_start3A_401 = arith.constant 0 : i32
    %dma_start3A_402 = tpu.memref_slice %arg5[%dma_start3A_400, %dma_start3A_401] : memref<50x512xi32, #tpu.memory_space<vmem>> -> memref<1x512xi32, #tpu.memory_space<vmem>>
    %dma_start3A_403 = tpu.memref_squeeze %dma_start3A_402 : memref<1x512xi32, #tpu.memory_space<vmem>> -> memref<512xi32, #tpu.memory_space<vmem>>
    %dma_start3A_404 = tpu.memref_slice %arg3[%add3A_399] : memref<819200xi32, #tpu.memory_space<hbm>> -> memref<512xi32, #tpu.memory_space<hbm>>
    %dma_start3A_405 = arith.constant 0 : i32
    %dma_start3A_406 = tpu.memref_slice %arg5[%dma_start3A_400, %dma_start3A_405] : memref<50x512xi32, #tpu.memory_space<vmem>> -> memref<1x512xi32, #tpu.memory_space<vmem>>
    %dma_start3A_407 = tpu.memref_squeeze %dma_start3A_406 : memref<1x512xi32, #tpu.memory_space<vmem>> -> memref<512xi32, #tpu.memory_space<vmem>>
    %dma_start3A_408 = tpu.memref_slice %arg3[%add3A_399] : memref<819200xi32, #tpu.memory_space<hbm>> -> memref<512xi32, #tpu.memory_space<hbm>>
    tpu.enqueue_dma source(%dma_start3A_408 : memref<512xi32, #tpu.memory_space<hbm>>) target(%dma_start3A_407 : memref<512xi32, #tpu.memory_space<vmem>>) target_semaphore(%arg10 : memref<!tpu.dma_semaphore, #tpu.memory_space<semaphore_mem>>)
    %add3A_409 = arith.constant 606208 : i32
    %add3A_410 = arith.addi %add3A_409, %mul3A_2 : i32
    %dma_start3A_411 = arith.constant 37 : i32
    %dma_start3A_412 = arith.constant 0 : i32
    %dma_start3A_413 = tpu.memref_slice %arg5[%dma_start3A_411, %dma_start3A_412] : memref<50x512xi32, #tpu.memory_space<vmem>> -> memref<1x512xi32, #tpu.memory_space<vmem>>
    %dma_start3A_414 = tpu.memref_squeeze %dma_start3A_413 : memref<1x512xi32, #tpu.memory_space<vmem>> -> memref<512xi32, #tpu.memory_space<vmem>>
    %dma_start3A_415 = tpu.memref_slice %arg3[%add3A_410] : memref<819200xi32, #tpu.memory_space<hbm>> -> memref<512xi32, #tpu.memory_space<hbm>>
    %dma_start3A_416 = arith.constant 0 : i32
    %dma_start3A_417 = tpu.memref_slice %arg5[%dma_start3A_411, %dma_start3A_416] : memref<50x512xi32, #tpu.memory_space<vmem>> -> memref<1x512xi32, #tpu.memory_space<vmem>>
    %dma_start3A_418 = tpu.memref_squeeze %dma_start3A_417 : memref<1x512xi32, #tpu.memory_space<vmem>> -> memref<512xi32, #tpu.memory_space<vmem>>
    %dma_start3A_419 = tpu.memref_slice %arg3[%add3A_410] : memref<819200xi32, #tpu.memory_space<hbm>> -> memref<512xi32, #tpu.memory_space<hbm>>
    tpu.enqueue_dma source(%dma_start3A_419 : memref<512xi32, #tpu.memory_space<hbm>>) target(%dma_start3A_418 : memref<512xi32, #tpu.memory_space<vmem>>) target_semaphore(%arg10 : memref<!tpu.dma_semaphore, #tpu.memory_space<semaphore_mem>>)
    %add3A_420 = arith.constant 622592 : i32
    %add3A_421 = arith.addi %add3A_420, %mul3A_2 : i32
    %dma_start3A_422 = arith.constant 38 : i32
    %dma_start3A_423 = arith.constant 0 : i32
    %dma_start3A_424 = tpu.memref_slice %arg5[%dma_start3A_422, %dma_start3A_423] : memref<50x512xi32, #tpu.memory_space<vmem>> -> memref<1x512xi32, #tpu.memory_space<vmem>>
    %dma_start3A_425 = tpu.memref_squeeze %dma_start3A_424 : memref<1x512xi32, #tpu.memory_space<vmem>> -> memref<512xi32, #tpu.memory_space<vmem>>
    %dma_start3A_426 = tpu.memref_slice %arg3[%add3A_421] : memref<819200xi32, #tpu.memory_space<hbm>> -> memref<512xi32, #tpu.memory_space<hbm>>
    %dma_start3A_427 = arith.constant 0 : i32
    %dma_start3A_428 = tpu.memref_slice %arg5[%dma_start3A_422, %dma_start3A_427] : memref<50x512xi32, #tpu.memory_space<vmem>> -> memref<1x512xi32, #tpu.memory_space<vmem>>
    %dma_start3A_429 = tpu.memref_squeeze %dma_start3A_428 : memref<1x512xi32, #tpu.memory_space<vmem>> -> memref<512xi32, #tpu.memory_space<vmem>>
    %dma_start3A_430 = tpu.memref_slice %arg3[%add3A_421] : memref<819200xi32, #tpu.memory_space<hbm>> -> memref<512xi32, #tpu.memory_space<hbm>>
    tpu.enqueue_dma source(%dma_start3A_430 : memref<512xi32, #tpu.memory_space<hbm>>) target(%dma_start3A_429 : memref<512xi32, #tpu.memory_space<vmem>>) target_semaphore(%arg10 : memref<!tpu.dma_semaphore, #tpu.memory_space<semaphore_mem>>)
    %add3A_431 = arith.constant 638976 : i32
    %add3A_432 = arith.addi %add3A_431, %mul3A_2 : i32
    %dma_start3A_433 = arith.constant 39 : i32
    %dma_start3A_434 = arith.constant 0 : i32
    %dma_start3A_435 = tpu.memref_slice %arg5[%dma_start3A_433, %dma_start3A_434] : memref<50x512xi32, #tpu.memory_space<vmem>> -> memref<1x512xi32, #tpu.memory_space<vmem>>
    %dma_start3A_436 = tpu.memref_squeeze %dma_start3A_435 : memref<1x512xi32, #tpu.memory_space<vmem>> -> memref<512xi32, #tpu.memory_space<vmem>>
    %dma_start3A_437 = tpu.memref_slice %arg3[%add3A_432] : memref<819200xi32, #tpu.memory_space<hbm>> -> memref<512xi32, #tpu.memory_space<hbm>>
    %dma_start3A_438 = arith.constant 0 : i32
    %dma_start3A_439 = tpu.memref_slice %arg5[%dma_start3A_433, %dma_start3A_438] : memref<50x512xi32, #tpu.memory_space<vmem>> -> memref<1x512xi32, #tpu.memory_space<vmem>>
    %dma_start3A_440 = tpu.memref_squeeze %dma_start3A_439 : memref<1x512xi32, #tpu.memory_space<vmem>> -> memref<512xi32, #tpu.memory_space<vmem>>
    %dma_start3A_441 = tpu.memref_slice %arg3[%add3A_432] : memref<819200xi32, #tpu.memory_space<hbm>> -> memref<512xi32, #tpu.memory_space<hbm>>
    tpu.enqueue_dma source(%dma_start3A_441 : memref<512xi32, #tpu.memory_space<hbm>>) target(%dma_start3A_440 : memref<512xi32, #tpu.memory_space<vmem>>) target_semaphore(%arg10 : memref<!tpu.dma_semaphore, #tpu.memory_space<semaphore_mem>>)
    %add3A_442 = arith.constant 655360 : i32
    %add3A_443 = arith.addi %add3A_442, %mul3A_2 : i32
    %dma_start3A_444 = arith.constant 40 : i32
    %dma_start3A_445 = arith.constant 0 : i32
    %dma_start3A_446 = tpu.memref_slice %arg5[%dma_start3A_444, %dma_start3A_445] : memref<50x512xi32, #tpu.memory_space<vmem>> -> memref<1x512xi32, #tpu.memory_space<vmem>>
    %dma_start3A_447 = tpu.memref_squeeze %dma_start3A_446 : memref<1x512xi32, #tpu.memory_space<vmem>> -> memref<512xi32, #tpu.memory_space<vmem>>
    %dma_start3A_448 = tpu.memref_slice %arg3[%add3A_443] : memref<819200xi32, #tpu.memory_space<hbm>> -> memref<512xi32, #tpu.memory_space<hbm>>
    %dma_start3A_449 = arith.constant 0 : i32
    %dma_start3A_450 = tpu.memref_slice %arg5[%dma_start3A_444, %dma_start3A_449] : memref<50x512xi32, #tpu.memory_space<vmem>> -> memref<1x512xi32, #tpu.memory_space<vmem>>
    %dma_start3A_451 = tpu.memref_squeeze %dma_start3A_450 : memref<1x512xi32, #tpu.memory_space<vmem>> -> memref<512xi32, #tpu.memory_space<vmem>>
    %dma_start3A_452 = tpu.memref_slice %arg3[%add3A_443] : memref<819200xi32, #tpu.memory_space<hbm>> -> memref<512xi32, #tpu.memory_space<hbm>>
    tpu.enqueue_dma source(%dma_start3A_452 : memref<512xi32, #tpu.memory_space<hbm>>) target(%dma_start3A_451 : memref<512xi32, #tpu.memory_space<vmem>>) target_semaphore(%arg10 : memref<!tpu.dma_semaphore, #tpu.memory_space<semaphore_mem>>)
    %add3A_453 = arith.constant 671744 : i32
    %add3A_454 = arith.addi %add3A_453, %mul3A_2 : i32
    %dma_start3A_455 = arith.constant 41 : i32
    %dma_start3A_456 = arith.constant 0 : i32
    %dma_start3A_457 = tpu.memref_slice %arg5[%dma_start3A_455, %dma_start3A_456] : memref<50x512xi32, #tpu.memory_space<vmem>> -> memref<1x512xi32, #tpu.memory_space<vmem>>
    %dma_start3A_458 = tpu.memref_squeeze %dma_start3A_457 : memref<1x512xi32, #tpu.memory_space<vmem>> -> memref<512xi32, #tpu.memory_space<vmem>>
    %dma_start3A_459 = tpu.memref_slice %arg3[%add3A_454] : memref<819200xi32, #tpu.memory_space<hbm>> -> memref<512xi32, #tpu.memory_space<hbm>>
    %dma_start3A_460 = arith.constant 0 : i32
    %dma_start3A_461 = tpu.memref_slice %arg5[%dma_start3A_455, %dma_start3A_460] : memref<50x512xi32, #tpu.memory_space<vmem>> -> memref<1x512xi32, #tpu.memory_space<vmem>>
    %dma_start3A_462 = tpu.memref_squeeze %dma_start3A_461 : memref<1x512xi32, #tpu.memory_space<vmem>> -> memref<512xi32, #tpu.memory_space<vmem>>
    %dma_start3A_463 = tpu.memref_slice %arg3[%add3A_454] : memref<819200xi32, #tpu.memory_space<hbm>> -> memref<512xi32, #tpu.memory_space<hbm>>
    tpu.enqueue_dma source(%dma_start3A_463 : memref<512xi32, #tpu.memory_space<hbm>>) target(%dma_start3A_462 : memref<512xi32, #tpu.memory_space<vmem>>) target_semaphore(%arg10 : memref<!tpu.dma_semaphore, #tpu.memory_space<semaphore_mem>>)
    %add3A_464 = arith.constant 688128 : i32
    %add3A_465 = arith.addi %add3A_464, %mul3A_2 : i32
    %dma_start3A_466 = arith.constant 42 : i32
    %dma_start3A_467 = arith.constant 0 : i32
    %dma_start3A_468 = tpu.memref_slice %arg5[%dma_start3A_466, %dma_start3A_467] : memref<50x512xi32, #tpu.memory_space<vmem>> -> memref<1x512xi32, #tpu.memory_space<vmem>>
    %dma_start3A_469 = tpu.memref_squeeze %dma_start3A_468 : memref<1x512xi32, #tpu.memory_space<vmem>> -> memref<512xi32, #tpu.memory_space<vmem>>
    %dma_start3A_470 = tpu.memref_slice %arg3[%add3A_465] : memref<819200xi32, #tpu.memory_space<hbm>> -> memref<512xi32, #tpu.memory_space<hbm>>
    %dma_start3A_471 = arith.constant 0 : i32
    %dma_start3A_472 = tpu.memref_slice %arg5[%dma_start3A_466, %dma_start3A_471] : memref<50x512xi32, #tpu.memory_space<vmem>> -> memref<1x512xi32, #tpu.memory_space<vmem>>
    %dma_start3A_473 = tpu.memref_squeeze %dma_start3A_472 : memref<1x512xi32, #tpu.memory_space<vmem>> -> memref<512xi32, #tpu.memory_space<vmem>>
    %dma_start3A_474 = tpu.memref_slice %arg3[%add3A_465] : memref<819200xi32, #tpu.memory_space<hbm>> -> memref<512xi32, #tpu.memory_space<hbm>>
    tpu.enqueue_dma source(%dma_start3A_474 : memref<512xi32, #tpu.memory_space<hbm>>) target(%dma_start3A_473 : memref<512xi32, #tpu.memory_space<vmem>>) target_semaphore(%arg10 : memref<!tpu.dma_semaphore, #tpu.memory_space<semaphore_mem>>)
    %add3A_475 = arith.constant 704512 : i32
    %add3A_476 = arith.addi %add3A_475, %mul3A_2 : i32
    %dma_start3A_477 = arith.constant 43 : i32
    %dma_start3A_478 = arith.constant 0 : i32
    %dma_start3A_479 = tpu.memref_slice %arg5[%dma_start3A_477, %dma_start3A_478] : memref<50x512xi32, #tpu.memory_space<vmem>> -> memref<1x512xi32, #tpu.memory_space<vmem>>
    %dma_start3A_480 = tpu.memref_squeeze %dma_start3A_479 : memref<1x512xi32, #tpu.memory_space<vmem>> -> memref<512xi32, #tpu.memory_space<vmem>>
    %dma_start3A_481 = tpu.memref_slice %arg3[%add3A_476] : memref<819200xi32, #tpu.memory_space<hbm>> -> memref<512xi32, #tpu.memory_space<hbm>>
    %dma_start3A_482 = arith.constant 0 : i32
    %dma_start3A_483 = tpu.memref_slice %arg5[%dma_start3A_477, %dma_start3A_482] : memref<50x512xi32, #tpu.memory_space<vmem>> -> memref<1x512xi32, #tpu.memory_space<vmem>>
    %dma_start3A_484 = tpu.memref_squeeze %dma_start3A_483 : memref<1x512xi32, #tpu.memory_space<vmem>> -> memref<512xi32, #tpu.memory_space<vmem>>
    %dma_start3A_485 = tpu.memref_slice %arg3[%add3A_476] : memref<819200xi32, #tpu.memory_space<hbm>> -> memref<512xi32, #tpu.memory_space<hbm>>
    tpu.enqueue_dma source(%dma_start3A_485 : memref<512xi32, #tpu.memory_space<hbm>>) target(%dma_start3A_484 : memref<512xi32, #tpu.memory_space<vmem>>) target_semaphore(%arg10 : memref<!tpu.dma_semaphore, #tpu.memory_space<semaphore_mem>>)
    %add3A_486 = arith.constant 720896 : i32
    %add3A_487 = arith.addi %add3A_486, %mul3A_2 : i32
    %dma_start3A_488 = arith.constant 44 : i32
    %dma_start3A_489 = arith.constant 0 : i32
    %dma_start3A_490 = tpu.memref_slice %arg5[%dma_start3A_488, %dma_start3A_489] : memref<50x512xi32, #tpu.memory_space<vmem>> -> memref<1x512xi32, #tpu.memory_space<vmem>>
    %dma_start3A_491 = tpu.memref_squeeze %dma_start3A_490 : memref<1x512xi32, #tpu.memory_space<vmem>> -> memref<512xi32, #tpu.memory_space<vmem>>
    %dma_start3A_492 = tpu.memref_slice %arg3[%add3A_487] : memref<819200xi32, #tpu.memory_space<hbm>> -> memref<512xi32, #tpu.memory_space<hbm>>
    %dma_start3A_493 = arith.constant 0 : i32
    %dma_start3A_494 = tpu.memref_slice %arg5[%dma_start3A_488, %dma_start3A_493] : memref<50x512xi32, #tpu.memory_space<vmem>> -> memref<1x512xi32, #tpu.memory_space<vmem>>
    %dma_start3A_495 = tpu.memref_squeeze %dma_start3A_494 : memref<1x512xi32, #tpu.memory_space<vmem>> -> memref<512xi32, #tpu.memory_space<vmem>>
    %dma_start3A_496 = tpu.memref_slice %arg3[%add3A_487] : memref<819200xi32, #tpu.memory_space<hbm>> -> memref<512xi32, #tpu.memory_space<hbm>>
    tpu.enqueue_dma source(%dma_start3A_496 : memref<512xi32, #tpu.memory_space<hbm>>) target(%dma_start3A_495 : memref<512xi32, #tpu.memory_space<vmem>>) target_semaphore(%arg10 : memref<!tpu.dma_semaphore, #tpu.memory_space<semaphore_mem>>)
    %add3A_497 = arith.constant 737280 : i32
    %add3A_498 = arith.addi %add3A_497, %mul3A_2 : i32
    %dma_start3A_499 = arith.constant 45 : i32
    %dma_start3A_500 = arith.constant 0 : i32
    %dma_start3A_501 = tpu.memref_slice %arg5[%dma_start3A_499, %dma_start3A_500] : memref<50x512xi32, #tpu.memory_space<vmem>> -> memref<1x512xi32, #tpu.memory_space<vmem>>
    %dma_start3A_502 = tpu.memref_squeeze %dma_start3A_501 : memref<1x512xi32, #tpu.memory_space<vmem>> -> memref<512xi32, #tpu.memory_space<vmem>>
    %dma_start3A_503 = tpu.memref_slice %arg3[%add3A_498] : memref<819200xi32, #tpu.memory_space<hbm>> -> memref<512xi32, #tpu.memory_space<hbm>>
    %dma_start3A_504 = arith.constant 0 : i32
    %dma_start3A_505 = tpu.memref_slice %arg5[%dma_start3A_499, %dma_start3A_504] : memref<50x512xi32, #tpu.memory_space<vmem>> -> memref<1x512xi32, #tpu.memory_space<vmem>>
    %dma_start3A_506 = tpu.memref_squeeze %dma_start3A_505 : memref<1x512xi32, #tpu.memory_space<vmem>> -> memref<512xi32, #tpu.memory_space<vmem>>
    %dma_start3A_507 = tpu.memref_slice %arg3[%add3A_498] : memref<819200xi32, #tpu.memory_space<hbm>> -> memref<512xi32, #tpu.memory_space<hbm>>
    tpu.enqueue_dma source(%dma_start3A_507 : memref<512xi32, #tpu.memory_space<hbm>>) target(%dma_start3A_506 : memref<512xi32, #tpu.memory_space<vmem>>) target_semaphore(%arg10 : memref<!tpu.dma_semaphore, #tpu.memory_space<semaphore_mem>>)
    %add3A_508 = arith.constant 753664 : i32
    %add3A_509 = arith.addi %add3A_508, %mul3A_2 : i32
    %dma_start3A_510 = arith.constant 46 : i32
    %dma_start3A_511 = arith.constant 0 : i32
    %dma_start3A_512 = tpu.memref_slice %arg5[%dma_start3A_510, %dma_start3A_511] : memref<50x512xi32, #tpu.memory_space<vmem>> -> memref<1x512xi32, #tpu.memory_space<vmem>>
    %dma_start3A_513 = tpu.memref_squeeze %dma_start3A_512 : memref<1x512xi32, #tpu.memory_space<vmem>> -> memref<512xi32, #tpu.memory_space<vmem>>
    %dma_start3A_514 = tpu.memref_slice %arg3[%add3A_509] : memref<819200xi32, #tpu.memory_space<hbm>> -> memref<512xi32, #tpu.memory_space<hbm>>
    %dma_start3A_515 = arith.constant 0 : i32
    %dma_start3A_516 = tpu.memref_slice %arg5[%dma_start3A_510, %dma_start3A_515] : memref<50x512xi32, #tpu.memory_space<vmem>> -> memref<1x512xi32, #tpu.memory_space<vmem>>
    %dma_start3A_517 = tpu.memref_squeeze %dma_start3A_516 : memref<1x512xi32, #tpu.memory_space<vmem>> -> memref<512xi32, #tpu.memory_space<vmem>>
    %dma_start3A_518 = tpu.memref_slice %arg3[%add3A_509] : memref<819200xi32, #tpu.memory_space<hbm>> -> memref<512xi32, #tpu.memory_space<hbm>>
    tpu.enqueue_dma source(%dma_start3A_518 : memref<512xi32, #tpu.memory_space<hbm>>) target(%dma_start3A_517 : memref<512xi32, #tpu.memory_space<vmem>>) target_semaphore(%arg10 : memref<!tpu.dma_semaphore, #tpu.memory_space<semaphore_mem>>)
    %add3A_519 = arith.constant 770048 : i32
    %add3A_520 = arith.addi %add3A_519, %mul3A_2 : i32
    %dma_start3A_521 = arith.constant 47 : i32
    %dma_start3A_522 = arith.constant 0 : i32
    %dma_start3A_523 = tpu.memref_slice %arg5[%dma_start3A_521, %dma_start3A_522] : memref<50x512xi32, #tpu.memory_space<vmem>> -> memref<1x512xi32, #tpu.memory_space<vmem>>
    %dma_start3A_524 = tpu.memref_squeeze %dma_start3A_523 : memref<1x512xi32, #tpu.memory_space<vmem>> -> memref<512xi32, #tpu.memory_space<vmem>>
    %dma_start3A_525 = tpu.memref_slice %arg3[%add3A_520] : memref<819200xi32, #tpu.memory_space<hbm>> -> memref<512xi32, #tpu.memory_space<hbm>>
    %dma_start3A_526 = arith.constant 0 : i32
    %dma_start3A_527 = tpu.memref_slice %arg5[%dma_start3A_521, %dma_start3A_526] : memref<50x512xi32, #tpu.memory_space<vmem>> -> memref<1x512xi32, #tpu.memory_space<vmem>>
    %dma_start3A_528 = tpu.memref_squeeze %dma_start3A_527 : memref<1x512xi32, #tpu.memory_space<vmem>> -> memref<512xi32, #tpu.memory_space<vmem>>
    %dma_start3A_529 = tpu.memref_slice %arg3[%add3A_520] : memref<819200xi32, #tpu.memory_space<hbm>> -> memref<512xi32, #tpu.memory_space<hbm>>
    tpu.enqueue_dma source(%dma_start3A_529 : memref<512xi32, #tpu.memory_space<hbm>>) target(%dma_start3A_528 : memref<512xi32, #tpu.memory_space<vmem>>) target_semaphore(%arg10 : memref<!tpu.dma_semaphore, #tpu.memory_space<semaphore_mem>>)
    %add3A_530 = arith.constant 786432 : i32
    %add3A_531 = arith.addi %add3A_530, %mul3A_2 : i32
    %dma_start3A_532 = arith.constant 48 : i32
    %dma_start3A_533 = arith.constant 0 : i32
    %dma_start3A_534 = tpu.memref_slice %arg5[%dma_start3A_532, %dma_start3A_533] : memref<50x512xi32, #tpu.memory_space<vmem>> -> memref<1x512xi32, #tpu.memory_space<vmem>>
    %dma_start3A_535 = tpu.memref_squeeze %dma_start3A_534 : memref<1x512xi32, #tpu.memory_space<vmem>> -> memref<512xi32, #tpu.memory_space<vmem>>
    %dma_start3A_536 = tpu.memref_slice %arg3[%add3A_531] : memref<819200xi32, #tpu.memory_space<hbm>> -> memref<512xi32, #tpu.memory_space<hbm>>
    %dma_start3A_537 = arith.constant 0 : i32
    %dma_start3A_538 = tpu.memref_slice %arg5[%dma_start3A_532, %dma_start3A_537] : memref<50x512xi32, #tpu.memory_space<vmem>> -> memref<1x512xi32, #tpu.memory_space<vmem>>
    %dma_start3A_539 = tpu.memref_squeeze %dma_start3A_538 : memref<1x512xi32, #tpu.memory_space<vmem>> -> memref<512xi32, #tpu.memory_space<vmem>>
    %dma_start3A_540 = tpu.memref_slice %arg3[%add3A_531] : memref<819200xi32, #tpu.memory_space<hbm>> -> memref<512xi32, #tpu.memory_space<hbm>>
    tpu.enqueue_dma source(%dma_start3A_540 : memref<512xi32, #tpu.memory_space<hbm>>) target(%dma_start3A_539 : memref<512xi32, #tpu.memory_space<vmem>>) target_semaphore(%arg10 : memref<!tpu.dma_semaphore, #tpu.memory_space<semaphore_mem>>)
    %add3A_541 = arith.constant 802816 : i32
    %add3A_542 = arith.addi %add3A_541, %mul3A_2 : i32
    %dma_start3A_543 = arith.constant 49 : i32
    %dma_start3A_544 = arith.constant 0 : i32
    %dma_start3A_545 = tpu.memref_slice %arg5[%dma_start3A_543, %dma_start3A_544] : memref<50x512xi32, #tpu.memory_space<vmem>> -> memref<1x512xi32, #tpu.memory_space<vmem>>
    %dma_start3A_546 = tpu.memref_squeeze %dma_start3A_545 : memref<1x512xi32, #tpu.memory_space<vmem>> -> memref<512xi32, #tpu.memory_space<vmem>>
    %dma_start3A_547 = tpu.memref_slice %arg3[%add3A_542] : memref<819200xi32, #tpu.memory_space<hbm>> -> memref<512xi32, #tpu.memory_space<hbm>>
    %dma_start3A_548 = arith.constant 0 : i32
    %dma_start3A_549 = tpu.memref_slice %arg5[%dma_start3A_543, %dma_start3A_548] : memref<50x512xi32, #tpu.memory_space<vmem>> -> memref<1x512xi32, #tpu.memory_space<vmem>>
    %dma_start3A_550 = tpu.memref_squeeze %dma_start3A_549 : memref<1x512xi32, #tpu.memory_space<vmem>> -> memref<512xi32, #tpu.memory_space<vmem>>
    %dma_start3A_551 = tpu.memref_slice %arg3[%add3A_542] : memref<819200xi32, #tpu.memory_space<hbm>> -> memref<512xi32, #tpu.memory_space<hbm>>
    tpu.enqueue_dma source(%dma_start3A_551 : memref<512xi32, #tpu.memory_space<hbm>>) target(%dma_start3A_550 : memref<512xi32, #tpu.memory_space<vmem>>) target_semaphore(%arg10 : memref<!tpu.dma_semaphore, #tpu.memory_space<semaphore_mem>>)
    %add3A_552 = arith.constant 0 : i32
    %add3A_553 = arith.addi %add3A_552, %mul3A_2 : i32
    %dma_wait3A = arith.constant 0 : i32
    %dma_wait3A_554 = arith.constant 0 : i32
    %dma_wait3A_555 = tpu.memref_slice %arg5[%dma_wait3A, %dma_wait3A_554] : memref<50x512xi32, #tpu.memory_space<vmem>> -> memref<1x512xi32, #tpu.memory_space<vmem>>
    %dma_wait3A_556 = tpu.memref_squeeze %dma_wait3A_555 : memref<1x512xi32, #tpu.memory_space<vmem>> -> memref<512xi32, #tpu.memory_space<vmem>>
    %dma_wait3A_557 = tpu.memref_slice %arg3[%add3A_553] : memref<819200xi32, #tpu.memory_space<hbm>> -> memref<512xi32, #tpu.memory_space<hbm>>
    %dma_wait3A_558 = arith.constant 0 : i32
    %dma_wait3A_559 = tpu.memref_slice %arg5[%dma_wait3A, %dma_wait3A_558] : memref<50x512xi32, #tpu.memory_space<vmem>> -> memref<1x512xi32, #tpu.memory_space<vmem>>
    %dma_wait3A_560 = tpu.memref_squeeze %dma_wait3A_559 : memref<1x512xi32, #tpu.memory_space<vmem>> -> memref<512xi32, #tpu.memory_space<vmem>>
    %dma_wait3A_561 = tpu.memref_slice %arg3[%add3A_553] : memref<819200xi32, #tpu.memory_space<hbm>> -> memref<512xi32, #tpu.memory_space<hbm>>
    tpu.wait_dma2 semaphore(%arg10 : memref<!tpu.dma_semaphore, #tpu.memory_space<semaphore_mem>>) src(%dma_wait3A_561 : memref<512xi32, #tpu.memory_space<hbm>>) dst(%dma_wait3A_560 : memref<512xi32, #tpu.memory_space<vmem>>)
    %add3A_562 = arith.constant 16384 : i32
    %add3A_563 = arith.addi %add3A_562, %mul3A_2 : i32
    %dma_wait3A_564 = arith.constant 1 : i32
    %dma_wait3A_565 = arith.constant 0 : i32
    %dma_wait3A_566 = tpu.memref_slice %arg5[%dma_wait3A_564, %dma_wait3A_565] : memref<50x512xi32, #tpu.memory_space<vmem>> -> memref<1x512xi32, #tpu.memory_space<vmem>>
    %dma_wait3A_567 = tpu.memref_squeeze %dma_wait3A_566 : memref<1x512xi32, #tpu.memory_space<vmem>> -> memref<512xi32, #tpu.memory_space<vmem>>
    %dma_wait3A_568 = tpu.memref_slice %arg3[%add3A_563] : memref<819200xi32, #tpu.memory_space<hbm>> -> memref<512xi32, #tpu.memory_space<hbm>>
    %dma_wait3A_569 = arith.constant 0 : i32
    %dma_wait3A_570 = tpu.memref_slice %arg5[%dma_wait3A_564, %dma_wait3A_569] : memref<50x512xi32, #tpu.memory_space<vmem>> -> memref<1x512xi32, #tpu.memory_space<vmem>>
    %dma_wait3A_571 = tpu.memref_squeeze %dma_wait3A_570 : memref<1x512xi32, #tpu.memory_space<vmem>> -> memref<512xi32, #tpu.memory_space<vmem>>
    %dma_wait3A_572 = tpu.memref_slice %arg3[%add3A_563] : memref<819200xi32, #tpu.memory_space<hbm>> -> memref<512xi32, #tpu.memory_space<hbm>>
    tpu.wait_dma2 semaphore(%arg10 : memref<!tpu.dma_semaphore, #tpu.memory_space<semaphore_mem>>) src(%dma_wait3A_572 : memref<512xi32, #tpu.memory_space<hbm>>) dst(%dma_wait3A_571 : memref<512xi32, #tpu.memory_space<vmem>>)
    %add3A_573 = arith.constant 32768 : i32
    %add3A_574 = arith.addi %add3A_573, %mul3A_2 : i32
    %dma_wait3A_575 = arith.constant 2 : i32
    %dma_wait3A_576 = arith.constant 0 : i32
    %dma_wait3A_577 = tpu.memref_slice %arg5[%dma_wait3A_575, %dma_wait3A_576] : memref<50x512xi32, #tpu.memory_space<vmem>> -> memref<1x512xi32, #tpu.memory_space<vmem>>
    %dma_wait3A_578 = tpu.memref_squeeze %dma_wait3A_577 : memref<1x512xi32, #tpu.memory_space<vmem>> -> memref<512xi32, #tpu.memory_space<vmem>>
    %dma_wait3A_579 = tpu.memref_slice %arg3[%add3A_574] : memref<819200xi32, #tpu.memory_space<hbm>> -> memref<512xi32, #tpu.memory_space<hbm>>
    %dma_wait3A_580 = arith.constant 0 : i32
    %dma_wait3A_581 = tpu.memref_slice %arg5[%dma_wait3A_575, %dma_wait3A_580] : memref<50x512xi32, #tpu.memory_space<vmem>> -> memref<1x512xi32, #tpu.memory_space<vmem>>
    %dma_wait3A_582 = tpu.memref_squeeze %dma_wait3A_581 : memref<1x512xi32, #tpu.memory_space<vmem>> -> memref<512xi32, #tpu.memory_space<vmem>>
    %dma_wait3A_583 = tpu.memref_slice %arg3[%add3A_574] : memref<819200xi32, #tpu.memory_space<hbm>> -> memref<512xi32, #tpu.memory_space<hbm>>
    tpu.wait_dma2 semaphore(%arg10 : memref<!tpu.dma_semaphore, #tpu.memory_space<semaphore_mem>>) src(%dma_wait3A_583 : memref<512xi32, #tpu.memory_space<hbm>>) dst(%dma_wait3A_582 : memref<512xi32, #tpu.memory_space<vmem>>)
    %add3A_584 = arith.constant 49152 : i32
    %add3A_585 = arith.addi %add3A_584, %mul3A_2 : i32
    %dma_wait3A_586 = arith.constant 3 : i32
    %dma_wait3A_587 = arith.constant 0 : i32
    %dma_wait3A_588 = tpu.memref_slice %arg5[%dma_wait3A_586, %dma_wait3A_587] : memref<50x512xi32, #tpu.memory_space<vmem>> -> memref<1x512xi32, #tpu.memory_space<vmem>>
    %dma_wait3A_589 = tpu.memref_squeeze %dma_wait3A_588 : memref<1x512xi32, #tpu.memory_space<vmem>> -> memref<512xi32, #tpu.memory_space<vmem>>
    %dma_wait3A_590 = tpu.memref_slice %arg3[%add3A_585] : memref<819200xi32, #tpu.memory_space<hbm>> -> memref<512xi32, #tpu.memory_space<hbm>>
    %dma_wait3A_591 = arith.constant 0 : i32
    %dma_wait3A_592 = tpu.memref_slice %arg5[%dma_wait3A_586, %dma_wait3A_591] : memref<50x512xi32, #tpu.memory_space<vmem>> -> memref<1x512xi32, #tpu.memory_space<vmem>>
    %dma_wait3A_593 = tpu.memref_squeeze %dma_wait3A_592 : memref<1x512xi32, #tpu.memory_space<vmem>> -> memref<512xi32, #tpu.memory_space<vmem>>
    %dma_wait3A_594 = tpu.memref_slice %arg3[%add3A_585] : memref<819200xi32, #tpu.memory_space<hbm>> -> memref<512xi32, #tpu.memory_space<hbm>>
    tpu.wait_dma2 semaphore(%arg10 : memref<!tpu.dma_semaphore, #tpu.memory_space<semaphore_mem>>) src(%dma_wait3A_594 : memref<512xi32, #tpu.memory_space<hbm>>) dst(%dma_wait3A_593 : memref<512xi32, #tpu.memory_space<vmem>>)
    %add3A_595 = arith.constant 65536 : i32
    %add3A_596 = arith.addi %add3A_595, %mul3A_2 : i32
    %dma_wait3A_597 = arith.constant 4 : i32
    %dma_wait3A_598 = arith.constant 0 : i32
    %dma_wait3A_599 = tpu.memref_slice %arg5[%dma_wait3A_597, %dma_wait3A_598] : memref<50x512xi32, #tpu.memory_space<vmem>> -> memref<1x512xi32, #tpu.memory_space<vmem>>
    %dma_wait3A_600 = tpu.memref_squeeze %dma_wait3A_599 : memref<1x512xi32, #tpu.memory_space<vmem>> -> memref<512xi32, #tpu.memory_space<vmem>>
    %dma_wait3A_601 = tpu.memref_slice %arg3[%add3A_596] : memref<819200xi32, #tpu.memory_space<hbm>> -> memref<512xi32, #tpu.memory_space<hbm>>
    %dma_wait3A_602 = arith.constant 0 : i32
    %dma_wait3A_603 = tpu.memref_slice %arg5[%dma_wait3A_597, %dma_wait3A_602] : memref<50x512xi32, #tpu.memory_space<vmem>> -> memref<1x512xi32, #tpu.memory_space<vmem>>
    %dma_wait3A_604 = tpu.memref_squeeze %dma_wait3A_603 : memref<1x512xi32, #tpu.memory_space<vmem>> -> memref<512xi32, #tpu.memory_space<vmem>>
    %dma_wait3A_605 = tpu.memref_slice %arg3[%add3A_596] : memref<819200xi32, #tpu.memory_space<hbm>> -> memref<512xi32, #tpu.memory_space<hbm>>
    tpu.wait_dma2 semaphore(%arg10 : memref<!tpu.dma_semaphore, #tpu.memory_space<semaphore_mem>>) src(%dma_wait3A_605 : memref<512xi32, #tpu.memory_space<hbm>>) dst(%dma_wait3A_604 : memref<512xi32, #tpu.memory_space<vmem>>)
    %add3A_606 = arith.constant 81920 : i32
    %add3A_607 = arith.addi %add3A_606, %mul3A_2 : i32
    %dma_wait3A_608 = arith.constant 5 : i32
    %dma_wait3A_609 = arith.constant 0 : i32
    %dma_wait3A_610 = tpu.memref_slice %arg5[%dma_wait3A_608, %dma_wait3A_609] : memref<50x512xi32, #tpu.memory_space<vmem>> -> memref<1x512xi32, #tpu.memory_space<vmem>>
    %dma_wait3A_611 = tpu.memref_squeeze %dma_wait3A_610 : memref<1x512xi32, #tpu.memory_space<vmem>> -> memref<512xi32, #tpu.memory_space<vmem>>
    %dma_wait3A_612 = tpu.memref_slice %arg3[%add3A_607] : memref<819200xi32, #tpu.memory_space<hbm>> -> memref<512xi32, #tpu.memory_space<hbm>>
    %dma_wait3A_613 = arith.constant 0 : i32
    %dma_wait3A_614 = tpu.memref_slice %arg5[%dma_wait3A_608, %dma_wait3A_613] : memref<50x512xi32, #tpu.memory_space<vmem>> -> memref<1x512xi32, #tpu.memory_space<vmem>>
    %dma_wait3A_615 = tpu.memref_squeeze %dma_wait3A_614 : memref<1x512xi32, #tpu.memory_space<vmem>> -> memref<512xi32, #tpu.memory_space<vmem>>
    %dma_wait3A_616 = tpu.memref_slice %arg3[%add3A_607] : memref<819200xi32, #tpu.memory_space<hbm>> -> memref<512xi32, #tpu.memory_space<hbm>>
    tpu.wait_dma2 semaphore(%arg10 : memref<!tpu.dma_semaphore, #tpu.memory_space<semaphore_mem>>) src(%dma_wait3A_616 : memref<512xi32, #tpu.memory_space<hbm>>) dst(%dma_wait3A_615 : memref<512xi32, #tpu.memory_space<vmem>>)
    %add3A_617 = arith.constant 98304 : i32
    %add3A_618 = arith.addi %add3A_617, %mul3A_2 : i32
    %dma_wait3A_619 = arith.constant 6 : i32
    %dma_wait3A_620 = arith.constant 0 : i32
    %dma_wait3A_621 = tpu.memref_slice %arg5[%dma_wait3A_619, %dma_wait3A_620] : memref<50x512xi32, #tpu.memory_space<vmem>> -> memref<1x512xi32, #tpu.memory_space<vmem>>
    %dma_wait3A_622 = tpu.memref_squeeze %dma_wait3A_621 : memref<1x512xi32, #tpu.memory_space<vmem>> -> memref<512xi32, #tpu.memory_space<vmem>>
    %dma_wait3A_623 = tpu.memref_slice %arg3[%add3A_618] : memref<819200xi32, #tpu.memory_space<hbm>> -> memref<512xi32, #tpu.memory_space<hbm>>
    %dma_wait3A_624 = arith.constant 0 : i32
    %dma_wait3A_625 = tpu.memref_slice %arg5[%dma_wait3A_619, %dma_wait3A_624] : memref<50x512xi32, #tpu.memory_space<vmem>> -> memref<1x512xi32, #tpu.memory_space<vmem>>
    %dma_wait3A_626 = tpu.memref_squeeze %dma_wait3A_625 : memref<1x512xi32, #tpu.memory_space<vmem>> -> memref<512xi32, #tpu.memory_space<vmem>>
    %dma_wait3A_627 = tpu.memref_slice %arg3[%add3A_618] : memref<819200xi32, #tpu.memory_space<hbm>> -> memref<512xi32, #tpu.memory_space<hbm>>
    tpu.wait_dma2 semaphore(%arg10 : memref<!tpu.dma_semaphore, #tpu.memory_space<semaphore_mem>>) src(%dma_wait3A_627 : memref<512xi32, #tpu.memory_space<hbm>>) dst(%dma_wait3A_626 : memref<512xi32, #tpu.memory_space<vmem>>)
    %add3A_628 = arith.constant 114688 : i32
    %add3A_629 = arith.addi %add3A_628, %mul3A_2 : i32
    %dma_wait3A_630 = arith.constant 7 : i32
    %dma_wait3A_631 = arith.constant 0 : i32
    %dma_wait3A_632 = tpu.memref_slice %arg5[%dma_wait3A_630, %dma_wait3A_631] : memref<50x512xi32, #tpu.memory_space<vmem>> -> memref<1x512xi32, #tpu.memory_space<vmem>>
    %dma_wait3A_633 = tpu.memref_squeeze %dma_wait3A_632 : memref<1x512xi32, #tpu.memory_space<vmem>> -> memref<512xi32, #tpu.memory_space<vmem>>
    %dma_wait3A_634 = tpu.memref_slice %arg3[%add3A_629] : memref<819200xi32, #tpu.memory_space<hbm>> -> memref<512xi32, #tpu.memory_space<hbm>>
    %dma_wait3A_635 = arith.constant 0 : i32
    %dma_wait3A_636 = tpu.memref_slice %arg5[%dma_wait3A_630, %dma_wait3A_635] : memref<50x512xi32, #tpu.memory_space<vmem>> -> memref<1x512xi32, #tpu.memory_space<vmem>>
    %dma_wait3A_637 = tpu.memref_squeeze %dma_wait3A_636 : memref<1x512xi32, #tpu.memory_space<vmem>> -> memref<512xi32, #tpu.memory_space<vmem>>
    %dma_wait3A_638 = tpu.memref_slice %arg3[%add3A_629] : memref<819200xi32, #tpu.memory_space<hbm>> -> memref<512xi32, #tpu.memory_space<hbm>>
    tpu.wait_dma2 semaphore(%arg10 : memref<!tpu.dma_semaphore, #tpu.memory_space<semaphore_mem>>) src(%dma_wait3A_638 : memref<512xi32, #tpu.memory_space<hbm>>) dst(%dma_wait3A_637 : memref<512xi32, #tpu.memory_space<vmem>>)
    %add3A_639 = arith.constant 131072 : i32
    %add3A_640 = arith.addi %add3A_639, %mul3A_2 : i32
    %dma_wait3A_641 = arith.constant 8 : i32
    %dma_wait3A_642 = arith.constant 0 : i32
    %dma_wait3A_643 = tpu.memref_slice %arg5[%dma_wait3A_641, %dma_wait3A_642] : memref<50x512xi32, #tpu.memory_space<vmem>> -> memref<1x512xi32, #tpu.memory_space<vmem>>
    %dma_wait3A_644 = tpu.memref_squeeze %dma_wait3A_643 : memref<1x512xi32, #tpu.memory_space<vmem>> -> memref<512xi32, #tpu.memory_space<vmem>>
    %dma_wait3A_645 = tpu.memref_slice %arg3[%add3A_640] : memref<819200xi32, #tpu.memory_space<hbm>> -> memref<512xi32, #tpu.memory_space<hbm>>
    %dma_wait3A_646 = arith.constant 0 : i32
    %dma_wait3A_647 = tpu.memref_slice %arg5[%dma_wait3A_641, %dma_wait3A_646] : memref<50x512xi32, #tpu.memory_space<vmem>> -> memref<1x512xi32, #tpu.memory_space<vmem>>
    %dma_wait3A_648 = tpu.memref_squeeze %dma_wait3A_647 : memref<1x512xi32, #tpu.memory_space<vmem>> -> memref<512xi32, #tpu.memory_space<vmem>>
    %dma_wait3A_649 = tpu.memref_slice %arg3[%add3A_640] : memref<819200xi32, #tpu.memory_space<hbm>> -> memref<512xi32, #tpu.memory_space<hbm>>
    tpu.wait_dma2 semaphore(%arg10 : memref<!tpu.dma_semaphore, #tpu.memory_space<semaphore_mem>>) src(%dma_wait3A_649 : memref<512xi32, #tpu.memory_space<hbm>>) dst(%dma_wait3A_648 : memref<512xi32, #tpu.memory_space<vmem>>)
    %add3A_650 = arith.constant 147456 : i32
    %add3A_651 = arith.addi %add3A_650, %mul3A_2 : i32
    %dma_wait3A_652 = arith.constant 9 : i32
    %dma_wait3A_653 = arith.constant 0 : i32
    %dma_wait3A_654 = tpu.memref_slice %arg5[%dma_wait3A_652, %dma_wait3A_653] : memref<50x512xi32, #tpu.memory_space<vmem>> -> memref<1x512xi32, #tpu.memory_space<vmem>>
    %dma_wait3A_655 = tpu.memref_squeeze %dma_wait3A_654 : memref<1x512xi32, #tpu.memory_space<vmem>> -> memref<512xi32, #tpu.memory_space<vmem>>
    %dma_wait3A_656 = tpu.memref_slice %arg3[%add3A_651] : memref<819200xi32, #tpu.memory_space<hbm>> -> memref<512xi32, #tpu.memory_space<hbm>>
    %dma_wait3A_657 = arith.constant 0 : i32
    %dma_wait3A_658 = tpu.memref_slice %arg5[%dma_wait3A_652, %dma_wait3A_657] : memref<50x512xi32, #tpu.memory_space<vmem>> -> memref<1x512xi32, #tpu.memory_space<vmem>>
    %dma_wait3A_659 = tpu.memref_squeeze %dma_wait3A_658 : memref<1x512xi32, #tpu.memory_space<vmem>> -> memref<512xi32, #tpu.memory_space<vmem>>
    %dma_wait3A_660 = tpu.memref_slice %arg3[%add3A_651] : memref<819200xi32, #tpu.memory_space<hbm>> -> memref<512xi32, #tpu.memory_space<hbm>>
    tpu.wait_dma2 semaphore(%arg10 : memref<!tpu.dma_semaphore, #tpu.memory_space<semaphore_mem>>) src(%dma_wait3A_660 : memref<512xi32, #tpu.memory_space<hbm>>) dst(%dma_wait3A_659 : memref<512xi32, #tpu.memory_space<vmem>>)
    %add3A_661 = arith.constant 163840 : i32
    %add3A_662 = arith.addi %add3A_661, %mul3A_2 : i32
    %dma_wait3A_663 = arith.constant 10 : i32
    %dma_wait3A_664 = arith.constant 0 : i32
    %dma_wait3A_665 = tpu.memref_slice %arg5[%dma_wait3A_663, %dma_wait3A_664] : memref<50x512xi32, #tpu.memory_space<vmem>> -> memref<1x512xi32, #tpu.memory_space<vmem>>
    %dma_wait3A_666 = tpu.memref_squeeze %dma_wait3A_665 : memref<1x512xi32, #tpu.memory_space<vmem>> -> memref<512xi32, #tpu.memory_space<vmem>>
    %dma_wait3A_667 = tpu.memref_slice %arg3[%add3A_662] : memref<819200xi32, #tpu.memory_space<hbm>> -> memref<512xi32, #tpu.memory_space<hbm>>
    %dma_wait3A_668 = arith.constant 0 : i32
    %dma_wait3A_669 = tpu.memref_slice %arg5[%dma_wait3A_663, %dma_wait3A_668] : memref<50x512xi32, #tpu.memory_space<vmem>> -> memref<1x512xi32, #tpu.memory_space<vmem>>
    %dma_wait3A_670 = tpu.memref_squeeze %dma_wait3A_669 : memref<1x512xi32, #tpu.memory_space<vmem>> -> memref<512xi32, #tpu.memory_space<vmem>>
    %dma_wait3A_671 = tpu.memref_slice %arg3[%add3A_662] : memref<819200xi32, #tpu.memory_space<hbm>> -> memref<512xi32, #tpu.memory_space<hbm>>
    tpu.wait_dma2 semaphore(%arg10 : memref<!tpu.dma_semaphore, #tpu.memory_space<semaphore_mem>>) src(%dma_wait3A_671 : memref<512xi32, #tpu.memory_space<hbm>>) dst(%dma_wait3A_670 : memref<512xi32, #tpu.memory_space<vmem>>)
    %add3A_672 = arith.constant 180224 : i32
    %add3A_673 = arith.addi %add3A_672, %mul3A_2 : i32
    %dma_wait3A_674 = arith.constant 11 : i32
    %dma_wait3A_675 = arith.constant 0 : i32
    %dma_wait3A_676 = tpu.memref_slice %arg5[%dma_wait3A_674, %dma_wait3A_675] : memref<50x512xi32, #tpu.memory_space<vmem>> -> memref<1x512xi32, #tpu.memory_space<vmem>>
    %dma_wait3A_677 = tpu.memref_squeeze %dma_wait3A_676 : memref<1x512xi32, #tpu.memory_space<vmem>> -> memref<512xi32, #tpu.memory_space<vmem>>
    %dma_wait3A_678 = tpu.memref_slice %arg3[%add3A_673] : memref<819200xi32, #tpu.memory_space<hbm>> -> memref<512xi32, #tpu.memory_space<hbm>>
    %dma_wait3A_679 = arith.constant 0 : i32
    %dma_wait3A_680 = tpu.memref_slice %arg5[%dma_wait3A_674, %dma_wait3A_679] : memref<50x512xi32, #tpu.memory_space<vmem>> -> memref<1x512xi32, #tpu.memory_space<vmem>>
    %dma_wait3A_681 = tpu.memref_squeeze %dma_wait3A_680 : memref<1x512xi32, #tpu.memory_space<vmem>> -> memref<512xi32, #tpu.memory_space<vmem>>
    %dma_wait3A_682 = tpu.memref_slice %arg3[%add3A_673] : memref<819200xi32, #tpu.memory_space<hbm>> -> memref<512xi32, #tpu.memory_space<hbm>>
    tpu.wait_dma2 semaphore(%arg10 : memref<!tpu.dma_semaphore, #tpu.memory_space<semaphore_mem>>) src(%dma_wait3A_682 : memref<512xi32, #tpu.memory_space<hbm>>) dst(%dma_wait3A_681 : memref<512xi32, #tpu.memory_space<vmem>>)
    %add3A_683 = arith.constant 196608 : i32
    %add3A_684 = arith.addi %add3A_683, %mul3A_2 : i32
    %dma_wait3A_685 = arith.constant 12 : i32
    %dma_wait3A_686 = arith.constant 0 : i32
    %dma_wait3A_687 = tpu.memref_slice %arg5[%dma_wait3A_685, %dma_wait3A_686] : memref<50x512xi32, #tpu.memory_space<vmem>> -> memref<1x512xi32, #tpu.memory_space<vmem>>
    %dma_wait3A_688 = tpu.memref_squeeze %dma_wait3A_687 : memref<1x512xi32, #tpu.memory_space<vmem>> -> memref<512xi32, #tpu.memory_space<vmem>>
    %dma_wait3A_689 = tpu.memref_slice %arg3[%add3A_684] : memref<819200xi32, #tpu.memory_space<hbm>> -> memref<512xi32, #tpu.memory_space<hbm>>
    %dma_wait3A_690 = arith.constant 0 : i32
    %dma_wait3A_691 = tpu.memref_slice %arg5[%dma_wait3A_685, %dma_wait3A_690] : memref<50x512xi32, #tpu.memory_space<vmem>> -> memref<1x512xi32, #tpu.memory_space<vmem>>
    %dma_wait3A_692 = tpu.memref_squeeze %dma_wait3A_691 : memref<1x512xi32, #tpu.memory_space<vmem>> -> memref<512xi32, #tpu.memory_space<vmem>>
    %dma_wait3A_693 = tpu.memref_slice %arg3[%add3A_684] : memref<819200xi32, #tpu.memory_space<hbm>> -> memref<512xi32, #tpu.memory_space<hbm>>
    tpu.wait_dma2 semaphore(%arg10 : memref<!tpu.dma_semaphore, #tpu.memory_space<semaphore_mem>>) src(%dma_wait3A_693 : memref<512xi32, #tpu.memory_space<hbm>>) dst(%dma_wait3A_692 : memref<512xi32, #tpu.memory_space<vmem>>)
    %add3A_694 = arith.constant 212992 : i32
    %add3A_695 = arith.addi %add3A_694, %mul3A_2 : i32
    %dma_wait3A_696 = arith.constant 13 : i32
    %dma_wait3A_697 = arith.constant 0 : i32
    %dma_wait3A_698 = tpu.memref_slice %arg5[%dma_wait3A_696, %dma_wait3A_697] : memref<50x512xi32, #tpu.memory_space<vmem>> -> memref<1x512xi32, #tpu.memory_space<vmem>>
    %dma_wait3A_699 = tpu.memref_squeeze %dma_wait3A_698 : memref<1x512xi32, #tpu.memory_space<vmem>> -> memref<512xi32, #tpu.memory_space<vmem>>
    %dma_wait3A_700 = tpu.memref_slice %arg3[%add3A_695] : memref<819200xi32, #tpu.memory_space<hbm>> -> memref<512xi32, #tpu.memory_space<hbm>>
    %dma_wait3A_701 = arith.constant 0 : i32
    %dma_wait3A_702 = tpu.memref_slice %arg5[%dma_wait3A_696, %dma_wait3A_701] : memref<50x512xi32, #tpu.memory_space<vmem>> -> memref<1x512xi32, #tpu.memory_space<vmem>>
    %dma_wait3A_703 = tpu.memref_squeeze %dma_wait3A_702 : memref<1x512xi32, #tpu.memory_space<vmem>> -> memref<512xi32, #tpu.memory_space<vmem>>
    %dma_wait3A_704 = tpu.memref_slice %arg3[%add3A_695] : memref<819200xi32, #tpu.memory_space<hbm>> -> memref<512xi32, #tpu.memory_space<hbm>>
    tpu.wait_dma2 semaphore(%arg10 : memref<!tpu.dma_semaphore, #tpu.memory_space<semaphore_mem>>) src(%dma_wait3A_704 : memref<512xi32, #tpu.memory_space<hbm>>) dst(%dma_wait3A_703 : memref<512xi32, #tpu.memory_space<vmem>>)
    %add3A_705 = arith.constant 229376 : i32
    %add3A_706 = arith.addi %add3A_705, %mul3A_2 : i32
    %dma_wait3A_707 = arith.constant 14 : i32
    %dma_wait3A_708 = arith.constant 0 : i32
    %dma_wait3A_709 = tpu.memref_slice %arg5[%dma_wait3A_707, %dma_wait3A_708] : memref<50x512xi32, #tpu.memory_space<vmem>> -> memref<1x512xi32, #tpu.memory_space<vmem>>
    %dma_wait3A_710 = tpu.memref_squeeze %dma_wait3A_709 : memref<1x512xi32, #tpu.memory_space<vmem>> -> memref<512xi32, #tpu.memory_space<vmem>>
    %dma_wait3A_711 = tpu.memref_slice %arg3[%add3A_706] : memref<819200xi32, #tpu.memory_space<hbm>> -> memref<512xi32, #tpu.memory_space<hbm>>
    %dma_wait3A_712 = arith.constant 0 : i32
    %dma_wait3A_713 = tpu.memref_slice %arg5[%dma_wait3A_707, %dma_wait3A_712] : memref<50x512xi32, #tpu.memory_space<vmem>> -> memref<1x512xi32, #tpu.memory_space<vmem>>
    %dma_wait3A_714 = tpu.memref_squeeze %dma_wait3A_713 : memref<1x512xi32, #tpu.memory_space<vmem>> -> memref<512xi32, #tpu.memory_space<vmem>>
    %dma_wait3A_715 = tpu.memref_slice %arg3[%add3A_706] : memref<819200xi32, #tpu.memory_space<hbm>> -> memref<512xi32, #tpu.memory_space<hbm>>
    tpu.wait_dma2 semaphore(%arg10 : memref<!tpu.dma_semaphore, #tpu.memory_space<semaphore_mem>>) src(%dma_wait3A_715 : memref<512xi32, #tpu.memory_space<hbm>>) dst(%dma_wait3A_714 : memref<512xi32, #tpu.memory_space<vmem>>)
    %add3A_716 = arith.constant 245760 : i32
    %add3A_717 = arith.addi %add3A_716, %mul3A_2 : i32
    %dma_wait3A_718 = arith.constant 15 : i32
    %dma_wait3A_719 = arith.constant 0 : i32
    %dma_wait3A_720 = tpu.memref_slice %arg5[%dma_wait3A_718, %dma_wait3A_719] : memref<50x512xi32, #tpu.memory_space<vmem>> -> memref<1x512xi32, #tpu.memory_space<vmem>>
    %dma_wait3A_721 = tpu.memref_squeeze %dma_wait3A_720 : memref<1x512xi32, #tpu.memory_space<vmem>> -> memref<512xi32, #tpu.memory_space<vmem>>
    %dma_wait3A_722 = tpu.memref_slice %arg3[%add3A_717] : memref<819200xi32, #tpu.memory_space<hbm>> -> memref<512xi32, #tpu.memory_space<hbm>>
    %dma_wait3A_723 = arith.constant 0 : i32
    %dma_wait3A_724 = tpu.memref_slice %arg5[%dma_wait3A_718, %dma_wait3A_723] : memref<50x512xi32, #tpu.memory_space<vmem>> -> memref<1x512xi32, #tpu.memory_space<vmem>>
    %dma_wait3A_725 = tpu.memref_squeeze %dma_wait3A_724 : memref<1x512xi32, #tpu.memory_space<vmem>> -> memref<512xi32, #tpu.memory_space<vmem>>
    %dma_wait3A_726 = tpu.memref_slice %arg3[%add3A_717] : memref<819200xi32, #tpu.memory_space<hbm>> -> memref<512xi32, #tpu.memory_space<hbm>>
    tpu.wait_dma2 semaphore(%arg10 : memref<!tpu.dma_semaphore, #tpu.memory_space<semaphore_mem>>) src(%dma_wait3A_726 : memref<512xi32, #tpu.memory_space<hbm>>) dst(%dma_wait3A_725 : memref<512xi32, #tpu.memory_space<vmem>>)
    %add3A_727 = arith.constant 262144 : i32
    %add3A_728 = arith.addi %add3A_727, %mul3A_2 : i32
    %dma_wait3A_729 = arith.constant 16 : i32
    %dma_wait3A_730 = arith.constant 0 : i32
    %dma_wait3A_731 = tpu.memref_slice %arg5[%dma_wait3A_729, %dma_wait3A_730] : memref<50x512xi32, #tpu.memory_space<vmem>> -> memref<1x512xi32, #tpu.memory_space<vmem>>
    %dma_wait3A_732 = tpu.memref_squeeze %dma_wait3A_731 : memref<1x512xi32, #tpu.memory_space<vmem>> -> memref<512xi32, #tpu.memory_space<vmem>>
    %dma_wait3A_733 = tpu.memref_slice %arg3[%add3A_728] : memref<819200xi32, #tpu.memory_space<hbm>> -> memref<512xi32, #tpu.memory_space<hbm>>
    %dma_wait3A_734 = arith.constant 0 : i32
    %dma_wait3A_735 = tpu.memref_slice %arg5[%dma_wait3A_729, %dma_wait3A_734] : memref<50x512xi32, #tpu.memory_space<vmem>> -> memref<1x512xi32, #tpu.memory_space<vmem>>
    %dma_wait3A_736 = tpu.memref_squeeze %dma_wait3A_735 : memref<1x512xi32, #tpu.memory_space<vmem>> -> memref<512xi32, #tpu.memory_space<vmem>>
    %dma_wait3A_737 = tpu.memref_slice %arg3[%add3A_728] : memref<819200xi32, #tpu.memory_space<hbm>> -> memref<512xi32, #tpu.memory_space<hbm>>
    tpu.wait_dma2 semaphore(%arg10 : memref<!tpu.dma_semaphore, #tpu.memory_space<semaphore_mem>>) src(%dma_wait3A_737 : memref<512xi32, #tpu.memory_space<hbm>>) dst(%dma_wait3A_736 : memref<512xi32, #tpu.memory_space<vmem>>)
    %add3A_738 = arith.constant 278528 : i32
    %add3A_739 = arith.addi %add3A_738, %mul3A_2 : i32
    %dma_wait3A_740 = arith.constant 17 : i32
    %dma_wait3A_741 = arith.constant 0 : i32
    %dma_wait3A_742 = tpu.memref_slice %arg5[%dma_wait3A_740, %dma_wait3A_741] : memref<50x512xi32, #tpu.memory_space<vmem>> -> memref<1x512xi32, #tpu.memory_space<vmem>>
    %dma_wait3A_743 = tpu.memref_squeeze %dma_wait3A_742 : memref<1x512xi32, #tpu.memory_space<vmem>> -> memref<512xi32, #tpu.memory_space<vmem>>
    %dma_wait3A_744 = tpu.memref_slice %arg3[%add3A_739] : memref<819200xi32, #tpu.memory_space<hbm>> -> memref<512xi32, #tpu.memory_space<hbm>>
    %dma_wait3A_745 = arith.constant 0 : i32
    %dma_wait3A_746 = tpu.memref_slice %arg5[%dma_wait3A_740, %dma_wait3A_745] : memref<50x512xi32, #tpu.memory_space<vmem>> -> memref<1x512xi32, #tpu.memory_space<vmem>>
    %dma_wait3A_747 = tpu.memref_squeeze %dma_wait3A_746 : memref<1x512xi32, #tpu.memory_space<vmem>> -> memref<512xi32, #tpu.memory_space<vmem>>
    %dma_wait3A_748 = tpu.memref_slice %arg3[%add3A_739] : memref<819200xi32, #tpu.memory_space<hbm>> -> memref<512xi32, #tpu.memory_space<hbm>>
    tpu.wait_dma2 semaphore(%arg10 : memref<!tpu.dma_semaphore, #tpu.memory_space<semaphore_mem>>) src(%dma_wait3A_748 : memref<512xi32, #tpu.memory_space<hbm>>) dst(%dma_wait3A_747 : memref<512xi32, #tpu.memory_space<vmem>>)
    %add3A_749 = arith.constant 294912 : i32
    %add3A_750 = arith.addi %add3A_749, %mul3A_2 : i32
    %dma_wait3A_751 = arith.constant 18 : i32
    %dma_wait3A_752 = arith.constant 0 : i32
    %dma_wait3A_753 = tpu.memref_slice %arg5[%dma_wait3A_751, %dma_wait3A_752] : memref<50x512xi32, #tpu.memory_space<vmem>> -> memref<1x512xi32, #tpu.memory_space<vmem>>
    %dma_wait3A_754 = tpu.memref_squeeze %dma_wait3A_753 : memref<1x512xi32, #tpu.memory_space<vmem>> -> memref<512xi32, #tpu.memory_space<vmem>>
    %dma_wait3A_755 = tpu.memref_slice %arg3[%add3A_750] : memref<819200xi32, #tpu.memory_space<hbm>> -> memref<512xi32, #tpu.memory_space<hbm>>
    %dma_wait3A_756 = arith.constant 0 : i32
    %dma_wait3A_757 = tpu.memref_slice %arg5[%dma_wait3A_751, %dma_wait3A_756] : memref<50x512xi32, #tpu.memory_space<vmem>> -> memref<1x512xi32, #tpu.memory_space<vmem>>
    %dma_wait3A_758 = tpu.memref_squeeze %dma_wait3A_757 : memref<1x512xi32, #tpu.memory_space<vmem>> -> memref<512xi32, #tpu.memory_space<vmem>>
    %dma_wait3A_759 = tpu.memref_slice %arg3[%add3A_750] : memref<819200xi32, #tpu.memory_space<hbm>> -> memref<512xi32, #tpu.memory_space<hbm>>
    tpu.wait_dma2 semaphore(%arg10 : memref<!tpu.dma_semaphore, #tpu.memory_space<semaphore_mem>>) src(%dma_wait3A_759 : memref<512xi32, #tpu.memory_space<hbm>>) dst(%dma_wait3A_758 : memref<512xi32, #tpu.memory_space<vmem>>)
    %add3A_760 = arith.constant 311296 : i32
    %add3A_761 = arith.addi %add3A_760, %mul3A_2 : i32
    %dma_wait3A_762 = arith.constant 19 : i32
    %dma_wait3A_763 = arith.constant 0 : i32
    %dma_wait3A_764 = tpu.memref_slice %arg5[%dma_wait3A_762, %dma_wait3A_763] : memref<50x512xi32, #tpu.memory_space<vmem>> -> memref<1x512xi32, #tpu.memory_space<vmem>>
    %dma_wait3A_765 = tpu.memref_squeeze %dma_wait3A_764 : memref<1x512xi32, #tpu.memory_space<vmem>> -> memref<512xi32, #tpu.memory_space<vmem>>
    %dma_wait3A_766 = tpu.memref_slice %arg3[%add3A_761] : memref<819200xi32, #tpu.memory_space<hbm>> -> memref<512xi32, #tpu.memory_space<hbm>>
    %dma_wait3A_767 = arith.constant 0 : i32
    %dma_wait3A_768 = tpu.memref_slice %arg5[%dma_wait3A_762, %dma_wait3A_767] : memref<50x512xi32, #tpu.memory_space<vmem>> -> memref<1x512xi32, #tpu.memory_space<vmem>>
    %dma_wait3A_769 = tpu.memref_squeeze %dma_wait3A_768 : memref<1x512xi32, #tpu.memory_space<vmem>> -> memref<512xi32, #tpu.memory_space<vmem>>
    %dma_wait3A_770 = tpu.memref_slice %arg3[%add3A_761] : memref<819200xi32, #tpu.memory_space<hbm>> -> memref<512xi32, #tpu.memory_space<hbm>>
    tpu.wait_dma2 semaphore(%arg10 : memref<!tpu.dma_semaphore, #tpu.memory_space<semaphore_mem>>) src(%dma_wait3A_770 : memref<512xi32, #tpu.memory_space<hbm>>) dst(%dma_wait3A_769 : memref<512xi32, #tpu.memory_space<vmem>>)
    %add3A_771 = arith.constant 327680 : i32
    %add3A_772 = arith.addi %add3A_771, %mul3A_2 : i32
    %dma_wait3A_773 = arith.constant 20 : i32
    %dma_wait3A_774 = arith.constant 0 : i32
    %dma_wait3A_775 = tpu.memref_slice %arg5[%dma_wait3A_773, %dma_wait3A_774] : memref<50x512xi32, #tpu.memory_space<vmem>> -> memref<1x512xi32, #tpu.memory_space<vmem>>
    %dma_wait3A_776 = tpu.memref_squeeze %dma_wait3A_775 : memref<1x512xi32, #tpu.memory_space<vmem>> -> memref<512xi32, #tpu.memory_space<vmem>>
    %dma_wait3A_777 = tpu.memref_slice %arg3[%add3A_772] : memref<819200xi32, #tpu.memory_space<hbm>> -> memref<512xi32, #tpu.memory_space<hbm>>
    %dma_wait3A_778 = arith.constant 0 : i32
    %dma_wait3A_779 = tpu.memref_slice %arg5[%dma_wait3A_773, %dma_wait3A_778] : memref<50x512xi32, #tpu.memory_space<vmem>> -> memref<1x512xi32, #tpu.memory_space<vmem>>
    %dma_wait3A_780 = tpu.memref_squeeze %dma_wait3A_779 : memref<1x512xi32, #tpu.memory_space<vmem>> -> memref<512xi32, #tpu.memory_space<vmem>>
    %dma_wait3A_781 = tpu.memref_slice %arg3[%add3A_772] : memref<819200xi32, #tpu.memory_space<hbm>> -> memref<512xi32, #tpu.memory_space<hbm>>
    tpu.wait_dma2 semaphore(%arg10 : memref<!tpu.dma_semaphore, #tpu.memory_space<semaphore_mem>>) src(%dma_wait3A_781 : memref<512xi32, #tpu.memory_space<hbm>>) dst(%dma_wait3A_780 : memref<512xi32, #tpu.memory_space<vmem>>)
    %add3A_782 = arith.constant 344064 : i32
    %add3A_783 = arith.addi %add3A_782, %mul3A_2 : i32
    %dma_wait3A_784 = arith.constant 21 : i32
    %dma_wait3A_785 = arith.constant 0 : i32
    %dma_wait3A_786 = tpu.memref_slice %arg5[%dma_wait3A_784, %dma_wait3A_785] : memref<50x512xi32, #tpu.memory_space<vmem>> -> memref<1x512xi32, #tpu.memory_space<vmem>>
    %dma_wait3A_787 = tpu.memref_squeeze %dma_wait3A_786 : memref<1x512xi32, #tpu.memory_space<vmem>> -> memref<512xi32, #tpu.memory_space<vmem>>
    %dma_wait3A_788 = tpu.memref_slice %arg3[%add3A_783] : memref<819200xi32, #tpu.memory_space<hbm>> -> memref<512xi32, #tpu.memory_space<hbm>>
    %dma_wait3A_789 = arith.constant 0 : i32
    %dma_wait3A_790 = tpu.memref_slice %arg5[%dma_wait3A_784, %dma_wait3A_789] : memref<50x512xi32, #tpu.memory_space<vmem>> -> memref<1x512xi32, #tpu.memory_space<vmem>>
    %dma_wait3A_791 = tpu.memref_squeeze %dma_wait3A_790 : memref<1x512xi32, #tpu.memory_space<vmem>> -> memref<512xi32, #tpu.memory_space<vmem>>
    %dma_wait3A_792 = tpu.memref_slice %arg3[%add3A_783] : memref<819200xi32, #tpu.memory_space<hbm>> -> memref<512xi32, #tpu.memory_space<hbm>>
    tpu.wait_dma2 semaphore(%arg10 : memref<!tpu.dma_semaphore, #tpu.memory_space<semaphore_mem>>) src(%dma_wait3A_792 : memref<512xi32, #tpu.memory_space<hbm>>) dst(%dma_wait3A_791 : memref<512xi32, #tpu.memory_space<vmem>>)
    %add3A_793 = arith.constant 360448 : i32
    %add3A_794 = arith.addi %add3A_793, %mul3A_2 : i32
    %dma_wait3A_795 = arith.constant 22 : i32
    %dma_wait3A_796 = arith.constant 0 : i32
    %dma_wait3A_797 = tpu.memref_slice %arg5[%dma_wait3A_795, %dma_wait3A_796] : memref<50x512xi32, #tpu.memory_space<vmem>> -> memref<1x512xi32, #tpu.memory_space<vmem>>
    %dma_wait3A_798 = tpu.memref_squeeze %dma_wait3A_797 : memref<1x512xi32, #tpu.memory_space<vmem>> -> memref<512xi32, #tpu.memory_space<vmem>>
    %dma_wait3A_799 = tpu.memref_slice %arg3[%add3A_794] : memref<819200xi32, #tpu.memory_space<hbm>> -> memref<512xi32, #tpu.memory_space<hbm>>
    %dma_wait3A_800 = arith.constant 0 : i32
    %dma_wait3A_801 = tpu.memref_slice %arg5[%dma_wait3A_795, %dma_wait3A_800] : memref<50x512xi32, #tpu.memory_space<vmem>> -> memref<1x512xi32, #tpu.memory_space<vmem>>
    %dma_wait3A_802 = tpu.memref_squeeze %dma_wait3A_801 : memref<1x512xi32, #tpu.memory_space<vmem>> -> memref<512xi32, #tpu.memory_space<vmem>>
    %dma_wait3A_803 = tpu.memref_slice %arg3[%add3A_794] : memref<819200xi32, #tpu.memory_space<hbm>> -> memref<512xi32, #tpu.memory_space<hbm>>
    tpu.wait_dma2 semaphore(%arg10 : memref<!tpu.dma_semaphore, #tpu.memory_space<semaphore_mem>>) src(%dma_wait3A_803 : memref<512xi32, #tpu.memory_space<hbm>>) dst(%dma_wait3A_802 : memref<512xi32, #tpu.memory_space<vmem>>)
    %add3A_804 = arith.constant 376832 : i32
    %add3A_805 = arith.addi %add3A_804, %mul3A_2 : i32
    %dma_wait3A_806 = arith.constant 23 : i32
    %dma_wait3A_807 = arith.constant 0 : i32
    %dma_wait3A_808 = tpu.memref_slice %arg5[%dma_wait3A_806, %dma_wait3A_807] : memref<50x512xi32, #tpu.memory_space<vmem>> -> memref<1x512xi32, #tpu.memory_space<vmem>>
    %dma_wait3A_809 = tpu.memref_squeeze %dma_wait3A_808 : memref<1x512xi32, #tpu.memory_space<vmem>> -> memref<512xi32, #tpu.memory_space<vmem>>
    %dma_wait3A_810 = tpu.memref_slice %arg3[%add3A_805] : memref<819200xi32, #tpu.memory_space<hbm>> -> memref<512xi32, #tpu.memory_space<hbm>>
    %dma_wait3A_811 = arith.constant 0 : i32
    %dma_wait3A_812 = tpu.memref_slice %arg5[%dma_wait3A_806, %dma_wait3A_811] : memref<50x512xi32, #tpu.memory_space<vmem>> -> memref<1x512xi32, #tpu.memory_space<vmem>>
    %dma_wait3A_813 = tpu.memref_squeeze %dma_wait3A_812 : memref<1x512xi32, #tpu.memory_space<vmem>> -> memref<512xi32, #tpu.memory_space<vmem>>
    %dma_wait3A_814 = tpu.memref_slice %arg3[%add3A_805] : memref<819200xi32, #tpu.memory_space<hbm>> -> memref<512xi32, #tpu.memory_space<hbm>>
    tpu.wait_dma2 semaphore(%arg10 : memref<!tpu.dma_semaphore, #tpu.memory_space<semaphore_mem>>) src(%dma_wait3A_814 : memref<512xi32, #tpu.memory_space<hbm>>) dst(%dma_wait3A_813 : memref<512xi32, #tpu.memory_space<vmem>>)
    %add3A_815 = arith.constant 393216 : i32
    %add3A_816 = arith.addi %add3A_815, %mul3A_2 : i32
    %dma_wait3A_817 = arith.constant 24 : i32
    %dma_wait3A_818 = arith.constant 0 : i32
    %dma_wait3A_819 = tpu.memref_slice %arg5[%dma_wait3A_817, %dma_wait3A_818] : memref<50x512xi32, #tpu.memory_space<vmem>> -> memref<1x512xi32, #tpu.memory_space<vmem>>
    %dma_wait3A_820 = tpu.memref_squeeze %dma_wait3A_819 : memref<1x512xi32, #tpu.memory_space<vmem>> -> memref<512xi32, #tpu.memory_space<vmem>>
    %dma_wait3A_821 = tpu.memref_slice %arg3[%add3A_816] : memref<819200xi32, #tpu.memory_space<hbm>> -> memref<512xi32, #tpu.memory_space<hbm>>
    %dma_wait3A_822 = arith.constant 0 : i32
    %dma_wait3A_823 = tpu.memref_slice %arg5[%dma_wait3A_817, %dma_wait3A_822] : memref<50x512xi32, #tpu.memory_space<vmem>> -> memref<1x512xi32, #tpu.memory_space<vmem>>
    %dma_wait3A_824 = tpu.memref_squeeze %dma_wait3A_823 : memref<1x512xi32, #tpu.memory_space<vmem>> -> memref<512xi32, #tpu.memory_space<vmem>>
    %dma_wait3A_825 = tpu.memref_slice %arg3[%add3A_816] : memref<819200xi32, #tpu.memory_space<hbm>> -> memref<512xi32, #tpu.memory_space<hbm>>
    tpu.wait_dma2 semaphore(%arg10 : memref<!tpu.dma_semaphore, #tpu.memory_space<semaphore_mem>>) src(%dma_wait3A_825 : memref<512xi32, #tpu.memory_space<hbm>>) dst(%dma_wait3A_824 : memref<512xi32, #tpu.memory_space<vmem>>)
    %add3A_826 = arith.constant 409600 : i32
    %add3A_827 = arith.addi %add3A_826, %mul3A_2 : i32
    %dma_wait3A_828 = arith.constant 25 : i32
    %dma_wait3A_829 = arith.constant 0 : i32
    %dma_wait3A_830 = tpu.memref_slice %arg5[%dma_wait3A_828, %dma_wait3A_829] : memref<50x512xi32, #tpu.memory_space<vmem>> -> memref<1x512xi32, #tpu.memory_space<vmem>>
    %dma_wait3A_831 = tpu.memref_squeeze %dma_wait3A_830 : memref<1x512xi32, #tpu.memory_space<vmem>> -> memref<512xi32, #tpu.memory_space<vmem>>
    %dma_wait3A_832 = tpu.memref_slice %arg3[%add3A_827] : memref<819200xi32, #tpu.memory_space<hbm>> -> memref<512xi32, #tpu.memory_space<hbm>>
    %dma_wait3A_833 = arith.constant 0 : i32
    %dma_wait3A_834 = tpu.memref_slice %arg5[%dma_wait3A_828, %dma_wait3A_833] : memref<50x512xi32, #tpu.memory_space<vmem>> -> memref<1x512xi32, #tpu.memory_space<vmem>>
    %dma_wait3A_835 = tpu.memref_squeeze %dma_wait3A_834 : memref<1x512xi32, #tpu.memory_space<vmem>> -> memref<512xi32, #tpu.memory_space<vmem>>
    %dma_wait3A_836 = tpu.memref_slice %arg3[%add3A_827] : memref<819200xi32, #tpu.memory_space<hbm>> -> memref<512xi32, #tpu.memory_space<hbm>>
    tpu.wait_dma2 semaphore(%arg10 : memref<!tpu.dma_semaphore, #tpu.memory_space<semaphore_mem>>) src(%dma_wait3A_836 : memref<512xi32, #tpu.memory_space<hbm>>) dst(%dma_wait3A_835 : memref<512xi32, #tpu.memory_space<vmem>>)
    %add3A_837 = arith.constant 425984 : i32
    %add3A_838 = arith.addi %add3A_837, %mul3A_2 : i32
    %dma_wait3A_839 = arith.constant 26 : i32
    %dma_wait3A_840 = arith.constant 0 : i32
    %dma_wait3A_841 = tpu.memref_slice %arg5[%dma_wait3A_839, %dma_wait3A_840] : memref<50x512xi32, #tpu.memory_space<vmem>> -> memref<1x512xi32, #tpu.memory_space<vmem>>
    %dma_wait3A_842 = tpu.memref_squeeze %dma_wait3A_841 : memref<1x512xi32, #tpu.memory_space<vmem>> -> memref<512xi32, #tpu.memory_space<vmem>>
    %dma_wait3A_843 = tpu.memref_slice %arg3[%add3A_838] : memref<819200xi32, #tpu.memory_space<hbm>> -> memref<512xi32, #tpu.memory_space<hbm>>
    %dma_wait3A_844 = arith.constant 0 : i32
    %dma_wait3A_845 = tpu.memref_slice %arg5[%dma_wait3A_839, %dma_wait3A_844] : memref<50x512xi32, #tpu.memory_space<vmem>> -> memref<1x512xi32, #tpu.memory_space<vmem>>
    %dma_wait3A_846 = tpu.memref_squeeze %dma_wait3A_845 : memref<1x512xi32, #tpu.memory_space<vmem>> -> memref<512xi32, #tpu.memory_space<vmem>>
    %dma_wait3A_847 = tpu.memref_slice %arg3[%add3A_838] : memref<819200xi32, #tpu.memory_space<hbm>> -> memref<512xi32, #tpu.memory_space<hbm>>
    tpu.wait_dma2 semaphore(%arg10 : memref<!tpu.dma_semaphore, #tpu.memory_space<semaphore_mem>>) src(%dma_wait3A_847 : memref<512xi32, #tpu.memory_space<hbm>>) dst(%dma_wait3A_846 : memref<512xi32, #tpu.memory_space<vmem>>)
    %add3A_848 = arith.constant 442368 : i32
    %add3A_849 = arith.addi %add3A_848, %mul3A_2 : i32
    %dma_wait3A_850 = arith.constant 27 : i32
    %dma_wait3A_851 = arith.constant 0 : i32
    %dma_wait3A_852 = tpu.memref_slice %arg5[%dma_wait3A_850, %dma_wait3A_851] : memref<50x512xi32, #tpu.memory_space<vmem>> -> memref<1x512xi32, #tpu.memory_space<vmem>>
    %dma_wait3A_853 = tpu.memref_squeeze %dma_wait3A_852 : memref<1x512xi32, #tpu.memory_space<vmem>> -> memref<512xi32, #tpu.memory_space<vmem>>
    %dma_wait3A_854 = tpu.memref_slice %arg3[%add3A_849] : memref<819200xi32, #tpu.memory_space<hbm>> -> memref<512xi32, #tpu.memory_space<hbm>>
    %dma_wait3A_855 = arith.constant 0 : i32
    %dma_wait3A_856 = tpu.memref_slice %arg5[%dma_wait3A_850, %dma_wait3A_855] : memref<50x512xi32, #tpu.memory_space<vmem>> -> memref<1x512xi32, #tpu.memory_space<vmem>>
    %dma_wait3A_857 = tpu.memref_squeeze %dma_wait3A_856 : memref<1x512xi32, #tpu.memory_space<vmem>> -> memref<512xi32, #tpu.memory_space<vmem>>
    %dma_wait3A_858 = tpu.memref_slice %arg3[%add3A_849] : memref<819200xi32, #tpu.memory_space<hbm>> -> memref<512xi32, #tpu.memory_space<hbm>>
    tpu.wait_dma2 semaphore(%arg10 : memref<!tpu.dma_semaphore, #tpu.memory_space<semaphore_mem>>) src(%dma_wait3A_858 : memref<512xi32, #tpu.memory_space<hbm>>) dst(%dma_wait3A_857 : memref<512xi32, #tpu.memory_space<vmem>>)
    %add3A_859 = arith.constant 458752 : i32
    %add3A_860 = arith.addi %add3A_859, %mul3A_2 : i32
    %dma_wait3A_861 = arith.constant 28 : i32
    %dma_wait3A_862 = arith.constant 0 : i32
    %dma_wait3A_863 = tpu.memref_slice %arg5[%dma_wait3A_861, %dma_wait3A_862] : memref<50x512xi32, #tpu.memory_space<vmem>> -> memref<1x512xi32, #tpu.memory_space<vmem>>
    %dma_wait3A_864 = tpu.memref_squeeze %dma_wait3A_863 : memref<1x512xi32, #tpu.memory_space<vmem>> -> memref<512xi32, #tpu.memory_space<vmem>>
    %dma_wait3A_865 = tpu.memref_slice %arg3[%add3A_860] : memref<819200xi32, #tpu.memory_space<hbm>> -> memref<512xi32, #tpu.memory_space<hbm>>
    %dma_wait3A_866 = arith.constant 0 : i32
    %dma_wait3A_867 = tpu.memref_slice %arg5[%dma_wait3A_861, %dma_wait3A_866] : memref<50x512xi32, #tpu.memory_space<vmem>> -> memref<1x512xi32, #tpu.memory_space<vmem>>
    %dma_wait3A_868 = tpu.memref_squeeze %dma_wait3A_867 : memref<1x512xi32, #tpu.memory_space<vmem>> -> memref<512xi32, #tpu.memory_space<vmem>>
    %dma_wait3A_869 = tpu.memref_slice %arg3[%add3A_860] : memref<819200xi32, #tpu.memory_space<hbm>> -> memref<512xi32, #tpu.memory_space<hbm>>
    tpu.wait_dma2 semaphore(%arg10 : memref<!tpu.dma_semaphore, #tpu.memory_space<semaphore_mem>>) src(%dma_wait3A_869 : memref<512xi32, #tpu.memory_space<hbm>>) dst(%dma_wait3A_868 : memref<512xi32, #tpu.memory_space<vmem>>)
    %add3A_870 = arith.constant 475136 : i32
    %add3A_871 = arith.addi %add3A_870, %mul3A_2 : i32
    %dma_wait3A_872 = arith.constant 29 : i32
    %dma_wait3A_873 = arith.constant 0 : i32
    %dma_wait3A_874 = tpu.memref_slice %arg5[%dma_wait3A_872, %dma_wait3A_873] : memref<50x512xi32, #tpu.memory_space<vmem>> -> memref<1x512xi32, #tpu.memory_space<vmem>>
    %dma_wait3A_875 = tpu.memref_squeeze %dma_wait3A_874 : memref<1x512xi32, #tpu.memory_space<vmem>> -> memref<512xi32, #tpu.memory_space<vmem>>
    %dma_wait3A_876 = tpu.memref_slice %arg3[%add3A_871] : memref<819200xi32, #tpu.memory_space<hbm>> -> memref<512xi32, #tpu.memory_space<hbm>>
    %dma_wait3A_877 = arith.constant 0 : i32
    %dma_wait3A_878 = tpu.memref_slice %arg5[%dma_wait3A_872, %dma_wait3A_877] : memref<50x512xi32, #tpu.memory_space<vmem>> -> memref<1x512xi32, #tpu.memory_space<vmem>>
    %dma_wait3A_879 = tpu.memref_squeeze %dma_wait3A_878 : memref<1x512xi32, #tpu.memory_space<vmem>> -> memref<512xi32, #tpu.memory_space<vmem>>
    %dma_wait3A_880 = tpu.memref_slice %arg3[%add3A_871] : memref<819200xi32, #tpu.memory_space<hbm>> -> memref<512xi32, #tpu.memory_space<hbm>>
    tpu.wait_dma2 semaphore(%arg10 : memref<!tpu.dma_semaphore, #tpu.memory_space<semaphore_mem>>) src(%dma_wait3A_880 : memref<512xi32, #tpu.memory_space<hbm>>) dst(%dma_wait3A_879 : memref<512xi32, #tpu.memory_space<vmem>>)
    %add3A_881 = arith.constant 491520 : i32
    %add3A_882 = arith.addi %add3A_881, %mul3A_2 : i32
    %dma_wait3A_883 = arith.constant 30 : i32
    %dma_wait3A_884 = arith.constant 0 : i32
    %dma_wait3A_885 = tpu.memref_slice %arg5[%dma_wait3A_883, %dma_wait3A_884] : memref<50x512xi32, #tpu.memory_space<vmem>> -> memref<1x512xi32, #tpu.memory_space<vmem>>
    %dma_wait3A_886 = tpu.memref_squeeze %dma_wait3A_885 : memref<1x512xi32, #tpu.memory_space<vmem>> -> memref<512xi32, #tpu.memory_space<vmem>>
    %dma_wait3A_887 = tpu.memref_slice %arg3[%add3A_882] : memref<819200xi32, #tpu.memory_space<hbm>> -> memref<512xi32, #tpu.memory_space<hbm>>
    %dma_wait3A_888 = arith.constant 0 : i32
    %dma_wait3A_889 = tpu.memref_slice %arg5[%dma_wait3A_883, %dma_wait3A_888] : memref<50x512xi32, #tpu.memory_space<vmem>> -> memref<1x512xi32, #tpu.memory_space<vmem>>
    %dma_wait3A_890 = tpu.memref_squeeze %dma_wait3A_889 : memref<1x512xi32, #tpu.memory_space<vmem>> -> memref<512xi32, #tpu.memory_space<vmem>>
    %dma_wait3A_891 = tpu.memref_slice %arg3[%add3A_882] : memref<819200xi32, #tpu.memory_space<hbm>> -> memref<512xi32, #tpu.memory_space<hbm>>
    tpu.wait_dma2 semaphore(%arg10 : memref<!tpu.dma_semaphore, #tpu.memory_space<semaphore_mem>>) src(%dma_wait3A_891 : memref<512xi32, #tpu.memory_space<hbm>>) dst(%dma_wait3A_890 : memref<512xi32, #tpu.memory_space<vmem>>)
    %add3A_892 = arith.constant 507904 : i32
    %add3A_893 = arith.addi %add3A_892, %mul3A_2 : i32
    %dma_wait3A_894 = arith.constant 31 : i32
    %dma_wait3A_895 = arith.constant 0 : i32
    %dma_wait3A_896 = tpu.memref_slice %arg5[%dma_wait3A_894, %dma_wait3A_895] : memref<50x512xi32, #tpu.memory_space<vmem>> -> memref<1x512xi32, #tpu.memory_space<vmem>>
    %dma_wait3A_897 = tpu.memref_squeeze %dma_wait3A_896 : memref<1x512xi32, #tpu.memory_space<vmem>> -> memref<512xi32, #tpu.memory_space<vmem>>
    %dma_wait3A_898 = tpu.memref_slice %arg3[%add3A_893] : memref<819200xi32, #tpu.memory_space<hbm>> -> memref<512xi32, #tpu.memory_space<hbm>>
    %dma_wait3A_899 = arith.constant 0 : i32
    %dma_wait3A_900 = tpu.memref_slice %arg5[%dma_wait3A_894, %dma_wait3A_899] : memref<50x512xi32, #tpu.memory_space<vmem>> -> memref<1x512xi32, #tpu.memory_space<vmem>>
    %dma_wait3A_901 = tpu.memref_squeeze %dma_wait3A_900 : memref<1x512xi32, #tpu.memory_space<vmem>> -> memref<512xi32, #tpu.memory_space<vmem>>
    %dma_wait3A_902 = tpu.memref_slice %arg3[%add3A_893] : memref<819200xi32, #tpu.memory_space<hbm>> -> memref<512xi32, #tpu.memory_space<hbm>>
    tpu.wait_dma2 semaphore(%arg10 : memref<!tpu.dma_semaphore, #tpu.memory_space<semaphore_mem>>) src(%dma_wait3A_902 : memref<512xi32, #tpu.memory_space<hbm>>) dst(%dma_wait3A_901 : memref<512xi32, #tpu.memory_space<vmem>>)
    %add3A_903 = arith.constant 524288 : i32
    %add3A_904 = arith.addi %add3A_903, %mul3A_2 : i32
    %dma_wait3A_905 = arith.constant 32 : i32
    %dma_wait3A_906 = arith.constant 0 : i32
    %dma_wait3A_907 = tpu.memref_slice %arg5[%dma_wait3A_905, %dma_wait3A_906] : memref<50x512xi32, #tpu.memory_space<vmem>> -> memref<1x512xi32, #tpu.memory_space<vmem>>
    %dma_wait3A_908 = tpu.memref_squeeze %dma_wait3A_907 : memref<1x512xi32, #tpu.memory_space<vmem>> -> memref<512xi32, #tpu.memory_space<vmem>>
    %dma_wait3A_909 = tpu.memref_slice %arg3[%add3A_904] : memref<819200xi32, #tpu.memory_space<hbm>> -> memref<512xi32, #tpu.memory_space<hbm>>
    %dma_wait3A_910 = arith.constant 0 : i32
    %dma_wait3A_911 = tpu.memref_slice %arg5[%dma_wait3A_905, %dma_wait3A_910] : memref<50x512xi32, #tpu.memory_space<vmem>> -> memref<1x512xi32, #tpu.memory_space<vmem>>
    %dma_wait3A_912 = tpu.memref_squeeze %dma_wait3A_911 : memref<1x512xi32, #tpu.memory_space<vmem>> -> memref<512xi32, #tpu.memory_space<vmem>>
    %dma_wait3A_913 = tpu.memref_slice %arg3[%add3A_904] : memref<819200xi32, #tpu.memory_space<hbm>> -> memref<512xi32, #tpu.memory_space<hbm>>
    tpu.wait_dma2 semaphore(%arg10 : memref<!tpu.dma_semaphore, #tpu.memory_space<semaphore_mem>>) src(%dma_wait3A_913 : memref<512xi32, #tpu.memory_space<hbm>>) dst(%dma_wait3A_912 : memref<512xi32, #tpu.memory_space<vmem>>)
    %add3A_914 = arith.constant 540672 : i32
    %add3A_915 = arith.addi %add3A_914, %mul3A_2 : i32
    %dma_wait3A_916 = arith.constant 33 : i32
    %dma_wait3A_917 = arith.constant 0 : i32
    %dma_wait3A_918 = tpu.memref_slice %arg5[%dma_wait3A_916, %dma_wait3A_917] : memref<50x512xi32, #tpu.memory_space<vmem>> -> memref<1x512xi32, #tpu.memory_space<vmem>>
    %dma_wait3A_919 = tpu.memref_squeeze %dma_wait3A_918 : memref<1x512xi32, #tpu.memory_space<vmem>> -> memref<512xi32, #tpu.memory_space<vmem>>
    %dma_wait3A_920 = tpu.memref_slice %arg3[%add3A_915] : memref<819200xi32, #tpu.memory_space<hbm>> -> memref<512xi32, #tpu.memory_space<hbm>>
    %dma_wait3A_921 = arith.constant 0 : i32
    %dma_wait3A_922 = tpu.memref_slice %arg5[%dma_wait3A_916, %dma_wait3A_921] : memref<50x512xi32, #tpu.memory_space<vmem>> -> memref<1x512xi32, #tpu.memory_space<vmem>>
    %dma_wait3A_923 = tpu.memref_squeeze %dma_wait3A_922 : memref<1x512xi32, #tpu.memory_space<vmem>> -> memref<512xi32, #tpu.memory_space<vmem>>
    %dma_wait3A_924 = tpu.memref_slice %arg3[%add3A_915] : memref<819200xi32, #tpu.memory_space<hbm>> -> memref<512xi32, #tpu.memory_space<hbm>>
    tpu.wait_dma2 semaphore(%arg10 : memref<!tpu.dma_semaphore, #tpu.memory_space<semaphore_mem>>) src(%dma_wait3A_924 : memref<512xi32, #tpu.memory_space<hbm>>) dst(%dma_wait3A_923 : memref<512xi32, #tpu.memory_space<vmem>>)
    %add3A_925 = arith.constant 557056 : i32
    %add3A_926 = arith.addi %add3A_925, %mul3A_2 : i32
    %dma_wait3A_927 = arith.constant 34 : i32
    %dma_wait3A_928 = arith.constant 0 : i32
    %dma_wait3A_929 = tpu.memref_slice %arg5[%dma_wait3A_927, %dma_wait3A_928] : memref<50x512xi32, #tpu.memory_space<vmem>> -> memref<1x512xi32, #tpu.memory_space<vmem>>
    %dma_wait3A_930 = tpu.memref_squeeze %dma_wait3A_929 : memref<1x512xi32, #tpu.memory_space<vmem>> -> memref<512xi32, #tpu.memory_space<vmem>>
    %dma_wait3A_931 = tpu.memref_slice %arg3[%add3A_926] : memref<819200xi32, #tpu.memory_space<hbm>> -> memref<512xi32, #tpu.memory_space<hbm>>
    %dma_wait3A_932 = arith.constant 0 : i32
    %dma_wait3A_933 = tpu.memref_slice %arg5[%dma_wait3A_927, %dma_wait3A_932] : memref<50x512xi32, #tpu.memory_space<vmem>> -> memref<1x512xi32, #tpu.memory_space<vmem>>
    %dma_wait3A_934 = tpu.memref_squeeze %dma_wait3A_933 : memref<1x512xi32, #tpu.memory_space<vmem>> -> memref<512xi32, #tpu.memory_space<vmem>>
    %dma_wait3A_935 = tpu.memref_slice %arg3[%add3A_926] : memref<819200xi32, #tpu.memory_space<hbm>> -> memref<512xi32, #tpu.memory_space<hbm>>
    tpu.wait_dma2 semaphore(%arg10 : memref<!tpu.dma_semaphore, #tpu.memory_space<semaphore_mem>>) src(%dma_wait3A_935 : memref<512xi32, #tpu.memory_space<hbm>>) dst(%dma_wait3A_934 : memref<512xi32, #tpu.memory_space<vmem>>)
    %add3A_936 = arith.constant 573440 : i32
    %add3A_937 = arith.addi %add3A_936, %mul3A_2 : i32
    %dma_wait3A_938 = arith.constant 35 : i32
    %dma_wait3A_939 = arith.constant 0 : i32
    %dma_wait3A_940 = tpu.memref_slice %arg5[%dma_wait3A_938, %dma_wait3A_939] : memref<50x512xi32, #tpu.memory_space<vmem>> -> memref<1x512xi32, #tpu.memory_space<vmem>>
    %dma_wait3A_941 = tpu.memref_squeeze %dma_wait3A_940 : memref<1x512xi32, #tpu.memory_space<vmem>> -> memref<512xi32, #tpu.memory_space<vmem>>
    %dma_wait3A_942 = tpu.memref_slice %arg3[%add3A_937] : memref<819200xi32, #tpu.memory_space<hbm>> -> memref<512xi32, #tpu.memory_space<hbm>>
    %dma_wait3A_943 = arith.constant 0 : i32
    %dma_wait3A_944 = tpu.memref_slice %arg5[%dma_wait3A_938, %dma_wait3A_943] : memref<50x512xi32, #tpu.memory_space<vmem>> -> memref<1x512xi32, #tpu.memory_space<vmem>>
    %dma_wait3A_945 = tpu.memref_squeeze %dma_wait3A_944 : memref<1x512xi32, #tpu.memory_space<vmem>> -> memref<512xi32, #tpu.memory_space<vmem>>
    %dma_wait3A_946 = tpu.memref_slice %arg3[%add3A_937] : memref<819200xi32, #tpu.memory_space<hbm>> -> memref<512xi32, #tpu.memory_space<hbm>>
    tpu.wait_dma2 semaphore(%arg10 : memref<!tpu.dma_semaphore, #tpu.memory_space<semaphore_mem>>) src(%dma_wait3A_946 : memref<512xi32, #tpu.memory_space<hbm>>) dst(%dma_wait3A_945 : memref<512xi32, #tpu.memory_space<vmem>>)
    %add3A_947 = arith.constant 589824 : i32
    %add3A_948 = arith.addi %add3A_947, %mul3A_2 : i32
    %dma_wait3A_949 = arith.constant 36 : i32
    %dma_wait3A_950 = arith.constant 0 : i32
    %dma_wait3A_951 = tpu.memref_slice %arg5[%dma_wait3A_949, %dma_wait3A_950] : memref<50x512xi32, #tpu.memory_space<vmem>> -> memref<1x512xi32, #tpu.memory_space<vmem>>
    %dma_wait3A_952 = tpu.memref_squeeze %dma_wait3A_951 : memref<1x512xi32, #tpu.memory_space<vmem>> -> memref<512xi32, #tpu.memory_space<vmem>>
    %dma_wait3A_953 = tpu.memref_slice %arg3[%add3A_948] : memref<819200xi32, #tpu.memory_space<hbm>> -> memref<512xi32, #tpu.memory_space<hbm>>
    %dma_wait3A_954 = arith.constant 0 : i32
    %dma_wait3A_955 = tpu.memref_slice %arg5[%dma_wait3A_949, %dma_wait3A_954] : memref<50x512xi32, #tpu.memory_space<vmem>> -> memref<1x512xi32, #tpu.memory_space<vmem>>
    %dma_wait3A_956 = tpu.memref_squeeze %dma_wait3A_955 : memref<1x512xi32, #tpu.memory_space<vmem>> -> memref<512xi32, #tpu.memory_space<vmem>>
    %dma_wait3A_957 = tpu.memref_slice %arg3[%add3A_948] : memref<819200xi32, #tpu.memory_space<hbm>> -> memref<512xi32, #tpu.memory_space<hbm>>
    tpu.wait_dma2 semaphore(%arg10 : memref<!tpu.dma_semaphore, #tpu.memory_space<semaphore_mem>>) src(%dma_wait3A_957 : memref<512xi32, #tpu.memory_space<hbm>>) dst(%dma_wait3A_956 : memref<512xi32, #tpu.memory_space<vmem>>)
    %add3A_958 = arith.constant 606208 : i32
    %add3A_959 = arith.addi %add3A_958, %mul3A_2 : i32
    %dma_wait3A_960 = arith.constant 37 : i32
    %dma_wait3A_961 = arith.constant 0 : i32
    %dma_wait3A_962 = tpu.memref_slice %arg5[%dma_wait3A_960, %dma_wait3A_961] : memref<50x512xi32, #tpu.memory_space<vmem>> -> memref<1x512xi32, #tpu.memory_space<vmem>>
    %dma_wait3A_963 = tpu.memref_squeeze %dma_wait3A_962 : memref<1x512xi32, #tpu.memory_space<vmem>> -> memref<512xi32, #tpu.memory_space<vmem>>
    %dma_wait3A_964 = tpu.memref_slice %arg3[%add3A_959] : memref<819200xi32, #tpu.memory_space<hbm>> -> memref<512xi32, #tpu.memory_space<hbm>>
    %dma_wait3A_965 = arith.constant 0 : i32
    %dma_wait3A_966 = tpu.memref_slice %arg5[%dma_wait3A_960, %dma_wait3A_965] : memref<50x512xi32, #tpu.memory_space<vmem>> -> memref<1x512xi32, #tpu.memory_space<vmem>>
    %dma_wait3A_967 = tpu.memref_squeeze %dma_wait3A_966 : memref<1x512xi32, #tpu.memory_space<vmem>> -> memref<512xi32, #tpu.memory_space<vmem>>
    %dma_wait3A_968 = tpu.memref_slice %arg3[%add3A_959] : memref<819200xi32, #tpu.memory_space<hbm>> -> memref<512xi32, #tpu.memory_space<hbm>>
    tpu.wait_dma2 semaphore(%arg10 : memref<!tpu.dma_semaphore, #tpu.memory_space<semaphore_mem>>) src(%dma_wait3A_968 : memref<512xi32, #tpu.memory_space<hbm>>) dst(%dma_wait3A_967 : memref<512xi32, #tpu.memory_space<vmem>>)
    %add3A_969 = arith.constant 622592 : i32
    %add3A_970 = arith.addi %add3A_969, %mul3A_2 : i32
    %dma_wait3A_971 = arith.constant 38 : i32
    %dma_wait3A_972 = arith.constant 0 : i32
    %dma_wait3A_973 = tpu.memref_slice %arg5[%dma_wait3A_971, %dma_wait3A_972] : memref<50x512xi32, #tpu.memory_space<vmem>> -> memref<1x512xi32, #tpu.memory_space<vmem>>
    %dma_wait3A_974 = tpu.memref_squeeze %dma_wait3A_973 : memref<1x512xi32, #tpu.memory_space<vmem>> -> memref<512xi32, #tpu.memory_space<vmem>>
    %dma_wait3A_975 = tpu.memref_slice %arg3[%add3A_970] : memref<819200xi32, #tpu.memory_space<hbm>> -> memref<512xi32, #tpu.memory_space<hbm>>
    %dma_wait3A_976 = arith.constant 0 : i32
    %dma_wait3A_977 = tpu.memref_slice %arg5[%dma_wait3A_971, %dma_wait3A_976] : memref<50x512xi32, #tpu.memory_space<vmem>> -> memref<1x512xi32, #tpu.memory_space<vmem>>
    %dma_wait3A_978 = tpu.memref_squeeze %dma_wait3A_977 : memref<1x512xi32, #tpu.memory_space<vmem>> -> memref<512xi32, #tpu.memory_space<vmem>>
    %dma_wait3A_979 = tpu.memref_slice %arg3[%add3A_970] : memref<819200xi32, #tpu.memory_space<hbm>> -> memref<512xi32, #tpu.memory_space<hbm>>
    tpu.wait_dma2 semaphore(%arg10 : memref<!tpu.dma_semaphore, #tpu.memory_space<semaphore_mem>>) src(%dma_wait3A_979 : memref<512xi32, #tpu.memory_space<hbm>>) dst(%dma_wait3A_978 : memref<512xi32, #tpu.memory_space<vmem>>)
    %add3A_980 = arith.constant 638976 : i32
    %add3A_981 = arith.addi %add3A_980, %mul3A_2 : i32
    %dma_wait3A_982 = arith.constant 39 : i32
    %dma_wait3A_983 = arith.constant 0 : i32
    %dma_wait3A_984 = tpu.memref_slice %arg5[%dma_wait3A_982, %dma_wait3A_983] : memref<50x512xi32, #tpu.memory_space<vmem>> -> memref<1x512xi32, #tpu.memory_space<vmem>>
    %dma_wait3A_985 = tpu.memref_squeeze %dma_wait3A_984 : memref<1x512xi32, #tpu.memory_space<vmem>> -> memref<512xi32, #tpu.memory_space<vmem>>
    %dma_wait3A_986 = tpu.memref_slice %arg3[%add3A_981] : memref<819200xi32, #tpu.memory_space<hbm>> -> memref<512xi32, #tpu.memory_space<hbm>>
    %dma_wait3A_987 = arith.constant 0 : i32
    %dma_wait3A_988 = tpu.memref_slice %arg5[%dma_wait3A_982, %dma_wait3A_987] : memref<50x512xi32, #tpu.memory_space<vmem>> -> memref<1x512xi32, #tpu.memory_space<vmem>>
    %dma_wait3A_989 = tpu.memref_squeeze %dma_wait3A_988 : memref<1x512xi32, #tpu.memory_space<vmem>> -> memref<512xi32, #tpu.memory_space<vmem>>
    %dma_wait3A_990 = tpu.memref_slice %arg3[%add3A_981] : memref<819200xi32, #tpu.memory_space<hbm>> -> memref<512xi32, #tpu.memory_space<hbm>>
    tpu.wait_dma2 semaphore(%arg10 : memref<!tpu.dma_semaphore, #tpu.memory_space<semaphore_mem>>) src(%dma_wait3A_990 : memref<512xi32, #tpu.memory_space<hbm>>) dst(%dma_wait3A_989 : memref<512xi32, #tpu.memory_space<vmem>>)
    %add3A_991 = arith.constant 655360 : i32
    %add3A_992 = arith.addi %add3A_991, %mul3A_2 : i32
    %dma_wait3A_993 = arith.constant 40 : i32
    %dma_wait3A_994 = arith.constant 0 : i32
    %dma_wait3A_995 = tpu.memref_slice %arg5[%dma_wait3A_993, %dma_wait3A_994] : memref<50x512xi32, #tpu.memory_space<vmem>> -> memref<1x512xi32, #tpu.memory_space<vmem>>
    %dma_wait3A_996 = tpu.memref_squeeze %dma_wait3A_995 : memref<1x512xi32, #tpu.memory_space<vmem>> -> memref<512xi32, #tpu.memory_space<vmem>>
    %dma_wait3A_997 = tpu.memref_slice %arg3[%add3A_992] : memref<819200xi32, #tpu.memory_space<hbm>> -> memref<512xi32, #tpu.memory_space<hbm>>
    %dma_wait3A_998 = arith.constant 0 : i32
    %dma_wait3A_999 = tpu.memref_slice %arg5[%dma_wait3A_993, %dma_wait3A_998] : memref<50x512xi32, #tpu.memory_space<vmem>> -> memref<1x512xi32, #tpu.memory_space<vmem>>
    %dma_wait3A_1000 = tpu.memref_squeeze %dma_wait3A_999 : memref<1x512xi32, #tpu.memory_space<vmem>> -> memref<512xi32, #tpu.memory_space<vmem>>
    %dma_wait3A_1001 = tpu.memref_slice %arg3[%add3A_992] : memref<819200xi32, #tpu.memory_space<hbm>> -> memref<512xi32, #tpu.memory_space<hbm>>
    tpu.wait_dma2 semaphore(%arg10 : memref<!tpu.dma_semaphore, #tpu.memory_space<semaphore_mem>>) src(%dma_wait3A_1001 : memref<512xi32, #tpu.memory_space<hbm>>) dst(%dma_wait3A_1000 : memref<512xi32, #tpu.memory_space<vmem>>)
    %add3A_1002 = arith.constant 671744 : i32
    %add3A_1003 = arith.addi %add3A_1002, %mul3A_2 : i32
    %dma_wait3A_1004 = arith.constant 41 : i32
    %dma_wait3A_1005 = arith.constant 0 : i32
    %dma_wait3A_1006 = tpu.memref_slice %arg5[%dma_wait3A_1004, %dma_wait3A_1005] : memref<50x512xi32, #tpu.memory_space<vmem>> -> memref<1x512xi32, #tpu.memory_space<vmem>>
    %dma_wait3A_1007 = tpu.memref_squeeze %dma_wait3A_1006 : memref<1x512xi32, #tpu.memory_space<vmem>> -> memref<512xi32, #tpu.memory_space<vmem>>
    %dma_wait3A_1008 = tpu.memref_slice %arg3[%add3A_1003] : memref<819200xi32, #tpu.memory_space<hbm>> -> memref<512xi32, #tpu.memory_space<hbm>>
    %dma_wait3A_1009 = arith.constant 0 : i32
    %dma_wait3A_1010 = tpu.memref_slice %arg5[%dma_wait3A_1004, %dma_wait3A_1009] : memref<50x512xi32, #tpu.memory_space<vmem>> -> memref<1x512xi32, #tpu.memory_space<vmem>>
    %dma_wait3A_1011 = tpu.memref_squeeze %dma_wait3A_1010 : memref<1x512xi32, #tpu.memory_space<vmem>> -> memref<512xi32, #tpu.memory_space<vmem>>
    %dma_wait3A_1012 = tpu.memref_slice %arg3[%add3A_1003] : memref<819200xi32, #tpu.memory_space<hbm>> -> memref<512xi32, #tpu.memory_space<hbm>>
    tpu.wait_dma2 semaphore(%arg10 : memref<!tpu.dma_semaphore, #tpu.memory_space<semaphore_mem>>) src(%dma_wait3A_1012 : memref<512xi32, #tpu.memory_space<hbm>>) dst(%dma_wait3A_1011 : memref<512xi32, #tpu.memory_space<vmem>>)
    %add3A_1013 = arith.constant 688128 : i32
    %add3A_1014 = arith.addi %add3A_1013, %mul3A_2 : i32
    %dma_wait3A_1015 = arith.constant 42 : i32
    %dma_wait3A_1016 = arith.constant 0 : i32
    %dma_wait3A_1017 = tpu.memref_slice %arg5[%dma_wait3A_1015, %dma_wait3A_1016] : memref<50x512xi32, #tpu.memory_space<vmem>> -> memref<1x512xi32, #tpu.memory_space<vmem>>
    %dma_wait3A_1018 = tpu.memref_squeeze %dma_wait3A_1017 : memref<1x512xi32, #tpu.memory_space<vmem>> -> memref<512xi32, #tpu.memory_space<vmem>>
    %dma_wait3A_1019 = tpu.memref_slice %arg3[%add3A_1014] : memref<819200xi32, #tpu.memory_space<hbm>> -> memref<512xi32, #tpu.memory_space<hbm>>
    %dma_wait3A_1020 = arith.constant 0 : i32
    %dma_wait3A_1021 = tpu.memref_slice %arg5[%dma_wait3A_1015, %dma_wait3A_1020] : memref<50x512xi32, #tpu.memory_space<vmem>> -> memref<1x512xi32, #tpu.memory_space<vmem>>
    %dma_wait3A_1022 = tpu.memref_squeeze %dma_wait3A_1021 : memref<1x512xi32, #tpu.memory_space<vmem>> -> memref<512xi32, #tpu.memory_space<vmem>>
    %dma_wait3A_1023 = tpu.memref_slice %arg3[%add3A_1014] : memref<819200xi32, #tpu.memory_space<hbm>> -> memref<512xi32, #tpu.memory_space<hbm>>
    tpu.wait_dma2 semaphore(%arg10 : memref<!tpu.dma_semaphore, #tpu.memory_space<semaphore_mem>>) src(%dma_wait3A_1023 : memref<512xi32, #tpu.memory_space<hbm>>) dst(%dma_wait3A_1022 : memref<512xi32, #tpu.memory_space<vmem>>)
    %add3A_1024 = arith.constant 704512 : i32
    %add3A_1025 = arith.addi %add3A_1024, %mul3A_2 : i32
    %dma_wait3A_1026 = arith.constant 43 : i32
    %dma_wait3A_1027 = arith.constant 0 : i32
    %dma_wait3A_1028 = tpu.memref_slice %arg5[%dma_wait3A_1026, %dma_wait3A_1027] : memref<50x512xi32, #tpu.memory_space<vmem>> -> memref<1x512xi32, #tpu.memory_space<vmem>>
    %dma_wait3A_1029 = tpu.memref_squeeze %dma_wait3A_1028 : memref<1x512xi32, #tpu.memory_space<vmem>> -> memref<512xi32, #tpu.memory_space<vmem>>
    %dma_wait3A_1030 = tpu.memref_slice %arg3[%add3A_1025] : memref<819200xi32, #tpu.memory_space<hbm>> -> memref<512xi32, #tpu.memory_space<hbm>>
    %dma_wait3A_1031 = arith.constant 0 : i32
    %dma_wait3A_1032 = tpu.memref_slice %arg5[%dma_wait3A_1026, %dma_wait3A_1031] : memref<50x512xi32, #tpu.memory_space<vmem>> -> memref<1x512xi32, #tpu.memory_space<vmem>>
    %dma_wait3A_1033 = tpu.memref_squeeze %dma_wait3A_1032 : memref<1x512xi32, #tpu.memory_space<vmem>> -> memref<512xi32, #tpu.memory_space<vmem>>
    %dma_wait3A_1034 = tpu.memref_slice %arg3[%add3A_1025] : memref<819200xi32, #tpu.memory_space<hbm>> -> memref<512xi32, #tpu.memory_space<hbm>>
    tpu.wait_dma2 semaphore(%arg10 : memref<!tpu.dma_semaphore, #tpu.memory_space<semaphore_mem>>) src(%dma_wait3A_1034 : memref<512xi32, #tpu.memory_space<hbm>>) dst(%dma_wait3A_1033 : memref<512xi32, #tpu.memory_space<vmem>>)
    %add3A_1035 = arith.constant 720896 : i32
    %add3A_1036 = arith.addi %add3A_1035, %mul3A_2 : i32
    %dma_wait3A_1037 = arith.constant 44 : i32
    %dma_wait3A_1038 = arith.constant 0 : i32
    %dma_wait3A_1039 = tpu.memref_slice %arg5[%dma_wait3A_1037, %dma_wait3A_1038] : memref<50x512xi32, #tpu.memory_space<vmem>> -> memref<1x512xi32, #tpu.memory_space<vmem>>
    %dma_wait3A_1040 = tpu.memref_squeeze %dma_wait3A_1039 : memref<1x512xi32, #tpu.memory_space<vmem>> -> memref<512xi32, #tpu.memory_space<vmem>>
    %dma_wait3A_1041 = tpu.memref_slice %arg3[%add3A_1036] : memref<819200xi32, #tpu.memory_space<hbm>> -> memref<512xi32, #tpu.memory_space<hbm>>
    %dma_wait3A_1042 = arith.constant 0 : i32
    %dma_wait3A_1043 = tpu.memref_slice %arg5[%dma_wait3A_1037, %dma_wait3A_1042] : memref<50x512xi32, #tpu.memory_space<vmem>> -> memref<1x512xi32, #tpu.memory_space<vmem>>
    %dma_wait3A_1044 = tpu.memref_squeeze %dma_wait3A_1043 : memref<1x512xi32, #tpu.memory_space<vmem>> -> memref<512xi32, #tpu.memory_space<vmem>>
    %dma_wait3A_1045 = tpu.memref_slice %arg3[%add3A_1036] : memref<819200xi32, #tpu.memory_space<hbm>> -> memref<512xi32, #tpu.memory_space<hbm>>
    tpu.wait_dma2 semaphore(%arg10 : memref<!tpu.dma_semaphore, #tpu.memory_space<semaphore_mem>>) src(%dma_wait3A_1045 : memref<512xi32, #tpu.memory_space<hbm>>) dst(%dma_wait3A_1044 : memref<512xi32, #tpu.memory_space<vmem>>)
    %add3A_1046 = arith.constant 737280 : i32
    %add3A_1047 = arith.addi %add3A_1046, %mul3A_2 : i32
    %dma_wait3A_1048 = arith.constant 45 : i32
    %dma_wait3A_1049 = arith.constant 0 : i32
    %dma_wait3A_1050 = tpu.memref_slice %arg5[%dma_wait3A_1048, %dma_wait3A_1049] : memref<50x512xi32, #tpu.memory_space<vmem>> -> memref<1x512xi32, #tpu.memory_space<vmem>>
    %dma_wait3A_1051 = tpu.memref_squeeze %dma_wait3A_1050 : memref<1x512xi32, #tpu.memory_space<vmem>> -> memref<512xi32, #tpu.memory_space<vmem>>
    %dma_wait3A_1052 = tpu.memref_slice %arg3[%add3A_1047] : memref<819200xi32, #tpu.memory_space<hbm>> -> memref<512xi32, #tpu.memory_space<hbm>>
    %dma_wait3A_1053 = arith.constant 0 : i32
    %dma_wait3A_1054 = tpu.memref_slice %arg5[%dma_wait3A_1048, %dma_wait3A_1053] : memref<50x512xi32, #tpu.memory_space<vmem>> -> memref<1x512xi32, #tpu.memory_space<vmem>>
    %dma_wait3A_1055 = tpu.memref_squeeze %dma_wait3A_1054 : memref<1x512xi32, #tpu.memory_space<vmem>> -> memref<512xi32, #tpu.memory_space<vmem>>
    %dma_wait3A_1056 = tpu.memref_slice %arg3[%add3A_1047] : memref<819200xi32, #tpu.memory_space<hbm>> -> memref<512xi32, #tpu.memory_space<hbm>>
    tpu.wait_dma2 semaphore(%arg10 : memref<!tpu.dma_semaphore, #tpu.memory_space<semaphore_mem>>) src(%dma_wait3A_1056 : memref<512xi32, #tpu.memory_space<hbm>>) dst(%dma_wait3A_1055 : memref<512xi32, #tpu.memory_space<vmem>>)
    %add3A_1057 = arith.constant 753664 : i32
    %add3A_1058 = arith.addi %add3A_1057, %mul3A_2 : i32
    %dma_wait3A_1059 = arith.constant 46 : i32
    %dma_wait3A_1060 = arith.constant 0 : i32
    %dma_wait3A_1061 = tpu.memref_slice %arg5[%dma_wait3A_1059, %dma_wait3A_1060] : memref<50x512xi32, #tpu.memory_space<vmem>> -> memref<1x512xi32, #tpu.memory_space<vmem>>
    %dma_wait3A_1062 = tpu.memref_squeeze %dma_wait3A_1061 : memref<1x512xi32, #tpu.memory_space<vmem>> -> memref<512xi32, #tpu.memory_space<vmem>>
    %dma_wait3A_1063 = tpu.memref_slice %arg3[%add3A_1058] : memref<819200xi32, #tpu.memory_space<hbm>> -> memref<512xi32, #tpu.memory_space<hbm>>
    %dma_wait3A_1064 = arith.constant 0 : i32
    %dma_wait3A_1065 = tpu.memref_slice %arg5[%dma_wait3A_1059, %dma_wait3A_1064] : memref<50x512xi32, #tpu.memory_space<vmem>> -> memref<1x512xi32, #tpu.memory_space<vmem>>
    %dma_wait3A_1066 = tpu.memref_squeeze %dma_wait3A_1065 : memref<1x512xi32, #tpu.memory_space<vmem>> -> memref<512xi32, #tpu.memory_space<vmem>>
    %dma_wait3A_1067 = tpu.memref_slice %arg3[%add3A_1058] : memref<819200xi32, #tpu.memory_space<hbm>> -> memref<512xi32, #tpu.memory_space<hbm>>
    tpu.wait_dma2 semaphore(%arg10 : memref<!tpu.dma_semaphore, #tpu.memory_space<semaphore_mem>>) src(%dma_wait3A_1067 : memref<512xi32, #tpu.memory_space<hbm>>) dst(%dma_wait3A_1066 : memref<512xi32, #tpu.memory_space<vmem>>)
    %add3A_1068 = arith.constant 770048 : i32
    %add3A_1069 = arith.addi %add3A_1068, %mul3A_2 : i32
    %dma_wait3A_1070 = arith.constant 47 : i32
    %dma_wait3A_1071 = arith.constant 0 : i32
    %dma_wait3A_1072 = tpu.memref_slice %arg5[%dma_wait3A_1070, %dma_wait3A_1071] : memref<50x512xi32, #tpu.memory_space<vmem>> -> memref<1x512xi32, #tpu.memory_space<vmem>>
    %dma_wait3A_1073 = tpu.memref_squeeze %dma_wait3A_1072 : memref<1x512xi32, #tpu.memory_space<vmem>> -> memref<512xi32, #tpu.memory_space<vmem>>
    %dma_wait3A_1074 = tpu.memref_slice %arg3[%add3A_1069] : memref<819200xi32, #tpu.memory_space<hbm>> -> memref<512xi32, #tpu.memory_space<hbm>>
    %dma_wait3A_1075 = arith.constant 0 : i32
    %dma_wait3A_1076 = tpu.memref_slice %arg5[%dma_wait3A_1070, %dma_wait3A_1075] : memref<50x512xi32, #tpu.memory_space<vmem>> -> memref<1x512xi32, #tpu.memory_space<vmem>>
    %dma_wait3A_1077 = tpu.memref_squeeze %dma_wait3A_1076 : memref<1x512xi32, #tpu.memory_space<vmem>> -> memref<512xi32, #tpu.memory_space<vmem>>
    %dma_wait3A_1078 = tpu.memref_slice %arg3[%add3A_1069] : memref<819200xi32, #tpu.memory_space<hbm>> -> memref<512xi32, #tpu.memory_space<hbm>>
    tpu.wait_dma2 semaphore(%arg10 : memref<!tpu.dma_semaphore, #tpu.memory_space<semaphore_mem>>) src(%dma_wait3A_1078 : memref<512xi32, #tpu.memory_space<hbm>>) dst(%dma_wait3A_1077 : memref<512xi32, #tpu.memory_space<vmem>>)
    %add3A_1079 = arith.constant 786432 : i32
    %add3A_1080 = arith.addi %add3A_1079, %mul3A_2 : i32
    %dma_wait3A_1081 = arith.constant 48 : i32
    %dma_wait3A_1082 = arith.constant 0 : i32
    %dma_wait3A_1083 = tpu.memref_slice %arg5[%dma_wait3A_1081, %dma_wait3A_1082] : memref<50x512xi32, #tpu.memory_space<vmem>> -> memref<1x512xi32, #tpu.memory_space<vmem>>
    %dma_wait3A_1084 = tpu.memref_squeeze %dma_wait3A_1083 : memref<1x512xi32, #tpu.memory_space<vmem>> -> memref<512xi32, #tpu.memory_space<vmem>>
    %dma_wait3A_1085 = tpu.memref_slice %arg3[%add3A_1080] : memref<819200xi32, #tpu.memory_space<hbm>> -> memref<512xi32, #tpu.memory_space<hbm>>
    %dma_wait3A_1086 = arith.constant 0 : i32
    %dma_wait3A_1087 = tpu.memref_slice %arg5[%dma_wait3A_1081, %dma_wait3A_1086] : memref<50x512xi32, #tpu.memory_space<vmem>> -> memref<1x512xi32, #tpu.memory_space<vmem>>
    %dma_wait3A_1088 = tpu.memref_squeeze %dma_wait3A_1087 : memref<1x512xi32, #tpu.memory_space<vmem>> -> memref<512xi32, #tpu.memory_space<vmem>>
    %dma_wait3A_1089 = tpu.memref_slice %arg3[%add3A_1080] : memref<819200xi32, #tpu.memory_space<hbm>> -> memref<512xi32, #tpu.memory_space<hbm>>
    tpu.wait_dma2 semaphore(%arg10 : memref<!tpu.dma_semaphore, #tpu.memory_space<semaphore_mem>>) src(%dma_wait3A_1089 : memref<512xi32, #tpu.memory_space<hbm>>) dst(%dma_wait3A_1088 : memref<512xi32, #tpu.memory_space<vmem>>)
    %add3A_1090 = arith.constant 802816 : i32
    %add3A_1091 = arith.addi %add3A_1090, %mul3A_2 : i32
    %dma_wait3A_1092 = arith.constant 49 : i32
    %dma_wait3A_1093 = arith.constant 0 : i32
    %dma_wait3A_1094 = tpu.memref_slice %arg5[%dma_wait3A_1092, %dma_wait3A_1093] : memref<50x512xi32, #tpu.memory_space<vmem>> -> memref<1x512xi32, #tpu.memory_space<vmem>>
    %dma_wait3A_1095 = tpu.memref_squeeze %dma_wait3A_1094 : memref<1x512xi32, #tpu.memory_space<vmem>> -> memref<512xi32, #tpu.memory_space<vmem>>
    %dma_wait3A_1096 = tpu.memref_slice %arg3[%add3A_1091] : memref<819200xi32, #tpu.memory_space<hbm>> -> memref<512xi32, #tpu.memory_space<hbm>>
    %dma_wait3A_1097 = arith.constant 0 : i32
    %dma_wait3A_1098 = tpu.memref_slice %arg5[%dma_wait3A_1092, %dma_wait3A_1097] : memref<50x512xi32, #tpu.memory_space<vmem>> -> memref<1x512xi32, #tpu.memory_space<vmem>>
    %dma_wait3A_1099 = tpu.memref_squeeze %dma_wait3A_1098 : memref<1x512xi32, #tpu.memory_space<vmem>> -> memref<512xi32, #tpu.memory_space<vmem>>
    %dma_wait3A_1100 = tpu.memref_slice %arg3[%add3A_1091] : memref<819200xi32, #tpu.memory_space<hbm>> -> memref<512xi32, #tpu.memory_space<hbm>>
    tpu.wait_dma2 semaphore(%arg10 : memref<!tpu.dma_semaphore, #tpu.memory_space<semaphore_mem>>) src(%dma_wait3A_1100 : memref<512xi32, #tpu.memory_space<hbm>>) dst(%dma_wait3A_1099 : memref<512xi32, #tpu.memory_space<vmem>>)
    %dma_start3A_1101 = arith.constant 0 : i32
    %dma_start3A_1102 = arith.constant 0 : i32
    %dma_start3A_1103 = tpu.memref_slice %arg5[%dma_start3A_1101, %dma_start3A_1102] : memref<50x512xi32, #tpu.memory_space<vmem>> -> memref<1x128xi32, #tpu.memory_space<vmem>>
    %dma_start3A_1104 = tpu.memref_squeeze %dma_start3A_1103 : memref<1x128xi32, #tpu.memory_space<vmem>> -> memref<128xi32, #tpu.memory_space<vmem>>
    %dma_start3A_1105 = arith.constant 0 : i32
    %dma_start3A_1106 = arith.constant 0 : i32
    %dma_start3A_1107 = tpu.memref_slice %arg2[%dma_start3A_1105, %dma_start3A_1106] : memref<1000000x32xf32, #tpu.memory_space<hbm>> -> memref<1000000x32xf32, #tpu.memory_space<hbm>>
    tpu.enqueue_indirect_dma source(%dma_start3A_1107 : memref<1000000x32xf32, #tpu.memory_space<hbm>>) target(%arg6 : memref<128x32xf32, #tpu.memory_space<vmem>>) offsets(%dma_start3A_1104 : memref<128xi32, #tpu.memory_space<vmem>>) semaphore(%arg11 : memref<!tpu.dma_semaphore, #tpu.memory_space<semaphore_mem>>)
    %dma_start3A_1108 = arith.constant 0 : i32
    %dma_start3A_1109 = arith.constant 128 : i32
    %dma_start3A_1110 = tpu.memref_slice %arg5[%dma_start3A_1108, %dma_start3A_1109] : memref<50x512xi32, #tpu.memory_space<vmem>> -> memref<1x128xi32, #tpu.memory_space<vmem>>
    %dma_start3A_1111 = tpu.memref_squeeze %dma_start3A_1110 : memref<1x128xi32, #tpu.memory_space<vmem>> -> memref<128xi32, #tpu.memory_space<vmem>>
    %dma_start3A_1112 = arith.constant 0 : i32
    %dma_start3A_1113 = arith.constant 0 : i32
    %dma_start3A_1114 = tpu.memref_slice %arg2[%dma_start3A_1112, %dma_start3A_1113] : memref<1000000x32xf32, #tpu.memory_space<hbm>> -> memref<1000000x32xf32, #tpu.memory_space<hbm>>
    tpu.enqueue_indirect_dma source(%dma_start3A_1114 : memref<1000000x32xf32, #tpu.memory_space<hbm>>) target(%arg7 : memref<128x32xf32, #tpu.memory_space<vmem>>) offsets(%dma_start3A_1111 : memref<128xi32, #tpu.memory_space<vmem>>) semaphore(%arg12 : memref<!tpu.dma_semaphore, #tpu.memory_space<semaphore_mem>>)
    %dma_start3A_1115 = arith.constant 0 : i32
    %dma_start3A_1116 = arith.constant 256 : i32
    %dma_start3A_1117 = tpu.memref_slice %arg5[%dma_start3A_1115, %dma_start3A_1116] : memref<50x512xi32, #tpu.memory_space<vmem>> -> memref<1x128xi32, #tpu.memory_space<vmem>>
    %dma_start3A_1118 = tpu.memref_squeeze %dma_start3A_1117 : memref<1x128xi32, #tpu.memory_space<vmem>> -> memref<128xi32, #tpu.memory_space<vmem>>
    %dma_start3A_1119 = arith.constant 0 : i32
    %dma_start3A_1120 = arith.constant 0 : i32
    %dma_start3A_1121 = tpu.memref_slice %arg2[%dma_start3A_1119, %dma_start3A_1120] : memref<1000000x32xf32, #tpu.memory_space<hbm>> -> memref<1000000x32xf32, #tpu.memory_space<hbm>>
    tpu.enqueue_indirect_dma source(%dma_start3A_1121 : memref<1000000x32xf32, #tpu.memory_space<hbm>>) target(%arg8 : memref<128x32xf32, #tpu.memory_space<vmem>>) offsets(%dma_start3A_1118 : memref<128xi32, #tpu.memory_space<vmem>>) semaphore(%arg13 : memref<!tpu.dma_semaphore, #tpu.memory_space<semaphore_mem>>)
    %scan3A = arith.constant 0 : i32
    %scan3A_1122 = arith.constant 0 : i32
    %scan3A_1123 = arith.constant 49 : i32
    %scan3A_1124 = arith.addi %scan3A_1122, %scan3A_1123 : i32
    %scan3A_1125 = arith.constant 1 : i32
    scf.for %scan3A_1243 = %scan3A_1122 to %scan3A_1124 step %scan3A_1125  : i32 {
      %mul3A_1244 = arith.constant 4 : i32
      %mul3A_1245 = arith.muli %mul3A_1244, %scan3A_1243 : i32
      %add3A_1246 = arith.constant 0 : i32
      %add3A_1247 = arith.addi %mul3A_1245, %add3A_1246 : i32
      %jit3A = arith.constant 4 : i32
      %div3A = arith.divsi %add3A_1247, %jit3A : i32
      %sign3A = arith.constant 0 : i32
      %sign3A_1248 = arith.cmpi sgt, %add3A_1247, %sign3A : i32
      %sign3A_1249 = arith.extui %sign3A_1248 : i1 to i32
      %sign3A_1250 = arith.constant 0 : i32
      %sign3A_1251 = arith.cmpi slt, %add3A_1247, %sign3A_1250 : i32
      %sign3A_1252 = arith.extui %sign3A_1251 : i1 to i32
      %sign3A_1253 = arith.subi %sign3A_1249, %sign3A_1252 : i32
      %sign3A_1254 = arith.constant 0 : i32
      %sign3A_1255 = arith.cmpi sgt, %jit3A, %sign3A_1254 : i32
      %sign3A_1256 = arith.extui %sign3A_1255 : i1 to i32
      %sign3A_1257 = arith.constant 0 : i32
      %sign3A_1258 = arith.cmpi slt, %jit3A, %sign3A_1257 : i32
      %sign3A_1259 = arith.extui %sign3A_1258 : i1 to i32
      %sign3A_1260 = arith.subi %sign3A_1256, %sign3A_1259 : i32
      %ne3A = arith.cmpi ne, %sign3A_1253, %sign3A_1260 : i32
      %rem3A = arith.remsi %add3A_1247, %jit3A : i32
      %ne3A_1261 = arith.constant 0 : i32
      %ne3A_1262 = arith.cmpi ne, %rem3A, %ne3A_1261 : i32
      %and3A = arith.andi %ne3A, %ne3A_1262 : i1
      %sub3A = arith.constant 1 : i32
      %sub3A_1263 = arith.subi %div3A, %sub3A : i32
      %select_n3A = arith.select %and3A, %sub3A_1263, %div3A : i32
      %jit3A_1264 = arith.constant 4 : i32
      %eq3A = arith.constant 0 : i32
      %eq3A_1265 = arith.cmpi eq, %jit3A_1264, %eq3A : i32
      %jit3A_1266 = arith.constant 1 : i32
      %select_n3A_1267 = arith.select %eq3A_1265, %jit3A_1266, %jit3A_1264 : i32
      %rem3A_1268 = arith.remsi %add3A_1247, %select_n3A_1267 : i32
      %ne3A_1269 = arith.constant 0 : i32
      %ne3A_1270 = arith.cmpi ne, %rem3A_1268, %ne3A_1269 : i32
      %lt3A = arith.constant 0 : i32
      %lt3A_1271 = arith.cmpi slt, %rem3A_1268, %lt3A : i32
      %lt3A_1272 = arith.constant 0 : i32
      %lt3A_1273 = arith.cmpi slt, %select_n3A_1267, %lt3A_1272 : i32
      %ne3A_1274 = arith.xori %lt3A_1271, %lt3A_1273 : i1
      %and3A_1275 = arith.andi %ne3A_1274, %ne3A_1270 : i1
      %add3A_1276 = arith.addi %rem3A_1268, %select_n3A_1267 : i32
      %select_n3A_1277 = arith.select %and3A_1275, %add3A_1276, %rem3A_1268 : i32
      %mul3A_1278 = arith.constant 128 : i32
      %mul3A_1279 = arith.muli %select_n3A_1277, %mul3A_1278 : i32
      %dma_wait3A_1280 = tpu.memref_slice %arg5[%select_n3A, %mul3A_1279] : memref<50x512xi32, #tpu.memory_space<vmem>> -> memref<1x128xi32, #tpu.memory_space<vmem>>
      %dma_wait3A_1281 = tpu.memref_squeeze %dma_wait3A_1280 : memref<1x128xi32, #tpu.memory_space<vmem>> -> memref<128xi32, #tpu.memory_space<vmem>>
      %dma_wait3A_1282 = arith.constant 0 : i32
      %dma_wait3A_1283 = arith.constant 0 : i32
      %dma_wait3A_1284 = tpu.memref_slice %arg2[%dma_wait3A_1282, %dma_wait3A_1283] : memref<1000000x32xf32, #tpu.memory_space<hbm>> -> memref<1000000x32xf32, #tpu.memory_space<hbm>>
      tpu.wait_indirect_dma semaphore(%arg11 : memref<!tpu.dma_semaphore, #tpu.memory_space<semaphore_mem>>) src(%dma_wait3A_1284 : memref<1000000x32xf32, #tpu.memory_space<hbm>>) dst(%arg6 : memref<128x32xf32, #tpu.memory_space<vmem>>)
      %ge3A = arith.constant 1 : i32
      %ge3A_1285 = arith.cmpi sge, %add3A_1247, %ge3A : i32
      %convert_element_type3A = arith.extui %ge3A_1285 : i1 to i32
      %cond3A = arith.constant 0 : i32
      %cond3A_1286 = arith.cmpi ne, %convert_element_type3A, %cond3A : i32
      scf.if %cond3A_1286 {
        %sub3A_1847 = arith.constant 1 : i32
        %sub3A_1848 = arith.subi %add3A_1247, %sub3A_1847 : i32
        %jit3A_1849 = arith.constant 4 : i32
        %div3A_1850 = arith.divsi %sub3A_1848, %jit3A_1849 : i32
        %sign3A_1851 = arith.constant 0 : i32
        %sign3A_1852 = arith.cmpi sgt, %sub3A_1848, %sign3A_1851 : i32
        %sign3A_1853 = arith.extui %sign3A_1852 : i1 to i32
        %sign3A_1854 = arith.constant 0 : i32
        %sign3A_1855 = arith.cmpi slt, %sub3A_1848, %sign3A_1854 : i32
        %sign3A_1856 = arith.extui %sign3A_1855 : i1 to i32
        %sign3A_1857 = arith.subi %sign3A_1853, %sign3A_1856 : i32
        %sign3A_1858 = arith.constant 0 : i32
        %sign3A_1859 = arith.cmpi sgt, %jit3A_1849, %sign3A_1858 : i32
        %sign3A_1860 = arith.extui %sign3A_1859 : i1 to i32
        %sign3A_1861 = arith.constant 0 : i32
        %sign3A_1862 = arith.cmpi slt, %jit3A_1849, %sign3A_1861 : i32
        %sign3A_1863 = arith.extui %sign3A_1862 : i1 to i32
        %sign3A_1864 = arith.subi %sign3A_1860, %sign3A_1863 : i32
        %ne3A_1865 = arith.cmpi ne, %sign3A_1857, %sign3A_1864 : i32
        %rem3A_1866 = arith.remsi %sub3A_1848, %jit3A_1849 : i32
        %ne3A_1867 = arith.constant 0 : i32
        %ne3A_1868 = arith.cmpi ne, %rem3A_1866, %ne3A_1867 : i32
        %and3A_1869 = arith.andi %ne3A_1865, %ne3A_1868 : i1
        %sub3A_1870 = arith.constant 1 : i32
        %sub3A_1871 = arith.subi %div3A_1850, %sub3A_1870 : i32
        %select_n3A_1872 = arith.select %and3A_1869, %sub3A_1871, %div3A_1850 : i32
        %jit3A_1873 = arith.constant 4 : i32
        %eq3A_1874 = arith.constant 0 : i32
        %eq3A_1875 = arith.cmpi eq, %jit3A_1873, %eq3A_1874 : i32
        %jit3A_1876 = arith.constant 1 : i32
        %select_n3A_1877 = arith.select %eq3A_1875, %jit3A_1876, %jit3A_1873 : i32
        %rem3A_1878 = arith.remsi %sub3A_1848, %select_n3A_1877 : i32
        %ne3A_1879 = arith.constant 0 : i32
        %ne3A_1880 = arith.cmpi ne, %rem3A_1878, %ne3A_1879 : i32
        %lt3A_1881 = arith.constant 0 : i32
        %lt3A_1882 = arith.cmpi slt, %rem3A_1878, %lt3A_1881 : i32
        %lt3A_1883 = arith.constant 0 : i32
        %lt3A_1884 = arith.cmpi slt, %select_n3A_1877, %lt3A_1883 : i32
        %ne3A_1885 = arith.xori %lt3A_1882, %lt3A_1884 : i1
        %and3A_1886 = arith.andi %ne3A_1885, %ne3A_1880 : i1
        %add3A_1887 = arith.addi %rem3A_1878, %select_n3A_1877 : i32
        %select_n3A_1888 = arith.select %and3A_1886, %add3A_1887, %rem3A_1878 : i32
        %mul3A_1889 = arith.constant 128 : i32
        %mul3A_1890 = arith.muli %select_n3A_1888, %mul3A_1889 : i32
        %add3A_1891 = arith.addi %mul3A_2, %mul3A_1890 : i32
        %dma_wait3A_1892 = arith.constant 0 : i32
        %dma_wait3A_1893 = tpu.memref_slice %arg4[%select_n3A_1872, %add3A_1891, %dma_wait3A_1892] : memref<50x16384x32xf32, #tpu.memory_space<hbm>> -> memref<1x128x32xf32, #tpu.memory_space<hbm>>
        %dma_wait3A_1894 = tpu.memref_squeeze %dma_wait3A_1893 : memref<1x128x32xf32, #tpu.memory_space<hbm>> -> memref<128x32xf32, #tpu.memory_space<hbm>>
        %dma_wait3A_1895 = arith.constant 0 : i32
        %dma_wait3A_1896 = tpu.memref_slice %arg4[%select_n3A_1872, %add3A_1891, %dma_wait3A_1895] : memref<50x16384x32xf32, #tpu.memory_space<hbm>> -> memref<1x128x32xf32, #tpu.memory_space<hbm>>
        %dma_wait3A_1897 = tpu.memref_squeeze %dma_wait3A_1896 : memref<1x128x32xf32, #tpu.memory_space<hbm>> -> memref<128x32xf32, #tpu.memory_space<hbm>>
        tpu.wait_dma2 semaphore(%arg18 : memref<!tpu.dma_semaphore, #tpu.memory_space<semaphore_mem>>) src(%arg9 : memref<128x32xf32, #tpu.memory_space<vmem>>) dst(%dma_wait3A_1897 : memref<128x32xf32, #tpu.memory_space<hbm>>)
      } else {
      }
      %add3A_1287 = arith.constant 3 : i32
      %add3A_1288 = arith.addi %add3A_1247, %add3A_1287 : i32
      %jit3A_1289 = arith.constant 4 : i32
      %div3A_1290 = arith.divsi %add3A_1288, %jit3A_1289 : i32
      %sign3A_1291 = arith.constant 0 : i32
      %sign3A_1292 = arith.cmpi sgt, %add3A_1288, %sign3A_1291 : i32
      %sign3A_1293 = arith.extui %sign3A_1292 : i1 to i32
      %sign3A_1294 = arith.constant 0 : i32
      %sign3A_1295 = arith.cmpi slt, %add3A_1288, %sign3A_1294 : i32
      %sign3A_1296 = arith.extui %sign3A_1295 : i1 to i32
      %sign3A_1297 = arith.subi %sign3A_1293, %sign3A_1296 : i32
      %sign3A_1298 = arith.constant 0 : i32
      %sign3A_1299 = arith.cmpi sgt, %jit3A_1289, %sign3A_1298 : i32
      %sign3A_1300 = arith.extui %sign3A_1299 : i1 to i32
      %sign3A_1301 = arith.constant 0 : i32
      %sign3A_1302 = arith.cmpi slt, %jit3A_1289, %sign3A_1301 : i32
      %sign3A_1303 = arith.extui %sign3A_1302 : i1 to i32
      %sign3A_1304 = arith.subi %sign3A_1300, %sign3A_1303 : i32
      %ne3A_1305 = arith.cmpi ne, %sign3A_1297, %sign3A_1304 : i32
      %rem3A_1306 = arith.remsi %add3A_1288, %jit3A_1289 : i32
      %ne3A_1307 = arith.constant 0 : i32
      %ne3A_1308 = arith.cmpi ne, %rem3A_1306, %ne3A_1307 : i32
      %and3A_1309 = arith.andi %ne3A_1305, %ne3A_1308 : i1
      %sub3A_1310 = arith.constant 1 : i32
      %sub3A_1311 = arith.subi %div3A_1290, %sub3A_1310 : i32
      %select_n3A_1312 = arith.select %and3A_1309, %sub3A_1311, %div3A_1290 : i32
      %jit3A_1313 = arith.constant 4 : i32
      %eq3A_1314 = arith.constant 0 : i32
      %eq3A_1315 = arith.cmpi eq, %jit3A_1313, %eq3A_1314 : i32
      %jit3A_1316 = arith.constant 1 : i32
      %select_n3A_1317 = arith.select %eq3A_1315, %jit3A_1316, %jit3A_1313 : i32
      %rem3A_1318 = arith.remsi %add3A_1288, %select_n3A_1317 : i32
      %ne3A_1319 = arith.constant 0 : i32
      %ne3A_1320 = arith.cmpi ne, %rem3A_1318, %ne3A_1319 : i32
      %lt3A_1321 = arith.constant 0 : i32
      %lt3A_1322 = arith.cmpi slt, %rem3A_1318, %lt3A_1321 : i32
      %lt3A_1323 = arith.constant 0 : i32
      %lt3A_1324 = arith.cmpi slt, %select_n3A_1317, %lt3A_1323 : i32
      %ne3A_1325 = arith.xori %lt3A_1322, %lt3A_1324 : i1
      %and3A_1326 = arith.andi %ne3A_1325, %ne3A_1320 : i1
      %add3A_1327 = arith.addi %rem3A_1318, %select_n3A_1317 : i32
      %select_n3A_1328 = arith.select %and3A_1326, %add3A_1327, %rem3A_1318 : i32
      %mul3A_1329 = arith.constant 128 : i32
      %mul3A_1330 = arith.muli %select_n3A_1328, %mul3A_1329 : i32
      %dma_start3A_1331 = tpu.memref_slice %arg5[%select_n3A_1312, %mul3A_1330] : memref<50x512xi32, #tpu.memory_space<vmem>> -> memref<1x128xi32, #tpu.memory_space<vmem>>
      %dma_start3A_1332 = tpu.memref_squeeze %dma_start3A_1331 : memref<1x128xi32, #tpu.memory_space<vmem>> -> memref<128xi32, #tpu.memory_space<vmem>>
      %dma_start3A_1333 = arith.constant 0 : i32
      %dma_start3A_1334 = arith.constant 0 : i32
      %dma_start3A_1335 = tpu.memref_slice %arg2[%dma_start3A_1333, %dma_start3A_1334] : memref<1000000x32xf32, #tpu.memory_space<hbm>> -> memref<1000000x32xf32, #tpu.memory_space<hbm>>
      tpu.enqueue_indirect_dma source(%dma_start3A_1335 : memref<1000000x32xf32, #tpu.memory_space<hbm>>) target(%arg9 : memref<128x32xf32, #tpu.memory_space<vmem>>) offsets(%dma_start3A_1332 : memref<128xi32, #tpu.memory_space<vmem>>) semaphore(%arg14 : memref<!tpu.dma_semaphore, #tpu.memory_space<semaphore_mem>>)
      %jit3A_1336 = arith.constant 4 : i32
      %div3A_1337 = arith.divsi %add3A_1247, %jit3A_1336 : i32
      %sign3A_1338 = arith.constant 0 : i32
      %sign3A_1339 = arith.cmpi sgt, %add3A_1247, %sign3A_1338 : i32
      %sign3A_1340 = arith.extui %sign3A_1339 : i1 to i32
      %sign3A_1341 = arith.constant 0 : i32
      %sign3A_1342 = arith.cmpi slt, %add3A_1247, %sign3A_1341 : i32
      %sign3A_1343 = arith.extui %sign3A_1342 : i1 to i32
      %sign3A_1344 = arith.subi %sign3A_1340, %sign3A_1343 : i32
      %sign3A_1345 = arith.constant 0 : i32
      %sign3A_1346 = arith.cmpi sgt, %jit3A_1336, %sign3A_1345 : i32
      %sign3A_1347 = arith.extui %sign3A_1346 : i1 to i32
      %sign3A_1348 = arith.constant 0 : i32
      %sign3A_1349 = arith.cmpi slt, %jit3A_1336, %sign3A_1348 : i32
      %sign3A_1350 = arith.extui %sign3A_1349 : i1 to i32
      %sign3A_1351 = arith.subi %sign3A_1347, %sign3A_1350 : i32
      %ne3A_1352 = arith.cmpi ne, %sign3A_1344, %sign3A_1351 : i32
      %rem3A_1353 = arith.remsi %add3A_1247, %jit3A_1336 : i32
      %ne3A_1354 = arith.constant 0 : i32
      %ne3A_1355 = arith.cmpi ne, %rem3A_1353, %ne3A_1354 : i32
      %and3A_1356 = arith.andi %ne3A_1352, %ne3A_1355 : i1
      %sub3A_1357 = arith.constant 1 : i32
      %sub3A_1358 = arith.subi %div3A_1337, %sub3A_1357 : i32
      %select_n3A_1359 = arith.select %and3A_1356, %sub3A_1358, %div3A_1337 : i32
      %jit3A_1360 = arith.constant 4 : i32
      %eq3A_1361 = arith.constant 0 : i32
      %eq3A_1362 = arith.cmpi eq, %jit3A_1360, %eq3A_1361 : i32
      %jit3A_1363 = arith.constant 1 : i32
      %select_n3A_1364 = arith.select %eq3A_1362, %jit3A_1363, %jit3A_1360 : i32
      %rem3A_1365 = arith.remsi %add3A_1247, %select_n3A_1364 : i32
      %ne3A_1366 = arith.constant 0 : i32
      %ne3A_1367 = arith.cmpi ne, %rem3A_1365, %ne3A_1366 : i32
      %lt3A_1368 = arith.constant 0 : i32
      %lt3A_1369 = arith.cmpi slt, %rem3A_1365, %lt3A_1368 : i32
      %lt3A_1370 = arith.constant 0 : i32
      %lt3A_1371 = arith.cmpi slt, %select_n3A_1364, %lt3A_1370 : i32
      %ne3A_1372 = arith.xori %lt3A_1369, %lt3A_1371 : i1
      %and3A_1373 = arith.andi %ne3A_1372, %ne3A_1367 : i1
      %add3A_1374 = arith.addi %rem3A_1365, %select_n3A_1364 : i32
      %select_n3A_1375 = arith.select %and3A_1373, %add3A_1374, %rem3A_1365 : i32
      %mul3A_1376 = arith.constant 128 : i32
      %mul3A_1377 = arith.muli %select_n3A_1375, %mul3A_1376 : i32
      %add3A_1378 = arith.addi %mul3A_2, %mul3A_1377 : i32
      %dma_start3A_1379 = arith.constant 0 : i32
      %dma_start3A_1380 = tpu.memref_slice %arg4[%select_n3A_1359, %add3A_1378, %dma_start3A_1379] : memref<50x16384x32xf32, #tpu.memory_space<hbm>> -> memref<1x128x32xf32, #tpu.memory_space<hbm>>
      %dma_start3A_1381 = tpu.memref_squeeze %dma_start3A_1380 : memref<1x128x32xf32, #tpu.memory_space<hbm>> -> memref<128x32xf32, #tpu.memory_space<hbm>>
      %dma_start3A_1382 = arith.constant 0 : i32
      %dma_start3A_1383 = tpu.memref_slice %arg4[%select_n3A_1359, %add3A_1378, %dma_start3A_1382] : memref<50x16384x32xf32, #tpu.memory_space<hbm>> -> memref<1x128x32xf32, #tpu.memory_space<hbm>>
      %dma_start3A_1384 = tpu.memref_squeeze %dma_start3A_1383 : memref<1x128x32xf32, #tpu.memory_space<hbm>> -> memref<128x32xf32, #tpu.memory_space<hbm>>
      tpu.enqueue_dma source(%arg6 : memref<128x32xf32, #tpu.memory_space<vmem>>) target(%dma_start3A_1384 : memref<128x32xf32, #tpu.memory_space<hbm>>) target_semaphore(%arg15 : memref<!tpu.dma_semaphore, #tpu.memory_space<semaphore_mem>>)
      %mul3A_1385 = arith.constant 4 : i32
      %mul3A_1386 = arith.muli %mul3A_1385, %scan3A_1243 : i32
      %add3A_1387 = arith.constant 1 : i32
      %add3A_1388 = arith.addi %mul3A_1386, %add3A_1387 : i32
      %jit3A_1389 = arith.constant 4 : i32
      %div3A_1390 = arith.divsi %add3A_1388, %jit3A_1389 : i32
      %sign3A_1391 = arith.constant 0 : i32
      %sign3A_1392 = arith.cmpi sgt, %add3A_1388, %sign3A_1391 : i32
      %sign3A_1393 = arith.extui %sign3A_1392 : i1 to i32
      %sign3A_1394 = arith.constant 0 : i32
      %sign3A_1395 = arith.cmpi slt, %add3A_1388, %sign3A_1394 : i32
      %sign3A_1396 = arith.extui %sign3A_1395 : i1 to i32
      %sign3A_1397 = arith.subi %sign3A_1393, %sign3A_1396 : i32
      %sign3A_1398 = arith.constant 0 : i32
      %sign3A_1399 = arith.cmpi sgt, %jit3A_1389, %sign3A_1398 : i32
      %sign3A_1400 = arith.extui %sign3A_1399 : i1 to i32
      %sign3A_1401 = arith.constant 0 : i32
      %sign3A_1402 = arith.cmpi slt, %jit3A_1389, %sign3A_1401 : i32
      %sign3A_1403 = arith.extui %sign3A_1402 : i1 to i32
      %sign3A_1404 = arith.subi %sign3A_1400, %sign3A_1403 : i32
      %ne3A_1405 = arith.cmpi ne, %sign3A_1397, %sign3A_1404 : i32
      %rem3A_1406 = arith.remsi %add3A_1388, %jit3A_1389 : i32
      %ne3A_1407 = arith.constant 0 : i32
      %ne3A_1408 = arith.cmpi ne, %rem3A_1406, %ne3A_1407 : i32
      %and3A_1409 = arith.andi %ne3A_1405, %ne3A_1408 : i1
      %sub3A_1410 = arith.constant 1 : i32
      %sub3A_1411 = arith.subi %div3A_1390, %sub3A_1410 : i32
      %select_n3A_1412 = arith.select %and3A_1409, %sub3A_1411, %div3A_1390 : i32
      %jit3A_1413 = arith.constant 4 : i32
      %eq3A_1414 = arith.constant 0 : i32
      %eq3A_1415 = arith.cmpi eq, %jit3A_1413, %eq3A_1414 : i32
      %jit3A_1416 = arith.constant 1 : i32
      %select_n3A_1417 = arith.select %eq3A_1415, %jit3A_1416, %jit3A_1413 : i32
      %rem3A_1418 = arith.remsi %add3A_1388, %select_n3A_1417 : i32
      %ne3A_1419 = arith.constant 0 : i32
      %ne3A_1420 = arith.cmpi ne, %rem3A_1418, %ne3A_1419 : i32
      %lt3A_1421 = arith.constant 0 : i32
      %lt3A_1422 = arith.cmpi slt, %rem3A_1418, %lt3A_1421 : i32
      %lt3A_1423 = arith.constant 0 : i32
      %lt3A_1424 = arith.cmpi slt, %select_n3A_1417, %lt3A_1423 : i32
      %ne3A_1425 = arith.xori %lt3A_1422, %lt3A_1424 : i1
      %and3A_1426 = arith.andi %ne3A_1425, %ne3A_1420 : i1
      %add3A_1427 = arith.addi %rem3A_1418, %select_n3A_1417 : i32
      %select_n3A_1428 = arith.select %and3A_1426, %add3A_1427, %rem3A_1418 : i32
      %mul3A_1429 = arith.constant 128 : i32
      %mul3A_1430 = arith.muli %select_n3A_1428, %mul3A_1429 : i32
      %dma_wait3A_1431 = tpu.memref_slice %arg5[%select_n3A_1412, %mul3A_1430] : memref<50x512xi32, #tpu.memory_space<vmem>> -> memref<1x128xi32, #tpu.memory_space<vmem>>
      %dma_wait3A_1432 = tpu.memref_squeeze %dma_wait3A_1431 : memref<1x128xi32, #tpu.memory_space<vmem>> -> memref<128xi32, #tpu.memory_space<vmem>>
      %dma_wait3A_1433 = arith.constant 0 : i32
      %dma_wait3A_1434 = arith.constant 0 : i32
      %dma_wait3A_1435 = tpu.memref_slice %arg2[%dma_wait3A_1433, %dma_wait3A_1434] : memref<1000000x32xf32, #tpu.memory_space<hbm>> -> memref<1000000x32xf32, #tpu.memory_space<hbm>>
      tpu.wait_indirect_dma semaphore(%arg12 : memref<!tpu.dma_semaphore, #tpu.memory_space<semaphore_mem>>) src(%dma_wait3A_1435 : memref<1000000x32xf32, #tpu.memory_space<hbm>>) dst(%arg7 : memref<128x32xf32, #tpu.memory_space<vmem>>)
      %ge3A_1436 = arith.constant 1 : i32
      %ge3A_1437 = arith.cmpi sge, %add3A_1388, %ge3A_1436 : i32
      %convert_element_type3A_1438 = arith.extui %ge3A_1437 : i1 to i32
      %cond3A_1439 = arith.constant 0 : i32
      %cond3A_1440 = arith.cmpi ne, %convert_element_type3A_1438, %cond3A_1439 : i32
      scf.if %cond3A_1440 {
        %sub3A_1847 = arith.constant 1 : i32
        %sub3A_1848 = arith.subi %add3A_1388, %sub3A_1847 : i32
        %jit3A_1849 = arith.constant 4 : i32
        %div3A_1850 = arith.divsi %sub3A_1848, %jit3A_1849 : i32
        %sign3A_1851 = arith.constant 0 : i32
        %sign3A_1852 = arith.cmpi sgt, %sub3A_1848, %sign3A_1851 : i32
        %sign3A_1853 = arith.extui %sign3A_1852 : i1 to i32
        %sign3A_1854 = arith.constant 0 : i32
        %sign3A_1855 = arith.cmpi slt, %sub3A_1848, %sign3A_1854 : i32
        %sign3A_1856 = arith.extui %sign3A_1855 : i1 to i32
        %sign3A_1857 = arith.subi %sign3A_1853, %sign3A_1856 : i32
        %sign3A_1858 = arith.constant 0 : i32
        %sign3A_1859 = arith.cmpi sgt, %jit3A_1849, %sign3A_1858 : i32
        %sign3A_1860 = arith.extui %sign3A_1859 : i1 to i32
        %sign3A_1861 = arith.constant 0 : i32
        %sign3A_1862 = arith.cmpi slt, %jit3A_1849, %sign3A_1861 : i32
        %sign3A_1863 = arith.extui %sign3A_1862 : i1 to i32
        %sign3A_1864 = arith.subi %sign3A_1860, %sign3A_1863 : i32
        %ne3A_1865 = arith.cmpi ne, %sign3A_1857, %sign3A_1864 : i32
        %rem3A_1866 = arith.remsi %sub3A_1848, %jit3A_1849 : i32
        %ne3A_1867 = arith.constant 0 : i32
        %ne3A_1868 = arith.cmpi ne, %rem3A_1866, %ne3A_1867 : i32
        %and3A_1869 = arith.andi %ne3A_1865, %ne3A_1868 : i1
        %sub3A_1870 = arith.constant 1 : i32
        %sub3A_1871 = arith.subi %div3A_1850, %sub3A_1870 : i32
        %select_n3A_1872 = arith.select %and3A_1869, %sub3A_1871, %div3A_1850 : i32
        %jit3A_1873 = arith.constant 4 : i32
        %eq3A_1874 = arith.constant 0 : i32
        %eq3A_1875 = arith.cmpi eq, %jit3A_1873, %eq3A_1874 : i32
        %jit3A_1876 = arith.constant 1 : i32
        %select_n3A_1877 = arith.select %eq3A_1875, %jit3A_1876, %jit3A_1873 : i32
        %rem3A_1878 = arith.remsi %sub3A_1848, %select_n3A_1877 : i32
        %ne3A_1879 = arith.constant 0 : i32
        %ne3A_1880 = arith.cmpi ne, %rem3A_1878, %ne3A_1879 : i32
        %lt3A_1881 = arith.constant 0 : i32
        %lt3A_1882 = arith.cmpi slt, %rem3A_1878, %lt3A_1881 : i32
        %lt3A_1883 = arith.constant 0 : i32
        %lt3A_1884 = arith.cmpi slt, %select_n3A_1877, %lt3A_1883 : i32
        %ne3A_1885 = arith.xori %lt3A_1882, %lt3A_1884 : i1
        %and3A_1886 = arith.andi %ne3A_1885, %ne3A_1880 : i1
        %add3A_1887 = arith.addi %rem3A_1878, %select_n3A_1877 : i32
        %select_n3A_1888 = arith.select %and3A_1886, %add3A_1887, %rem3A_1878 : i32
        %mul3A_1889 = arith.constant 128 : i32
        %mul3A_1890 = arith.muli %select_n3A_1888, %mul3A_1889 : i32
        %add3A_1891 = arith.addi %mul3A_2, %mul3A_1890 : i32
        %dma_wait3A_1892 = arith.constant 0 : i32
        %dma_wait3A_1893 = tpu.memref_slice %arg4[%select_n3A_1872, %add3A_1891, %dma_wait3A_1892] : memref<50x16384x32xf32, #tpu.memory_space<hbm>> -> memref<1x128x32xf32, #tpu.memory_space<hbm>>
        %dma_wait3A_1894 = tpu.memref_squeeze %dma_wait3A_1893 : memref<1x128x32xf32, #tpu.memory_space<hbm>> -> memref<128x32xf32, #tpu.memory_space<hbm>>
        %dma_wait3A_1895 = arith.constant 0 : i32
        %dma_wait3A_1896 = tpu.memref_slice %arg4[%select_n3A_1872, %add3A_1891, %dma_wait3A_1895] : memref<50x16384x32xf32, #tpu.memory_space<hbm>> -> memref<1x128x32xf32, #tpu.memory_space<hbm>>
        %dma_wait3A_1897 = tpu.memref_squeeze %dma_wait3A_1896 : memref<1x128x32xf32, #tpu.memory_space<hbm>> -> memref<128x32xf32, #tpu.memory_space<hbm>>
        tpu.wait_dma2 semaphore(%arg15 : memref<!tpu.dma_semaphore, #tpu.memory_space<semaphore_mem>>) src(%arg6 : memref<128x32xf32, #tpu.memory_space<vmem>>) dst(%dma_wait3A_1897 : memref<128x32xf32, #tpu.memory_space<hbm>>)
      } else {
      }
      %add3A_1441 = arith.constant 3 : i32
      %add3A_1442 = arith.addi %add3A_1388, %add3A_1441 : i32
      %jit3A_1443 = arith.constant 4 : i32
      %div3A_1444 = arith.divsi %add3A_1442, %jit3A_1443 : i32
      %sign3A_1445 = arith.constant 0 : i32
      %sign3A_1446 = arith.cmpi sgt, %add3A_1442, %sign3A_1445 : i32
      %sign3A_1447 = arith.extui %sign3A_1446 : i1 to i32
      %sign3A_1448 = arith.constant 0 : i32
      %sign3A_1449 = arith.cmpi slt, %add3A_1442, %sign3A_1448 : i32
      %sign3A_1450 = arith.extui %sign3A_1449 : i1 to i32
      %sign3A_1451 = arith.subi %sign3A_1447, %sign3A_1450 : i32
      %sign3A_1452 = arith.constant 0 : i32
      %sign3A_1453 = arith.cmpi sgt, %jit3A_1443, %sign3A_1452 : i32
      %sign3A_1454 = arith.extui %sign3A_1453 : i1 to i32
      %sign3A_1455 = arith.constant 0 : i32
      %sign3A_1456 = arith.cmpi slt, %jit3A_1443, %sign3A_1455 : i32
      %sign3A_1457 = arith.extui %sign3A_1456 : i1 to i32
      %sign3A_1458 = arith.subi %sign3A_1454, %sign3A_1457 : i32
      %ne3A_1459 = arith.cmpi ne, %sign3A_1451, %sign3A_1458 : i32
      %rem3A_1460 = arith.remsi %add3A_1442, %jit3A_1443 : i32
      %ne3A_1461 = arith.constant 0 : i32
      %ne3A_1462 = arith.cmpi ne, %rem3A_1460, %ne3A_1461 : i32
      %and3A_1463 = arith.andi %ne3A_1459, %ne3A_1462 : i1
      %sub3A_1464 = arith.constant 1 : i32
      %sub3A_1465 = arith.subi %div3A_1444, %sub3A_1464 : i32
      %select_n3A_1466 = arith.select %and3A_1463, %sub3A_1465, %div3A_1444 : i32
      %jit3A_1467 = arith.constant 4 : i32
      %eq3A_1468 = arith.constant 0 : i32
      %eq3A_1469 = arith.cmpi eq, %jit3A_1467, %eq3A_1468 : i32
      %jit3A_1470 = arith.constant 1 : i32
      %select_n3A_1471 = arith.select %eq3A_1469, %jit3A_1470, %jit3A_1467 : i32
      %rem3A_1472 = arith.remsi %add3A_1442, %select_n3A_1471 : i32
      %ne3A_1473 = arith.constant 0 : i32
      %ne3A_1474 = arith.cmpi ne, %rem3A_1472, %ne3A_1473 : i32
      %lt3A_1475 = arith.constant 0 : i32
      %lt3A_1476 = arith.cmpi slt, %rem3A_1472, %lt3A_1475 : i32
      %lt3A_1477 = arith.constant 0 : i32
      %lt3A_1478 = arith.cmpi slt, %select_n3A_1471, %lt3A_1477 : i32
      %ne3A_1479 = arith.xori %lt3A_1476, %lt3A_1478 : i1
      %and3A_1480 = arith.andi %ne3A_1479, %ne3A_1474 : i1
      %add3A_1481 = arith.addi %rem3A_1472, %select_n3A_1471 : i32
      %select_n3A_1482 = arith.select %and3A_1480, %add3A_1481, %rem3A_1472 : i32
      %mul3A_1483 = arith.constant 128 : i32
      %mul3A_1484 = arith.muli %select_n3A_1482, %mul3A_1483 : i32
      %dma_start3A_1485 = tpu.memref_slice %arg5[%select_n3A_1466, %mul3A_1484] : memref<50x512xi32, #tpu.memory_space<vmem>> -> memref<1x128xi32, #tpu.memory_space<vmem>>
      %dma_start3A_1486 = tpu.memref_squeeze %dma_start3A_1485 : memref<1x128xi32, #tpu.memory_space<vmem>> -> memref<128xi32, #tpu.memory_space<vmem>>
      %dma_start3A_1487 = arith.constant 0 : i32
      %dma_start3A_1488 = arith.constant 0 : i32
      %dma_start3A_1489 = tpu.memref_slice %arg2[%dma_start3A_1487, %dma_start3A_1488] : memref<1000000x32xf32, #tpu.memory_space<hbm>> -> memref<1000000x32xf32, #tpu.memory_space<hbm>>
      tpu.enqueue_indirect_dma source(%dma_start3A_1489 : memref<1000000x32xf32, #tpu.memory_space<hbm>>) target(%arg6 : memref<128x32xf32, #tpu.memory_space<vmem>>) offsets(%dma_start3A_1486 : memref<128xi32, #tpu.memory_space<vmem>>) semaphore(%arg11 : memref<!tpu.dma_semaphore, #tpu.memory_space<semaphore_mem>>)
      %jit3A_1490 = arith.constant 4 : i32
      %div3A_1491 = arith.divsi %add3A_1388, %jit3A_1490 : i32
      %sign3A_1492 = arith.constant 0 : i32
      %sign3A_1493 = arith.cmpi sgt, %add3A_1388, %sign3A_1492 : i32
      %sign3A_1494 = arith.extui %sign3A_1493 : i1 to i32
      %sign3A_1495 = arith.constant 0 : i32
      %sign3A_1496 = arith.cmpi slt, %add3A_1388, %sign3A_1495 : i32
      %sign3A_1497 = arith.extui %sign3A_1496 : i1 to i32
      %sign3A_1498 = arith.subi %sign3A_1494, %sign3A_1497 : i32
      %sign3A_1499 = arith.constant 0 : i32
      %sign3A_1500 = arith.cmpi sgt, %jit3A_1490, %sign3A_1499 : i32
      %sign3A_1501 = arith.extui %sign3A_1500 : i1 to i32
      %sign3A_1502 = arith.constant 0 : i32
      %sign3A_1503 = arith.cmpi slt, %jit3A_1490, %sign3A_1502 : i32
      %sign3A_1504 = arith.extui %sign3A_1503 : i1 to i32
      %sign3A_1505 = arith.subi %sign3A_1501, %sign3A_1504 : i32
      %ne3A_1506 = arith.cmpi ne, %sign3A_1498, %sign3A_1505 : i32
      %rem3A_1507 = arith.remsi %add3A_1388, %jit3A_1490 : i32
      %ne3A_1508 = arith.constant 0 : i32
      %ne3A_1509 = arith.cmpi ne, %rem3A_1507, %ne3A_1508 : i32
      %and3A_1510 = arith.andi %ne3A_1506, %ne3A_1509 : i1
      %sub3A_1511 = arith.constant 1 : i32
      %sub3A_1512 = arith.subi %div3A_1491, %sub3A_1511 : i32
      %select_n3A_1513 = arith.select %and3A_1510, %sub3A_1512, %div3A_1491 : i32
      %jit3A_1514 = arith.constant 4 : i32
      %eq3A_1515 = arith.constant 0 : i32
      %eq3A_1516 = arith.cmpi eq, %jit3A_1514, %eq3A_1515 : i32
      %jit3A_1517 = arith.constant 1 : i32
      %select_n3A_1518 = arith.select %eq3A_1516, %jit3A_1517, %jit3A_1514 : i32
      %rem3A_1519 = arith.remsi %add3A_1388, %select_n3A_1518 : i32
      %ne3A_1520 = arith.constant 0 : i32
      %ne3A_1521 = arith.cmpi ne, %rem3A_1519, %ne3A_1520 : i32
      %lt3A_1522 = arith.constant 0 : i32
      %lt3A_1523 = arith.cmpi slt, %rem3A_1519, %lt3A_1522 : i32
      %lt3A_1524 = arith.constant 0 : i32
      %lt3A_1525 = arith.cmpi slt, %select_n3A_1518, %lt3A_1524 : i32
      %ne3A_1526 = arith.xori %lt3A_1523, %lt3A_1525 : i1
      %and3A_1527 = arith.andi %ne3A_1526, %ne3A_1521 : i1
      %add3A_1528 = arith.addi %rem3A_1519, %select_n3A_1518 : i32
      %select_n3A_1529 = arith.select %and3A_1527, %add3A_1528, %rem3A_1519 : i32
      %mul3A_1530 = arith.constant 128 : i32
      %mul3A_1531 = arith.muli %select_n3A_1529, %mul3A_1530 : i32
      %add3A_1532 = arith.addi %mul3A_2, %mul3A_1531 : i32
      %dma_start3A_1533 = arith.constant 0 : i32
      %dma_start3A_1534 = tpu.memref_slice %arg4[%select_n3A_1513, %add3A_1532, %dma_start3A_1533] : memref<50x16384x32xf32, #tpu.memory_space<hbm>> -> memref<1x128x32xf32, #tpu.memory_space<hbm>>
      %dma_start3A_1535 = tpu.memref_squeeze %dma_start3A_1534 : memref<1x128x32xf32, #tpu.memory_space<hbm>> -> memref<128x32xf32, #tpu.memory_space<hbm>>
      %dma_start3A_1536 = arith.constant 0 : i32
      %dma_start3A_1537 = tpu.memref_slice %arg4[%select_n3A_1513, %add3A_1532, %dma_start3A_1536] : memref<50x16384x32xf32, #tpu.memory_space<hbm>> -> memref<1x128x32xf32, #tpu.memory_space<hbm>>
      %dma_start3A_1538 = tpu.memref_squeeze %dma_start3A_1537 : memref<1x128x32xf32, #tpu.memory_space<hbm>> -> memref<128x32xf32, #tpu.memory_space<hbm>>
      tpu.enqueue_dma source(%arg7 : memref<128x32xf32, #tpu.memory_space<vmem>>) target(%dma_start3A_1538 : memref<128x32xf32, #tpu.memory_space<hbm>>) target_semaphore(%arg16 : memref<!tpu.dma_semaphore, #tpu.memory_space<semaphore_mem>>)
      %mul3A_1539 = arith.constant 4 : i32
      %mul3A_1540 = arith.muli %mul3A_1539, %scan3A_1243 : i32
      %add3A_1541 = arith.constant 2 : i32
      %add3A_1542 = arith.addi %mul3A_1540, %add3A_1541 : i32
      %jit3A_1543 = arith.constant 4 : i32
      %div3A_1544 = arith.divsi %add3A_1542, %jit3A_1543 : i32
      %sign3A_1545 = arith.constant 0 : i32
      %sign3A_1546 = arith.cmpi sgt, %add3A_1542, %sign3A_1545 : i32
      %sign3A_1547 = arith.extui %sign3A_1546 : i1 to i32
      %sign3A_1548 = arith.constant 0 : i32
      %sign3A_1549 = arith.cmpi slt, %add3A_1542, %sign3A_1548 : i32
      %sign3A_1550 = arith.extui %sign3A_1549 : i1 to i32
      %sign3A_1551 = arith.subi %sign3A_1547, %sign3A_1550 : i32
      %sign3A_1552 = arith.constant 0 : i32
      %sign3A_1553 = arith.cmpi sgt, %jit3A_1543, %sign3A_1552 : i32
      %sign3A_1554 = arith.extui %sign3A_1553 : i1 to i32
      %sign3A_1555 = arith.constant 0 : i32
      %sign3A_1556 = arith.cmpi slt, %jit3A_1543, %sign3A_1555 : i32
      %sign3A_1557 = arith.extui %sign3A_1556 : i1 to i32
      %sign3A_1558 = arith.subi %sign3A_1554, %sign3A_1557 : i32
      %ne3A_1559 = arith.cmpi ne, %sign3A_1551, %sign3A_1558 : i32
      %rem3A_1560 = arith.remsi %add3A_1542, %jit3A_1543 : i32
      %ne3A_1561 = arith.constant 0 : i32
      %ne3A_1562 = arith.cmpi ne, %rem3A_1560, %ne3A_1561 : i32
      %and3A_1563 = arith.andi %ne3A_1559, %ne3A_1562 : i1
      %sub3A_1564 = arith.constant 1 : i32
      %sub3A_1565 = arith.subi %div3A_1544, %sub3A_1564 : i32
      %select_n3A_1566 = arith.select %and3A_1563, %sub3A_1565, %div3A_1544 : i32
      %jit3A_1567 = arith.constant 4 : i32
      %eq3A_1568 = arith.constant 0 : i32
      %eq3A_1569 = arith.cmpi eq, %jit3A_1567, %eq3A_1568 : i32
      %jit3A_1570 = arith.constant 1 : i32
      %select_n3A_1571 = arith.select %eq3A_1569, %jit3A_1570, %jit3A_1567 : i32
      %rem3A_1572 = arith.remsi %add3A_1542, %select_n3A_1571 : i32
      %ne3A_1573 = arith.constant 0 : i32
      %ne3A_1574 = arith.cmpi ne, %rem3A_1572, %ne3A_1573 : i32
      %lt3A_1575 = arith.constant 0 : i32
      %lt3A_1576 = arith.cmpi slt, %rem3A_1572, %lt3A_1575 : i32
      %lt3A_1577 = arith.constant 0 : i32
      %lt3A_1578 = arith.cmpi slt, %select_n3A_1571, %lt3A_1577 : i32
      %ne3A_1579 = arith.xori %lt3A_1576, %lt3A_1578 : i1
      %and3A_1580 = arith.andi %ne3A_1579, %ne3A_1574 : i1
      %add3A_1581 = arith.addi %rem3A_1572, %select_n3A_1571 : i32
      %select_n3A_1582 = arith.select %and3A_1580, %add3A_1581, %rem3A_1572 : i32
      %mul3A_1583 = arith.constant 128 : i32
      %mul3A_1584 = arith.muli %select_n3A_1582, %mul3A_1583 : i32
      %dma_wait3A_1585 = tpu.memref_slice %arg5[%select_n3A_1566, %mul3A_1584] : memref<50x512xi32, #tpu.memory_space<vmem>> -> memref<1x128xi32, #tpu.memory_space<vmem>>
      %dma_wait3A_1586 = tpu.memref_squeeze %dma_wait3A_1585 : memref<1x128xi32, #tpu.memory_space<vmem>> -> memref<128xi32, #tpu.memory_space<vmem>>
      %dma_wait3A_1587 = arith.constant 0 : i32
      %dma_wait3A_1588 = arith.constant 0 : i32
      %dma_wait3A_1589 = tpu.memref_slice %arg2[%dma_wait3A_1587, %dma_wait3A_1588] : memref<1000000x32xf32, #tpu.memory_space<hbm>> -> memref<1000000x32xf32, #tpu.memory_space<hbm>>
      tpu.wait_indirect_dma semaphore(%arg13 : memref<!tpu.dma_semaphore, #tpu.memory_space<semaphore_mem>>) src(%dma_wait3A_1589 : memref<1000000x32xf32, #tpu.memory_space<hbm>>) dst(%arg8 : memref<128x32xf32, #tpu.memory_space<vmem>>)
      %ge3A_1590 = arith.constant 1 : i32
      %ge3A_1591 = arith.cmpi sge, %add3A_1542, %ge3A_1590 : i32
      %convert_element_type3A_1592 = arith.extui %ge3A_1591 : i1 to i32
      %cond3A_1593 = arith.constant 0 : i32
      %cond3A_1594 = arith.cmpi ne, %convert_element_type3A_1592, %cond3A_1593 : i32
      scf.if %cond3A_1594 {
        %sub3A_1847 = arith.constant 1 : i32
        %sub3A_1848 = arith.subi %add3A_1542, %sub3A_1847 : i32
        %jit3A_1849 = arith.constant 4 : i32
        %div3A_1850 = arith.divsi %sub3A_1848, %jit3A_1849 : i32
        %sign3A_1851 = arith.constant 0 : i32
        %sign3A_1852 = arith.cmpi sgt, %sub3A_1848, %sign3A_1851 : i32
        %sign3A_1853 = arith.extui %sign3A_1852 : i1 to i32
        %sign3A_1854 = arith.constant 0 : i32
        %sign3A_1855 = arith.cmpi slt, %sub3A_1848, %sign3A_1854 : i32
        %sign3A_1856 = arith.extui %sign3A_1855 : i1 to i32
        %sign3A_1857 = arith.subi %sign3A_1853, %sign3A_1856 : i32
        %sign3A_1858 = arith.constant 0 : i32
        %sign3A_1859 = arith.cmpi sgt, %jit3A_1849, %sign3A_1858 : i32
        %sign3A_1860 = arith.extui %sign3A_1859 : i1 to i32
        %sign3A_1861 = arith.constant 0 : i32
        %sign3A_1862 = arith.cmpi slt, %jit3A_1849, %sign3A_1861 : i32
        %sign3A_1863 = arith.extui %sign3A_1862 : i1 to i32
        %sign3A_1864 = arith.subi %sign3A_1860, %sign3A_1863 : i32
        %ne3A_1865 = arith.cmpi ne, %sign3A_1857, %sign3A_1864 : i32
        %rem3A_1866 = arith.remsi %sub3A_1848, %jit3A_1849 : i32
        %ne3A_1867 = arith.constant 0 : i32
        %ne3A_1868 = arith.cmpi ne, %rem3A_1866, %ne3A_1867 : i32
        %and3A_1869 = arith.andi %ne3A_1865, %ne3A_1868 : i1
        %sub3A_1870 = arith.constant 1 : i32
        %sub3A_1871 = arith.subi %div3A_1850, %sub3A_1870 : i32
        %select_n3A_1872 = arith.select %and3A_1869, %sub3A_1871, %div3A_1850 : i32
        %jit3A_1873 = arith.constant 4 : i32
        %eq3A_1874 = arith.constant 0 : i32
        %eq3A_1875 = arith.cmpi eq, %jit3A_1873, %eq3A_1874 : i32
        %jit3A_1876 = arith.constant 1 : i32
        %select_n3A_1877 = arith.select %eq3A_1875, %jit3A_1876, %jit3A_1873 : i32
        %rem3A_1878 = arith.remsi %sub3A_1848, %select_n3A_1877 : i32
        %ne3A_1879 = arith.constant 0 : i32
        %ne3A_1880 = arith.cmpi ne, %rem3A_1878, %ne3A_1879 : i32
        %lt3A_1881 = arith.constant 0 : i32
        %lt3A_1882 = arith.cmpi slt, %rem3A_1878, %lt3A_1881 : i32
        %lt3A_1883 = arith.constant 0 : i32
        %lt3A_1884 = arith.cmpi slt, %select_n3A_1877, %lt3A_1883 : i32
        %ne3A_1885 = arith.xori %lt3A_1882, %lt3A_1884 : i1
        %and3A_1886 = arith.andi %ne3A_1885, %ne3A_1880 : i1
        %add3A_1887 = arith.addi %rem3A_1878, %select_n3A_1877 : i32
        %select_n3A_1888 = arith.select %and3A_1886, %add3A_1887, %rem3A_1878 : i32
        %mul3A_1889 = arith.constant 128 : i32
        %mul3A_1890 = arith.muli %select_n3A_1888, %mul3A_1889 : i32
        %add3A_1891 = arith.addi %mul3A_2, %mul3A_1890 : i32
        %dma_wait3A_1892 = arith.constant 0 : i32
        %dma_wait3A_1893 = tpu.memref_slice %arg4[%select_n3A_1872, %add3A_1891, %dma_wait3A_1892] : memref<50x16384x32xf32, #tpu.memory_space<hbm>> -> memref<1x128x32xf32, #tpu.memory_space<hbm>>
        %dma_wait3A_1894 = tpu.memref_squeeze %dma_wait3A_1893 : memref<1x128x32xf32, #tpu.memory_space<hbm>> -> memref<128x32xf32, #tpu.memory_space<hbm>>
        %dma_wait3A_1895 = arith.constant 0 : i32
        %dma_wait3A_1896 = tpu.memref_slice %arg4[%select_n3A_1872, %add3A_1891, %dma_wait3A_1895] : memref<50x16384x32xf32, #tpu.memory_space<hbm>> -> memref<1x128x32xf32, #tpu.memory_space<hbm>>
        %dma_wait3A_1897 = tpu.memref_squeeze %dma_wait3A_1896 : memref<1x128x32xf32, #tpu.memory_space<hbm>> -> memref<128x32xf32, #tpu.memory_space<hbm>>
        tpu.wait_dma2 semaphore(%arg16 : memref<!tpu.dma_semaphore, #tpu.memory_space<semaphore_mem>>) src(%arg7 : memref<128x32xf32, #tpu.memory_space<vmem>>) dst(%dma_wait3A_1897 : memref<128x32xf32, #tpu.memory_space<hbm>>)
      } else {
      }
      %add3A_1595 = arith.constant 3 : i32
      %add3A_1596 = arith.addi %add3A_1542, %add3A_1595 : i32
      %jit3A_1597 = arith.constant 4 : i32
      %div3A_1598 = arith.divsi %add3A_1596, %jit3A_1597 : i32
      %sign3A_1599 = arith.constant 0 : i32
      %sign3A_1600 = arith.cmpi sgt, %add3A_1596, %sign3A_1599 : i32
      %sign3A_1601 = arith.extui %sign3A_1600 : i1 to i32
      %sign3A_1602 = arith.constant 0 : i32
      %sign3A_1603 = arith.cmpi slt, %add3A_1596, %sign3A_1602 : i32
      %sign3A_1604 = arith.extui %sign3A_1603 : i1 to i32
      %sign3A_1605 = arith.subi %sign3A_1601, %sign3A_1604 : i32
      %sign3A_1606 = arith.constant 0 : i32
      %sign3A_1607 = arith.cmpi sgt, %jit3A_1597, %sign3A_1606 : i32
      %sign3A_1608 = arith.extui %sign3A_1607 : i1 to i32
      %sign3A_1609 = arith.constant 0 : i32
      %sign3A_1610 = arith.cmpi slt, %jit3A_1597, %sign3A_1609 : i32
      %sign3A_1611 = arith.extui %sign3A_1610 : i1 to i32
      %sign3A_1612 = arith.subi %sign3A_1608, %sign3A_1611 : i32
      %ne3A_1613 = arith.cmpi ne, %sign3A_1605, %sign3A_1612 : i32
      %rem3A_1614 = arith.remsi %add3A_1596, %jit3A_1597 : i32
      %ne3A_1615 = arith.constant 0 : i32
      %ne3A_1616 = arith.cmpi ne, %rem3A_1614, %ne3A_1615 : i32
      %and3A_1617 = arith.andi %ne3A_1613, %ne3A_1616 : i1
      %sub3A_1618 = arith.constant 1 : i32
      %sub3A_1619 = arith.subi %div3A_1598, %sub3A_1618 : i32
      %select_n3A_1620 = arith.select %and3A_1617, %sub3A_1619, %div3A_1598 : i32
      %jit3A_1621 = arith.constant 4 : i32
      %eq3A_1622 = arith.constant 0 : i32
      %eq3A_1623 = arith.cmpi eq, %jit3A_1621, %eq3A_1622 : i32
      %jit3A_1624 = arith.constant 1 : i32
      %select_n3A_1625 = arith.select %eq3A_1623, %jit3A_1624, %jit3A_1621 : i32
      %rem3A_1626 = arith.remsi %add3A_1596, %select_n3A_1625 : i32
      %ne3A_1627 = arith.constant 0 : i32
      %ne3A_1628 = arith.cmpi ne, %rem3A_1626, %ne3A_1627 : i32
      %lt3A_1629 = arith.constant 0 : i32
      %lt3A_1630 = arith.cmpi slt, %rem3A_1626, %lt3A_1629 : i32
      %lt3A_1631 = arith.constant 0 : i32
      %lt3A_1632 = arith.cmpi slt, %select_n3A_1625, %lt3A_1631 : i32
      %ne3A_1633 = arith.xori %lt3A_1630, %lt3A_1632 : i1
      %and3A_1634 = arith.andi %ne3A_1633, %ne3A_1628 : i1
      %add3A_1635 = arith.addi %rem3A_1626, %select_n3A_1625 : i32
      %select_n3A_1636 = arith.select %and3A_1634, %add3A_1635, %rem3A_1626 : i32
      %mul3A_1637 = arith.constant 128 : i32
      %mul3A_1638 = arith.muli %select_n3A_1636, %mul3A_1637 : i32
      %dma_start3A_1639 = tpu.memref_slice %arg5[%select_n3A_1620, %mul3A_1638] : memref<50x512xi32, #tpu.memory_space<vmem>> -> memref<1x128xi32, #tpu.memory_space<vmem>>
      %dma_start3A_1640 = tpu.memref_squeeze %dma_start3A_1639 : memref<1x128xi32, #tpu.memory_space<vmem>> -> memref<128xi32, #tpu.memory_space<vmem>>
      %dma_start3A_1641 = arith.constant 0 : i32
      %dma_start3A_1642 = arith.constant 0 : i32
      %dma_start3A_1643 = tpu.memref_slice %arg2[%dma_start3A_1641, %dma_start3A_1642] : memref<1000000x32xf32, #tpu.memory_space<hbm>> -> memref<1000000x32xf32, #tpu.memory_space<hbm>>
      tpu.enqueue_indirect_dma source(%dma_start3A_1643 : memref<1000000x32xf32, #tpu.memory_space<hbm>>) target(%arg7 : memref<128x32xf32, #tpu.memory_space<vmem>>) offsets(%dma_start3A_1640 : memref<128xi32, #tpu.memory_space<vmem>>) semaphore(%arg12 : memref<!tpu.dma_semaphore, #tpu.memory_space<semaphore_mem>>)
      %jit3A_1644 = arith.constant 4 : i32
      %div3A_1645 = arith.divsi %add3A_1542, %jit3A_1644 : i32
      %sign3A_1646 = arith.constant 0 : i32
      %sign3A_1647 = arith.cmpi sgt, %add3A_1542, %sign3A_1646 : i32
      %sign3A_1648 = arith.extui %sign3A_1647 : i1 to i32
      %sign3A_1649 = arith.constant 0 : i32
      %sign3A_1650 = arith.cmpi slt, %add3A_1542, %sign3A_1649 : i32
      %sign3A_1651 = arith.extui %sign3A_1650 : i1 to i32
      %sign3A_1652 = arith.subi %sign3A_1648, %sign3A_1651 : i32
      %sign3A_1653 = arith.constant 0 : i32
      %sign3A_1654 = arith.cmpi sgt, %jit3A_1644, %sign3A_1653 : i32
      %sign3A_1655 = arith.extui %sign3A_1654 : i1 to i32
      %sign3A_1656 = arith.constant 0 : i32
      %sign3A_1657 = arith.cmpi slt, %jit3A_1644, %sign3A_1656 : i32
      %sign3A_1658 = arith.extui %sign3A_1657 : i1 to i32
      %sign3A_1659 = arith.subi %sign3A_1655, %sign3A_1658 : i32
      %ne3A_1660 = arith.cmpi ne, %sign3A_1652, %sign3A_1659 : i32
      %rem3A_1661 = arith.remsi %add3A_1542, %jit3A_1644 : i32
      %ne3A_1662 = arith.constant 0 : i32
      %ne3A_1663 = arith.cmpi ne, %rem3A_1661, %ne3A_1662 : i32
      %and3A_1664 = arith.andi %ne3A_1660, %ne3A_1663 : i1
      %sub3A_1665 = arith.constant 1 : i32
      %sub3A_1666 = arith.subi %div3A_1645, %sub3A_1665 : i32
      %select_n3A_1667 = arith.select %and3A_1664, %sub3A_1666, %div3A_1645 : i32
      %jit3A_1668 = arith.constant 4 : i32
      %eq3A_1669 = arith.constant 0 : i32
      %eq3A_1670 = arith.cmpi eq, %jit3A_1668, %eq3A_1669 : i32
      %jit3A_1671 = arith.constant 1 : i32
      %select_n3A_1672 = arith.select %eq3A_1670, %jit3A_1671, %jit3A_1668 : i32
      %rem3A_1673 = arith.remsi %add3A_1542, %select_n3A_1672 : i32
      %ne3A_1674 = arith.constant 0 : i32
      %ne3A_1675 = arith.cmpi ne, %rem3A_1673, %ne3A_1674 : i32
      %lt3A_1676 = arith.constant 0 : i32
      %lt3A_1677 = arith.cmpi slt, %rem3A_1673, %lt3A_1676 : i32
      %lt3A_1678 = arith.constant 0 : i32
      %lt3A_1679 = arith.cmpi slt, %select_n3A_1672, %lt3A_1678 : i32
      %ne3A_1680 = arith.xori %lt3A_1677, %lt3A_1679 : i1
      %and3A_1681 = arith.andi %ne3A_1680, %ne3A_1675 : i1
      %add3A_1682 = arith.addi %rem3A_1673, %select_n3A_1672 : i32
      %select_n3A_1683 = arith.select %and3A_1681, %add3A_1682, %rem3A_1673 : i32
      %mul3A_1684 = arith.constant 128 : i32
      %mul3A_1685 = arith.muli %select_n3A_1683, %mul3A_1684 : i32
      %add3A_1686 = arith.addi %mul3A_2, %mul3A_1685 : i32
      %dma_start3A_1687 = arith.constant 0 : i32
      %dma_start3A_1688 = tpu.memref_slice %arg4[%select_n3A_1667, %add3A_1686, %dma_start3A_1687] : memref<50x16384x32xf32, #tpu.memory_space<hbm>> -> memref<1x128x32xf32, #tpu.memory_space<hbm>>
      %dma_start3A_1689 = tpu.memref_squeeze %dma_start3A_1688 : memref<1x128x32xf32, #tpu.memory_space<hbm>> -> memref<128x32xf32, #tpu.memory_space<hbm>>
      %dma_start3A_1690 = arith.constant 0 : i32
      %dma_start3A_1691 = tpu.memref_slice %arg4[%select_n3A_1667, %add3A_1686, %dma_start3A_1690] : memref<50x16384x32xf32, #tpu.memory_space<hbm>> -> memref<1x128x32xf32, #tpu.memory_space<hbm>>
      %dma_start3A_1692 = tpu.memref_squeeze %dma_start3A_1691 : memref<1x128x32xf32, #tpu.memory_space<hbm>> -> memref<128x32xf32, #tpu.memory_space<hbm>>
      tpu.enqueue_dma source(%arg8 : memref<128x32xf32, #tpu.memory_space<vmem>>) target(%dma_start3A_1692 : memref<128x32xf32, #tpu.memory_space<hbm>>) target_semaphore(%arg17 : memref<!tpu.dma_semaphore, #tpu.memory_space<semaphore_mem>>)
      %mul3A_1693 = arith.constant 4 : i32
      %mul3A_1694 = arith.muli %mul3A_1693, %scan3A_1243 : i32
      %add3A_1695 = arith.constant 3 : i32
      %add3A_1696 = arith.addi %mul3A_1694, %add3A_1695 : i32
      %jit3A_1697 = arith.constant 4 : i32
      %div3A_1698 = arith.divsi %add3A_1696, %jit3A_1697 : i32
      %sign3A_1699 = arith.constant 0 : i32
      %sign3A_1700 = arith.cmpi sgt, %add3A_1696, %sign3A_1699 : i32
      %sign3A_1701 = arith.extui %sign3A_1700 : i1 to i32
      %sign3A_1702 = arith.constant 0 : i32
      %sign3A_1703 = arith.cmpi slt, %add3A_1696, %sign3A_1702 : i32
      %sign3A_1704 = arith.extui %sign3A_1703 : i1 to i32
      %sign3A_1705 = arith.subi %sign3A_1701, %sign3A_1704 : i32
      %sign3A_1706 = arith.constant 0 : i32
      %sign3A_1707 = arith.cmpi sgt, %jit3A_1697, %sign3A_1706 : i32
      %sign3A_1708 = arith.extui %sign3A_1707 : i1 to i32
      %sign3A_1709 = arith.constant 0 : i32
      %sign3A_1710 = arith.cmpi slt, %jit3A_1697, %sign3A_1709 : i32
      %sign3A_1711 = arith.extui %sign3A_1710 : i1 to i32
      %sign3A_1712 = arith.subi %sign3A_1708, %sign3A_1711 : i32
      %ne3A_1713 = arith.cmpi ne, %sign3A_1705, %sign3A_1712 : i32
      %rem3A_1714 = arith.remsi %add3A_1696, %jit3A_1697 : i32
      %ne3A_1715 = arith.constant 0 : i32
      %ne3A_1716 = arith.cmpi ne, %rem3A_1714, %ne3A_1715 : i32
      %and3A_1717 = arith.andi %ne3A_1713, %ne3A_1716 : i1
      %sub3A_1718 = arith.constant 1 : i32
      %sub3A_1719 = arith.subi %div3A_1698, %sub3A_1718 : i32
      %select_n3A_1720 = arith.select %and3A_1717, %sub3A_1719, %div3A_1698 : i32
      %jit3A_1721 = arith.constant 4 : i32
      %eq3A_1722 = arith.constant 0 : i32
      %eq3A_1723 = arith.cmpi eq, %jit3A_1721, %eq3A_1722 : i32
      %jit3A_1724 = arith.constant 1 : i32
      %select_n3A_1725 = arith.select %eq3A_1723, %jit3A_1724, %jit3A_1721 : i32
      %rem3A_1726 = arith.remsi %add3A_1696, %select_n3A_1725 : i32
      %ne3A_1727 = arith.constant 0 : i32
      %ne3A_1728 = arith.cmpi ne, %rem3A_1726, %ne3A_1727 : i32
      %lt3A_1729 = arith.constant 0 : i32
      %lt3A_1730 = arith.cmpi slt, %rem3A_1726, %lt3A_1729 : i32
      %lt3A_1731 = arith.constant 0 : i32
      %lt3A_1732 = arith.cmpi slt, %select_n3A_1725, %lt3A_1731 : i32
      %ne3A_1733 = arith.xori %lt3A_1730, %lt3A_1732 : i1
      %and3A_1734 = arith.andi %ne3A_1733, %ne3A_1728 : i1
      %add3A_1735 = arith.addi %rem3A_1726, %select_n3A_1725 : i32
      %select_n3A_1736 = arith.select %and3A_1734, %add3A_1735, %rem3A_1726 : i32
      %mul3A_1737 = arith.constant 128 : i32
      %mul3A_1738 = arith.muli %select_n3A_1736, %mul3A_1737 : i32
      %dma_wait3A_1739 = tpu.memref_slice %arg5[%select_n3A_1720, %mul3A_1738] : memref<50x512xi32, #tpu.memory_space<vmem>> -> memref<1x128xi32, #tpu.memory_space<vmem>>
      %dma_wait3A_1740 = tpu.memref_squeeze %dma_wait3A_1739 : memref<1x128xi32, #tpu.memory_space<vmem>> -> memref<128xi32, #tpu.memory_space<vmem>>
      %dma_wait3A_1741 = arith.constant 0 : i32
      %dma_wait3A_1742 = arith.constant 0 : i32
      %dma_wait3A_1743 = tpu.memref_slice %arg2[%dma_wait3A_1741, %dma_wait3A_1742] : memref<1000000x32xf32, #tpu.memory_space<hbm>> -> memref<1000000x32xf32, #tpu.memory_space<hbm>>
      tpu.wait_indirect_dma semaphore(%arg14 : memref<!tpu.dma_semaphore, #tpu.memory_space<semaphore_mem>>) src(%dma_wait3A_1743 : memref<1000000x32xf32, #tpu.memory_space<hbm>>) dst(%arg9 : memref<128x32xf32, #tpu.memory_space<vmem>>)
      %ge3A_1744 = arith.constant 1 : i32
      %ge3A_1745 = arith.cmpi sge, %add3A_1696, %ge3A_1744 : i32
      %convert_element_type3A_1746 = arith.extui %ge3A_1745 : i1 to i32
      %cond3A_1747 = arith.constant 0 : i32
      %cond3A_1748 = arith.cmpi ne, %convert_element_type3A_1746, %cond3A_1747 : i32
      scf.if %cond3A_1748 {
        %sub3A_1847 = arith.constant 1 : i32
        %sub3A_1848 = arith.subi %add3A_1696, %sub3A_1847 : i32
        %jit3A_1849 = arith.constant 4 : i32
        %div3A_1850 = arith.divsi %sub3A_1848, %jit3A_1849 : i32
        %sign3A_1851 = arith.constant 0 : i32
        %sign3A_1852 = arith.cmpi sgt, %sub3A_1848, %sign3A_1851 : i32
        %sign3A_1853 = arith.extui %sign3A_1852 : i1 to i32
        %sign3A_1854 = arith.constant 0 : i32
        %sign3A_1855 = arith.cmpi slt, %sub3A_1848, %sign3A_1854 : i32
        %sign3A_1856 = arith.extui %sign3A_1855 : i1 to i32
        %sign3A_1857 = arith.subi %sign3A_1853, %sign3A_1856 : i32
        %sign3A_1858 = arith.constant 0 : i32
        %sign3A_1859 = arith.cmpi sgt, %jit3A_1849, %sign3A_1858 : i32
        %sign3A_1860 = arith.extui %sign3A_1859 : i1 to i32
        %sign3A_1861 = arith.constant 0 : i32
        %sign3A_1862 = arith.cmpi slt, %jit3A_1849, %sign3A_1861 : i32
        %sign3A_1863 = arith.extui %sign3A_1862 : i1 to i32
        %sign3A_1864 = arith.subi %sign3A_1860, %sign3A_1863 : i32
        %ne3A_1865 = arith.cmpi ne, %sign3A_1857, %sign3A_1864 : i32
        %rem3A_1866 = arith.remsi %sub3A_1848, %jit3A_1849 : i32
        %ne3A_1867 = arith.constant 0 : i32
        %ne3A_1868 = arith.cmpi ne, %rem3A_1866, %ne3A_1867 : i32
        %and3A_1869 = arith.andi %ne3A_1865, %ne3A_1868 : i1
        %sub3A_1870 = arith.constant 1 : i32
        %sub3A_1871 = arith.subi %div3A_1850, %sub3A_1870 : i32
        %select_n3A_1872 = arith.select %and3A_1869, %sub3A_1871, %div3A_1850 : i32
        %jit3A_1873 = arith.constant 4 : i32
        %eq3A_1874 = arith.constant 0 : i32
        %eq3A_1875 = arith.cmpi eq, %jit3A_1873, %eq3A_1874 : i32
        %jit3A_1876 = arith.constant 1 : i32
        %select_n3A_1877 = arith.select %eq3A_1875, %jit3A_1876, %jit3A_1873 : i32
        %rem3A_1878 = arith.remsi %sub3A_1848, %select_n3A_1877 : i32
        %ne3A_1879 = arith.constant 0 : i32
        %ne3A_1880 = arith.cmpi ne, %rem3A_1878, %ne3A_1879 : i32
        %lt3A_1881 = arith.constant 0 : i32
        %lt3A_1882 = arith.cmpi slt, %rem3A_1878, %lt3A_1881 : i32
        %lt3A_1883 = arith.constant 0 : i32
        %lt3A_1884 = arith.cmpi slt, %select_n3A_1877, %lt3A_1883 : i32
        %ne3A_1885 = arith.xori %lt3A_1882, %lt3A_1884 : i1
        %and3A_1886 = arith.andi %ne3A_1885, %ne3A_1880 : i1
        %add3A_1887 = arith.addi %rem3A_1878, %select_n3A_1877 : i32
        %select_n3A_1888 = arith.select %and3A_1886, %add3A_1887, %rem3A_1878 : i32
        %mul3A_1889 = arith.constant 128 : i32
        %mul3A_1890 = arith.muli %select_n3A_1888, %mul3A_1889 : i32
        %add3A_1891 = arith.addi %mul3A_2, %mul3A_1890 : i32
        %dma_wait3A_1892 = arith.constant 0 : i32
        %dma_wait3A_1893 = tpu.memref_slice %arg4[%select_n3A_1872, %add3A_1891, %dma_wait3A_1892] : memref<50x16384x32xf32, #tpu.memory_space<hbm>> -> memref<1x128x32xf32, #tpu.memory_space<hbm>>
        %dma_wait3A_1894 = tpu.memref_squeeze %dma_wait3A_1893 : memref<1x128x32xf32, #tpu.memory_space<hbm>> -> memref<128x32xf32, #tpu.memory_space<hbm>>
        %dma_wait3A_1895 = arith.constant 0 : i32
        %dma_wait3A_1896 = tpu.memref_slice %arg4[%select_n3A_1872, %add3A_1891, %dma_wait3A_1895] : memref<50x16384x32xf32, #tpu.memory_space<hbm>> -> memref<1x128x32xf32, #tpu.memory_space<hbm>>
        %dma_wait3A_1897 = tpu.memref_squeeze %dma_wait3A_1896 : memref<1x128x32xf32, #tpu.memory_space<hbm>> -> memref<128x32xf32, #tpu.memory_space<hbm>>
        tpu.wait_dma2 semaphore(%arg17 : memref<!tpu.dma_semaphore, #tpu.memory_space<semaphore_mem>>) src(%arg8 : memref<128x32xf32, #tpu.memory_space<vmem>>) dst(%dma_wait3A_1897 : memref<128x32xf32, #tpu.memory_space<hbm>>)
      } else {
      }
      %add3A_1749 = arith.constant 3 : i32
      %add3A_1750 = arith.addi %add3A_1696, %add3A_1749 : i32
      %jit3A_1751 = arith.constant 4 : i32
      %div3A_1752 = arith.divsi %add3A_1750, %jit3A_1751 : i32
      %sign3A_1753 = arith.constant 0 : i32
      %sign3A_1754 = arith.cmpi sgt, %add3A_1750, %sign3A_1753 : i32
      %sign3A_1755 = arith.extui %sign3A_1754 : i1 to i32
      %sign3A_1756 = arith.constant 0 : i32
      %sign3A_1757 = arith.cmpi slt, %add3A_1750, %sign3A_1756 : i32
      %sign3A_1758 = arith.extui %sign3A_1757 : i1 to i32
      %sign3A_1759 = arith.subi %sign3A_1755, %sign3A_1758 : i32
      %sign3A_1760 = arith.constant 0 : i32
      %sign3A_1761 = arith.cmpi sgt, %jit3A_1751, %sign3A_1760 : i32
      %sign3A_1762 = arith.extui %sign3A_1761 : i1 to i32
      %sign3A_1763 = arith.constant 0 : i32
      %sign3A_1764 = arith.cmpi slt, %jit3A_1751, %sign3A_1763 : i32
      %sign3A_1765 = arith.extui %sign3A_1764 : i1 to i32
      %sign3A_1766 = arith.subi %sign3A_1762, %sign3A_1765 : i32
      %ne3A_1767 = arith.cmpi ne, %sign3A_1759, %sign3A_1766 : i32
      %rem3A_1768 = arith.remsi %add3A_1750, %jit3A_1751 : i32
      %ne3A_1769 = arith.constant 0 : i32
      %ne3A_1770 = arith.cmpi ne, %rem3A_1768, %ne3A_1769 : i32
      %and3A_1771 = arith.andi %ne3A_1767, %ne3A_1770 : i1
      %sub3A_1772 = arith.constant 1 : i32
      %sub3A_1773 = arith.subi %div3A_1752, %sub3A_1772 : i32
      %select_n3A_1774 = arith.select %and3A_1771, %sub3A_1773, %div3A_1752 : i32
      %jit3A_1775 = arith.constant 4 : i32
      %eq3A_1776 = arith.constant 0 : i32
      %eq3A_1777 = arith.cmpi eq, %jit3A_1775, %eq3A_1776 : i32
      %jit3A_1778 = arith.constant 1 : i32
      %select_n3A_1779 = arith.select %eq3A_1777, %jit3A_1778, %jit3A_1775 : i32
      %rem3A_1780 = arith.remsi %add3A_1750, %select_n3A_1779 : i32
      %ne3A_1781 = arith.constant 0 : i32
      %ne3A_1782 = arith.cmpi ne, %rem3A_1780, %ne3A_1781 : i32
      %lt3A_1783 = arith.constant 0 : i32
      %lt3A_1784 = arith.cmpi slt, %rem3A_1780, %lt3A_1783 : i32
      %lt3A_1785 = arith.constant 0 : i32
      %lt3A_1786 = arith.cmpi slt, %select_n3A_1779, %lt3A_1785 : i32
      %ne3A_1787 = arith.xori %lt3A_1784, %lt3A_1786 : i1
      %and3A_1788 = arith.andi %ne3A_1787, %ne3A_1782 : i1
      %add3A_1789 = arith.addi %rem3A_1780, %select_n3A_1779 : i32
      %select_n3A_1790 = arith.select %and3A_1788, %add3A_1789, %rem3A_1780 : i32
      %mul3A_1791 = arith.constant 128 : i32
      %mul3A_1792 = arith.muli %select_n3A_1790, %mul3A_1791 : i32
      %dma_start3A_1793 = tpu.memref_slice %arg5[%select_n3A_1774, %mul3A_1792] : memref<50x512xi32, #tpu.memory_space<vmem>> -> memref<1x128xi32, #tpu.memory_space<vmem>>
      %dma_start3A_1794 = tpu.memref_squeeze %dma_start3A_1793 : memref<1x128xi32, #tpu.memory_space<vmem>> -> memref<128xi32, #tpu.memory_space<vmem>>
      %dma_start3A_1795 = arith.constant 0 : i32
      %dma_start3A_1796 = arith.constant 0 : i32
      %dma_start3A_1797 = tpu.memref_slice %arg2[%dma_start3A_1795, %dma_start3A_1796] : memref<1000000x32xf32, #tpu.memory_space<hbm>> -> memref<1000000x32xf32, #tpu.memory_space<hbm>>
      tpu.enqueue_indirect_dma source(%dma_start3A_1797 : memref<1000000x32xf32, #tpu.memory_space<hbm>>) target(%arg8 : memref<128x32xf32, #tpu.memory_space<vmem>>) offsets(%dma_start3A_1794 : memref<128xi32, #tpu.memory_space<vmem>>) semaphore(%arg13 : memref<!tpu.dma_semaphore, #tpu.memory_space<semaphore_mem>>)
      %jit3A_1798 = arith.constant 4 : i32
      %div3A_1799 = arith.divsi %add3A_1696, %jit3A_1798 : i32
      %sign3A_1800 = arith.constant 0 : i32
      %sign3A_1801 = arith.cmpi sgt, %add3A_1696, %sign3A_1800 : i32
      %sign3A_1802 = arith.extui %sign3A_1801 : i1 to i32
      %sign3A_1803 = arith.constant 0 : i32
      %sign3A_1804 = arith.cmpi slt, %add3A_1696, %sign3A_1803 : i32
      %sign3A_1805 = arith.extui %sign3A_1804 : i1 to i32
      %sign3A_1806 = arith.subi %sign3A_1802, %sign3A_1805 : i32
      %sign3A_1807 = arith.constant 0 : i32
      %sign3A_1808 = arith.cmpi sgt, %jit3A_1798, %sign3A_1807 : i32
      %sign3A_1809 = arith.extui %sign3A_1808 : i1 to i32
      %sign3A_1810 = arith.constant 0 : i32
      %sign3A_1811 = arith.cmpi slt, %jit3A_1798, %sign3A_1810 : i32
      %sign3A_1812 = arith.extui %sign3A_1811 : i1 to i32
      %sign3A_1813 = arith.subi %sign3A_1809, %sign3A_1812 : i32
      %ne3A_1814 = arith.cmpi ne, %sign3A_1806, %sign3A_1813 : i32
      %rem3A_1815 = arith.remsi %add3A_1696, %jit3A_1798 : i32
      %ne3A_1816 = arith.constant 0 : i32
      %ne3A_1817 = arith.cmpi ne, %rem3A_1815, %ne3A_1816 : i32
      %and3A_1818 = arith.andi %ne3A_1814, %ne3A_1817 : i1
      %sub3A_1819 = arith.constant 1 : i32
      %sub3A_1820 = arith.subi %div3A_1799, %sub3A_1819 : i32
      %select_n3A_1821 = arith.select %and3A_1818, %sub3A_1820, %div3A_1799 : i32
      %jit3A_1822 = arith.constant 4 : i32
      %eq3A_1823 = arith.constant 0 : i32
      %eq3A_1824 = arith.cmpi eq, %jit3A_1822, %eq3A_1823 : i32
      %jit3A_1825 = arith.constant 1 : i32
      %select_n3A_1826 = arith.select %eq3A_1824, %jit3A_1825, %jit3A_1822 : i32
      %rem3A_1827 = arith.remsi %add3A_1696, %select_n3A_1826 : i32
      %ne3A_1828 = arith.constant 0 : i32
      %ne3A_1829 = arith.cmpi ne, %rem3A_1827, %ne3A_1828 : i32
      %lt3A_1830 = arith.constant 0 : i32
      %lt3A_1831 = arith.cmpi slt, %rem3A_1827, %lt3A_1830 : i32
      %lt3A_1832 = arith.constant 0 : i32
      %lt3A_1833 = arith.cmpi slt, %select_n3A_1826, %lt3A_1832 : i32
      %ne3A_1834 = arith.xori %lt3A_1831, %lt3A_1833 : i1
      %and3A_1835 = arith.andi %ne3A_1834, %ne3A_1829 : i1
      %add3A_1836 = arith.addi %rem3A_1827, %select_n3A_1826 : i32
      %select_n3A_1837 = arith.select %and3A_1835, %add3A_1836, %rem3A_1827 : i32
      %mul3A_1838 = arith.constant 128 : i32
      %mul3A_1839 = arith.muli %select_n3A_1837, %mul3A_1838 : i32
      %add3A_1840 = arith.addi %mul3A_2, %mul3A_1839 : i32
      %dma_start3A_1841 = arith.constant 0 : i32
      %dma_start3A_1842 = tpu.memref_slice %arg4[%select_n3A_1821, %add3A_1840, %dma_start3A_1841] : memref<50x16384x32xf32, #tpu.memory_space<hbm>> -> memref<1x128x32xf32, #tpu.memory_space<hbm>>
      %dma_start3A_1843 = tpu.memref_squeeze %dma_start3A_1842 : memref<1x128x32xf32, #tpu.memory_space<hbm>> -> memref<128x32xf32, #tpu.memory_space<hbm>>
      %dma_start3A_1844 = arith.constant 0 : i32
      %dma_start3A_1845 = tpu.memref_slice %arg4[%select_n3A_1821, %add3A_1840, %dma_start3A_1844] : memref<50x16384x32xf32, #tpu.memory_space<hbm>> -> memref<1x128x32xf32, #tpu.memory_space<hbm>>
      %dma_start3A_1846 = tpu.memref_squeeze %dma_start3A_1845 : memref<1x128x32xf32, #tpu.memory_space<hbm>> -> memref<128x32xf32, #tpu.memory_space<hbm>>
      tpu.enqueue_dma source(%arg9 : memref<128x32xf32, #tpu.memory_space<vmem>>) target(%dma_start3A_1846 : memref<128x32xf32, #tpu.memory_space<hbm>>) target_semaphore(%arg18 : memref<!tpu.dma_semaphore, #tpu.memory_space<semaphore_mem>>)
    }
    %scan3A_1126 = arith.constant 49 : i32
    %dma_wait3A_1127 = arith.constant 49 : i32
    %dma_wait3A_1128 = arith.constant 0 : i32
    %dma_wait3A_1129 = tpu.memref_slice %arg5[%dma_wait3A_1127, %dma_wait3A_1128] : memref<50x512xi32, #tpu.memory_space<vmem>> -> memref<1x128xi32, #tpu.memory_space<vmem>>
    %dma_wait3A_1130 = tpu.memref_squeeze %dma_wait3A_1129 : memref<1x128xi32, #tpu.memory_space<vmem>> -> memref<128xi32, #tpu.memory_space<vmem>>
    %dma_wait3A_1131 = arith.constant 0 : i32
    %dma_wait3A_1132 = arith.constant 0 : i32
    %dma_wait3A_1133 = tpu.memref_slice %arg2[%dma_wait3A_1131, %dma_wait3A_1132] : memref<1000000x32xf32, #tpu.memory_space<hbm>> -> memref<1000000x32xf32, #tpu.memory_space<hbm>>
    tpu.wait_indirect_dma semaphore(%arg11 : memref<!tpu.dma_semaphore, #tpu.memory_space<semaphore_mem>>) src(%dma_wait3A_1133 : memref<1000000x32xf32, #tpu.memory_space<hbm>>) dst(%arg6 : memref<128x32xf32, #tpu.memory_space<vmem>>)
    %add3A_1134 = arith.constant 384 : i32
    %add3A_1135 = arith.addi %mul3A_2, %add3A_1134 : i32
    %dma_wait3A_1136 = arith.constant 48 : i32
    %dma_wait3A_1137 = arith.constant 0 : i32
    %dma_wait3A_1138 = tpu.memref_slice %arg4[%dma_wait3A_1136, %add3A_1135, %dma_wait3A_1137] : memref<50x16384x32xf32, #tpu.memory_space<hbm>> -> memref<1x128x32xf32, #tpu.memory_space<hbm>>
    %dma_wait3A_1139 = tpu.memref_squeeze %dma_wait3A_1138 : memref<1x128x32xf32, #tpu.memory_space<hbm>> -> memref<128x32xf32, #tpu.memory_space<hbm>>
    %dma_wait3A_1140 = arith.constant 0 : i32
    %dma_wait3A_1141 = tpu.memref_slice %arg4[%dma_wait3A_1136, %add3A_1135, %dma_wait3A_1140] : memref<50x16384x32xf32, #tpu.memory_space<hbm>> -> memref<1x128x32xf32, #tpu.memory_space<hbm>>
    %dma_wait3A_1142 = tpu.memref_squeeze %dma_wait3A_1141 : memref<1x128x32xf32, #tpu.memory_space<hbm>> -> memref<128x32xf32, #tpu.memory_space<hbm>>
    tpu.wait_dma2 semaphore(%arg18 : memref<!tpu.dma_semaphore, #tpu.memory_space<semaphore_mem>>) src(%arg9 : memref<128x32xf32, #tpu.memory_space<vmem>>) dst(%dma_wait3A_1142 : memref<128x32xf32, #tpu.memory_space<hbm>>)
    %dma_start3A_1143 = arith.constant 49 : i32
    %dma_start3A_1144 = arith.constant 384 : i32
    %dma_start3A_1145 = tpu.memref_slice %arg5[%dma_start3A_1143, %dma_start3A_1144] : memref<50x512xi32, #tpu.memory_space<vmem>> -> memref<1x128xi32, #tpu.memory_space<vmem>>
    %dma_start3A_1146 = tpu.memref_squeeze %dma_start3A_1145 : memref<1x128xi32, #tpu.memory_space<vmem>> -> memref<128xi32, #tpu.memory_space<vmem>>
    %dma_start3A_1147 = arith.constant 0 : i32
    %dma_start3A_1148 = arith.constant 0 : i32
    %dma_start3A_1149 = tpu.memref_slice %arg2[%dma_start3A_1147, %dma_start3A_1148] : memref<1000000x32xf32, #tpu.memory_space<hbm>> -> memref<1000000x32xf32, #tpu.memory_space<hbm>>
    tpu.enqueue_indirect_dma source(%dma_start3A_1149 : memref<1000000x32xf32, #tpu.memory_space<hbm>>) target(%arg9 : memref<128x32xf32, #tpu.memory_space<vmem>>) offsets(%dma_start3A_1146 : memref<128xi32, #tpu.memory_space<vmem>>) semaphore(%arg14 : memref<!tpu.dma_semaphore, #tpu.memory_space<semaphore_mem>>)
    %add3A_1150 = arith.constant 0 : i32
    %add3A_1151 = arith.addi %mul3A_2, %add3A_1150 : i32
    %dma_start3A_1152 = arith.constant 49 : i32
    %dma_start3A_1153 = arith.constant 0 : i32
    %dma_start3A_1154 = tpu.memref_slice %arg4[%dma_start3A_1152, %add3A_1151, %dma_start3A_1153] : memref<50x16384x32xf32, #tpu.memory_space<hbm>> -> memref<1x128x32xf32, #tpu.memory_space<hbm>>
    %dma_start3A_1155 = tpu.memref_squeeze %dma_start3A_1154 : memref<1x128x32xf32, #tpu.memory_space<hbm>> -> memref<128x32xf32, #tpu.memory_space<hbm>>
    %dma_start3A_1156 = arith.constant 0 : i32
    %dma_start3A_1157 = tpu.memref_slice %arg4[%dma_start3A_1152, %add3A_1151, %dma_start3A_1156] : memref<50x16384x32xf32, #tpu.memory_space<hbm>> -> memref<1x128x32xf32, #tpu.memory_space<hbm>>
    %dma_start3A_1158 = tpu.memref_squeeze %dma_start3A_1157 : memref<1x128x32xf32, #tpu.memory_space<hbm>> -> memref<128x32xf32, #tpu.memory_space<hbm>>
    tpu.enqueue_dma source(%arg6 : memref<128x32xf32, #tpu.memory_space<vmem>>) target(%dma_start3A_1158 : memref<128x32xf32, #tpu.memory_space<hbm>>) target_semaphore(%arg15 : memref<!tpu.dma_semaphore, #tpu.memory_space<semaphore_mem>>)
    %dma_wait3A_1159 = arith.constant 49 : i32
    %dma_wait3A_1160 = arith.constant 128 : i32
    %dma_wait3A_1161 = tpu.memref_slice %arg5[%dma_wait3A_1159, %dma_wait3A_1160] : memref<50x512xi32, #tpu.memory_space<vmem>> -> memref<1x128xi32, #tpu.memory_space<vmem>>
    %dma_wait3A_1162 = tpu.memref_squeeze %dma_wait3A_1161 : memref<1x128xi32, #tpu.memory_space<vmem>> -> memref<128xi32, #tpu.memory_space<vmem>>
    %dma_wait3A_1163 = arith.constant 0 : i32
    %dma_wait3A_1164 = arith.constant 0 : i32
    %dma_wait3A_1165 = tpu.memref_slice %arg2[%dma_wait3A_1163, %dma_wait3A_1164] : memref<1000000x32xf32, #tpu.memory_space<hbm>> -> memref<1000000x32xf32, #tpu.memory_space<hbm>>
    tpu.wait_indirect_dma semaphore(%arg12 : memref<!tpu.dma_semaphore, #tpu.memory_space<semaphore_mem>>) src(%dma_wait3A_1165 : memref<1000000x32xf32, #tpu.memory_space<hbm>>) dst(%arg7 : memref<128x32xf32, #tpu.memory_space<vmem>>)
    %add3A_1166 = arith.constant 128 : i32
    %add3A_1167 = arith.addi %mul3A_2, %add3A_1166 : i32
    %dma_start3A_1168 = arith.constant 49 : i32
    %dma_start3A_1169 = arith.constant 0 : i32
    %dma_start3A_1170 = tpu.memref_slice %arg4[%dma_start3A_1168, %add3A_1167, %dma_start3A_1169] : memref<50x16384x32xf32, #tpu.memory_space<hbm>> -> memref<1x128x32xf32, #tpu.memory_space<hbm>>
    %dma_start3A_1171 = tpu.memref_squeeze %dma_start3A_1170 : memref<1x128x32xf32, #tpu.memory_space<hbm>> -> memref<128x32xf32, #tpu.memory_space<hbm>>
    %dma_start3A_1172 = arith.constant 0 : i32
    %dma_start3A_1173 = tpu.memref_slice %arg4[%dma_start3A_1168, %add3A_1167, %dma_start3A_1172] : memref<50x16384x32xf32, #tpu.memory_space<hbm>> -> memref<1x128x32xf32, #tpu.memory_space<hbm>>
    %dma_start3A_1174 = tpu.memref_squeeze %dma_start3A_1173 : memref<1x128x32xf32, #tpu.memory_space<hbm>> -> memref<128x32xf32, #tpu.memory_space<hbm>>
    tpu.enqueue_dma source(%arg7 : memref<128x32xf32, #tpu.memory_space<vmem>>) target(%dma_start3A_1174 : memref<128x32xf32, #tpu.memory_space<hbm>>) target_semaphore(%arg16 : memref<!tpu.dma_semaphore, #tpu.memory_space<semaphore_mem>>)
    %dma_wait3A_1175 = arith.constant 49 : i32
    %dma_wait3A_1176 = arith.constant 256 : i32
    %dma_wait3A_1177 = tpu.memref_slice %arg5[%dma_wait3A_1175, %dma_wait3A_1176] : memref<50x512xi32, #tpu.memory_space<vmem>> -> memref<1x128xi32, #tpu.memory_space<vmem>>
    %dma_wait3A_1178 = tpu.memref_squeeze %dma_wait3A_1177 : memref<1x128xi32, #tpu.memory_space<vmem>> -> memref<128xi32, #tpu.memory_space<vmem>>
    %dma_wait3A_1179 = arith.constant 0 : i32
    %dma_wait3A_1180 = arith.constant 0 : i32
    %dma_wait3A_1181 = tpu.memref_slice %arg2[%dma_wait3A_1179, %dma_wait3A_1180] : memref<1000000x32xf32, #tpu.memory_space<hbm>> -> memref<1000000x32xf32, #tpu.memory_space<hbm>>
    tpu.wait_indirect_dma semaphore(%arg13 : memref<!tpu.dma_semaphore, #tpu.memory_space<semaphore_mem>>) src(%dma_wait3A_1181 : memref<1000000x32xf32, #tpu.memory_space<hbm>>) dst(%arg8 : memref<128x32xf32, #tpu.memory_space<vmem>>)
    %add3A_1182 = arith.constant 256 : i32
    %add3A_1183 = arith.addi %mul3A_2, %add3A_1182 : i32
    %dma_start3A_1184 = arith.constant 49 : i32
    %dma_start3A_1185 = arith.constant 0 : i32
    %dma_start3A_1186 = tpu.memref_slice %arg4[%dma_start3A_1184, %add3A_1183, %dma_start3A_1185] : memref<50x16384x32xf32, #tpu.memory_space<hbm>> -> memref<1x128x32xf32, #tpu.memory_space<hbm>>
    %dma_start3A_1187 = tpu.memref_squeeze %dma_start3A_1186 : memref<1x128x32xf32, #tpu.memory_space<hbm>> -> memref<128x32xf32, #tpu.memory_space<hbm>>
    %dma_start3A_1188 = arith.constant 0 : i32
    %dma_start3A_1189 = tpu.memref_slice %arg4[%dma_start3A_1184, %add3A_1183, %dma_start3A_1188] : memref<50x16384x32xf32, #tpu.memory_space<hbm>> -> memref<1x128x32xf32, #tpu.memory_space<hbm>>
    %dma_start3A_1190 = tpu.memref_squeeze %dma_start3A_1189 : memref<1x128x32xf32, #tpu.memory_space<hbm>> -> memref<128x32xf32, #tpu.memory_space<hbm>>
    tpu.enqueue_dma source(%arg8 : memref<128x32xf32, #tpu.memory_space<vmem>>) target(%dma_start3A_1190 : memref<128x32xf32, #tpu.memory_space<hbm>>) target_semaphore(%arg17 : memref<!tpu.dma_semaphore, #tpu.memory_space<semaphore_mem>>)
    %dma_wait3A_1191 = arith.constant 49 : i32
    %dma_wait3A_1192 = arith.constant 384 : i32
    %dma_wait3A_1193 = tpu.memref_slice %arg5[%dma_wait3A_1191, %dma_wait3A_1192] : memref<50x512xi32, #tpu.memory_space<vmem>> -> memref<1x128xi32, #tpu.memory_space<vmem>>
    %dma_wait3A_1194 = tpu.memref_squeeze %dma_wait3A_1193 : memref<1x128xi32, #tpu.memory_space<vmem>> -> memref<128xi32, #tpu.memory_space<vmem>>
    %dma_wait3A_1195 = arith.constant 0 : i32
    %dma_wait3A_1196 = arith.constant 0 : i32
    %dma_wait3A_1197 = tpu.memref_slice %arg2[%dma_wait3A_1195, %dma_wait3A_1196] : memref<1000000x32xf32, #tpu.memory_space<hbm>> -> memref<1000000x32xf32, #tpu.memory_space<hbm>>
    tpu.wait_indirect_dma semaphore(%arg14 : memref<!tpu.dma_semaphore, #tpu.memory_space<semaphore_mem>>) src(%dma_wait3A_1197 : memref<1000000x32xf32, #tpu.memory_space<hbm>>) dst(%arg9 : memref<128x32xf32, #tpu.memory_space<vmem>>)
    %add3A_1198 = arith.constant 384 : i32
    %add3A_1199 = arith.addi %mul3A_2, %add3A_1198 : i32
    %dma_start3A_1200 = arith.constant 49 : i32
    %dma_start3A_1201 = arith.constant 0 : i32
    %dma_start3A_1202 = tpu.memref_slice %arg4[%dma_start3A_1200, %add3A_1199, %dma_start3A_1201] : memref<50x16384x32xf32, #tpu.memory_space<hbm>> -> memref<1x128x32xf32, #tpu.memory_space<hbm>>
    %dma_start3A_1203 = tpu.memref_squeeze %dma_start3A_1202 : memref<1x128x32xf32, #tpu.memory_space<hbm>> -> memref<128x32xf32, #tpu.memory_space<hbm>>
    %dma_start3A_1204 = arith.constant 0 : i32
    %dma_start3A_1205 = tpu.memref_slice %arg4[%dma_start3A_1200, %add3A_1199, %dma_start3A_1204] : memref<50x16384x32xf32, #tpu.memory_space<hbm>> -> memref<1x128x32xf32, #tpu.memory_space<hbm>>
    %dma_start3A_1206 = tpu.memref_squeeze %dma_start3A_1205 : memref<1x128x32xf32, #tpu.memory_space<hbm>> -> memref<128x32xf32, #tpu.memory_space<hbm>>
    tpu.enqueue_dma source(%arg9 : memref<128x32xf32, #tpu.memory_space<vmem>>) target(%dma_start3A_1206 : memref<128x32xf32, #tpu.memory_space<hbm>>) target_semaphore(%arg18 : memref<!tpu.dma_semaphore, #tpu.memory_space<semaphore_mem>>)
    %add3A_1207 = arith.constant 0 : i32
    %add3A_1208 = arith.addi %mul3A_2, %add3A_1207 : i32
    %dma_wait3A_1209 = arith.constant 49 : i32
    %dma_wait3A_1210 = arith.constant 0 : i32
    %dma_wait3A_1211 = tpu.memref_slice %arg4[%dma_wait3A_1209, %add3A_1208, %dma_wait3A_1210] : memref<50x16384x32xf32, #tpu.memory_space<hbm>> -> memref<1x128x32xf32, #tpu.memory_space<hbm>>
    %dma_wait3A_1212 = tpu.memref_squeeze %dma_wait3A_1211 : memref<1x128x32xf32, #tpu.memory_space<hbm>> -> memref<128x32xf32, #tpu.memory_space<hbm>>
    %dma_wait3A_1213 = arith.constant 0 : i32
    %dma_wait3A_1214 = tpu.memref_slice %arg4[%dma_wait3A_1209, %add3A_1208, %dma_wait3A_1213] : memref<50x16384x32xf32, #tpu.memory_space<hbm>> -> memref<1x128x32xf32, #tpu.memory_space<hbm>>
    %dma_wait3A_1215 = tpu.memref_squeeze %dma_wait3A_1214 : memref<1x128x32xf32, #tpu.memory_space<hbm>> -> memref<128x32xf32, #tpu.memory_space<hbm>>
    tpu.wait_dma2 semaphore(%arg15 : memref<!tpu.dma_semaphore, #tpu.memory_space<semaphore_mem>>) src(%arg6 : memref<128x32xf32, #tpu.memory_space<vmem>>) dst(%dma_wait3A_1215 : memref<128x32xf32, #tpu.memory_space<hbm>>)
    %add3A_1216 = arith.constant 128 : i32
    %add3A_1217 = arith.addi %mul3A_2, %add3A_1216 : i32
    %dma_wait3A_1218 = arith.constant 49 : i32
    %dma_wait3A_1219 = arith.constant 0 : i32
    %dma_wait3A_1220 = tpu.memref_slice %arg4[%dma_wait3A_1218, %add3A_1217, %dma_wait3A_1219] : memref<50x16384x32xf32, #tpu.memory_space<hbm>> -> memref<1x128x32xf32, #tpu.memory_space<hbm>>
    %dma_wait3A_1221 = tpu.memref_squeeze %dma_wait3A_1220 : memref<1x128x32xf32, #tpu.memory_space<hbm>> -> memref<128x32xf32, #tpu.memory_space<hbm>>
    %dma_wait3A_1222 = arith.constant 0 : i32
    %dma_wait3A_1223 = tpu.memref_slice %arg4[%dma_wait3A_1218, %add3A_1217, %dma_wait3A_1222] : memref<50x16384x32xf32, #tpu.memory_space<hbm>> -> memref<1x128x32xf32, #tpu.memory_space<hbm>>
    %dma_wait3A_1224 = tpu.memref_squeeze %dma_wait3A_1223 : memref<1x128x32xf32, #tpu.memory_space<hbm>> -> memref<128x32xf32, #tpu.memory_space<hbm>>
    tpu.wait_dma2 semaphore(%arg16 : memref<!tpu.dma_semaphore, #tpu.memory_space<semaphore_mem>>) src(%arg7 : memref<128x32xf32, #tpu.memory_space<vmem>>) dst(%dma_wait3A_1224 : memref<128x32xf32, #tpu.memory_space<hbm>>)
    %add3A_1225 = arith.constant 256 : i32
    %add3A_1226 = arith.addi %mul3A_2, %add3A_1225 : i32
    %dma_wait3A_1227 = arith.constant 49 : i32
    %dma_wait3A_1228 = arith.constant 0 : i32
    %dma_wait3A_1229 = tpu.memref_slice %arg4[%dma_wait3A_1227, %add3A_1226, %dma_wait3A_1228] : memref<50x16384x32xf32, #tpu.memory_space<hbm>> -> memref<1x128x32xf32, #tpu.memory_space<hbm>>
    %dma_wait3A_1230 = tpu.memref_squeeze %dma_wait3A_1229 : memref<1x128x32xf32, #tpu.memory_space<hbm>> -> memref<128x32xf32, #tpu.memory_space<hbm>>
    %dma_wait3A_1231 = arith.constant 0 : i32
    %dma_wait3A_1232 = tpu.memref_slice %arg4[%dma_wait3A_1227, %add3A_1226, %dma_wait3A_1231] : memref<50x16384x32xf32, #tpu.memory_space<hbm>> -> memref<1x128x32xf32, #tpu.memory_space<hbm>>
    %dma_wait3A_1233 = tpu.memref_squeeze %dma_wait3A_1232 : memref<1x128x32xf32, #tpu.memory_space<hbm>> -> memref<128x32xf32, #tpu.memory_space<hbm>>
    tpu.wait_dma2 semaphore(%arg17 : memref<!tpu.dma_semaphore, #tpu.memory_space<semaphore_mem>>) src(%arg8 : memref<128x32xf32, #tpu.memory_space<vmem>>) dst(%dma_wait3A_1233 : memref<128x32xf32, #tpu.memory_space<hbm>>)
    %add3A_1234 = arith.constant 384 : i32
    %add3A_1235 = arith.addi %mul3A_2, %add3A_1234 : i32
    %dma_wait3A_1236 = arith.constant 49 : i32
    %dma_wait3A_1237 = arith.constant 0 : i32
    %dma_wait3A_1238 = tpu.memref_slice %arg4[%dma_wait3A_1236, %add3A_1235, %dma_wait3A_1237] : memref<50x16384x32xf32, #tpu.memory_space<hbm>> -> memref<1x128x32xf32, #tpu.memory_space<hbm>>
    %dma_wait3A_1239 = tpu.memref_squeeze %dma_wait3A_1238 : memref<1x128x32xf32, #tpu.memory_space<hbm>> -> memref<128x32xf32, #tpu.memory_space<hbm>>
    %dma_wait3A_1240 = arith.constant 0 : i32
    %dma_wait3A_1241 = tpu.memref_slice %arg4[%dma_wait3A_1236, %add3A_1235, %dma_wait3A_1240] : memref<50x16384x32xf32, #tpu.memory_space<hbm>> -> memref<1x128x32xf32, #tpu.memory_space<hbm>>
    %dma_wait3A_1242 = tpu.memref_squeeze %dma_wait3A_1241 : memref<1x128x32xf32, #tpu.memory_space<hbm>> -> memref<128x32xf32, #tpu.memory_space<hbm>>
    tpu.wait_dma2 semaphore(%arg18 : memref<!tpu.dma_semaphore, #tpu.memory_space<semaphore_mem>>) src(%arg9 : memref<128x32xf32, #tpu.memory_space<vmem>>) dst(%dma_wait3A_1242 : memref<128x32xf32, #tpu.memory_space<hbm>>)
    return
  }
}

</mosaic_0001>

<sc_bundles>
// kernel: kernel.3.cloned.1.call-start
scs
__scs_entry_jumppad:
0x0: {  	(pc) =	sbr.rel $0x88, $3  }
0x1: {  	(tag) =	ssettag $0x0;
	lr =	simm.s32 $0x1  }
0x2: {  	[smem:$0x3F9F] =	sst lr;
	_ =	strace $0xD0000000  }
0x3: {  	_ = 	snop  }
0x4: {  	_ = 	snop  }
0x5: {  	_ = 	snop  }
0x6: {  	_ = 	snop  }
0x7: {  	_ = 	snop  }
__scs_overlays_trampoline_lowered:
0x8: {  	[smem:$0x3FAE] =	sst s0  }
0x9: {  	[smem:$0x3FAF] =	sst s1  }
0xa: {  	[smem:$0x3FB0] =	sst s2  }
0xb: {  	[smem:$0x3FB1] =	sst s3  }
0xc: {  	[smem:$0x3FB2] =	sst s4  }
0xd: {  	[smem:$0x3FB3] =	sst s5  }
0xe: {  	[smem:$0x3FB4] =	sst s6  }
0xf: {  	[smem:$0x3FB5] =	sst s7  }
0x10: {  	[smem:$0x3FB6] =	sst s8  }
0x11: {  	[smem:$0x3FB7] =	sst s9;
	s0 =	simm.s32 @!p0 $0x0  }
0x12: {  	s1 =	sld [smem:$0x3F9D];
	s0 =	simm.s32 @p0 $0x1  }
0x13: {  	[smem:$0x3FB8] =	sst s0;
	s0 =	simm.s32 @!p1 $0x0  }
0x14: {  	s2 =	sld [smem:$0x3F9C];
	s0 =	simm.s32 @p1 $0x1  }
0x15: {  	[smem:$0x3FB9] =	sst s0;
	s0 =	simm.s32 @!p2 $0x0  }
0x16: {  	s3 =	sld [smem:$0x3FDB];
	s0 =	simm.s32 @p2 $0x1  }
0x17: {  	s4 =	simm.s32 $0x1BF5;
	[smem:$0x3FBB] =	sst s0  }
0x18: {  	s0 =	sld [smem:$0x3F9E];
	_ =	swait.ge [sflag:s4], $0x0  }
0x19: {  	s7 =	sld [smem:$0x3F9F]  }
0x1a: {  	s8 =	sadd.s32 $0xFFFFE003, lr  }
0x1b: {  	s9 =	sadd.s32 $0xFFFFFEF7, lr;
	s5 =	simm.s32 $0xFFFFFFFF;
	p2 =	slt.u32 s8, $0xFFFFF086  }
0x1c: {  	p1 =	slt.u32 s9, $0xF7A;
	s5 =	simm.s32 @!p2 $0x0  }
0x1d: {  	s5 =	simm.s32 @p1 $0x1;
	p0 =	seq.s32 s7, s2  }
0x1e: {  	s7 =	smul.u32 @!p0 $0xF7A, s2;
	p2 =	seq.s32 @!p0 s5, $0x0  }
0x1f: {  	s9 =	smul.u32 $0xF7A, s1;
	s8 =	simm.s32 @!p0 $0x1BF5;
	p2 =	por !p2, p0  }
0x20: {  	[sflag:s8] =	ssyncset.s32 @!p0 $0xFFFFF086;
	s6 =	sadd.s32 @!p0 s3, s7;
	s7 =	simm.s32 @!p0 $0x108  }
0x21: {  	s3 =	sadd.s32 s3, s9;
	s6 =	sadd.s32 @!p0 $0x88, s6;
	s7 =	simm.s32 @p2 $0x1082  }
0x22: {  	[simem:s7], [sflag:s8] =	dma.local @!p0 [hbm:s6], $0xF7A  }
0x23: {  	s9 =	sor.u32 $0xD0000000, s2;
	s6 =	simm.s32 $0x108;
	_ =	swait.ge @!p0 [sflag:s8], $0x0  }
0x24: {  	s3 =	sadd.s32 $0x88, s3;
	s6 =	simm.s32 @!p1 $0x1082;
	[sflag:s4] =	ssyncset.s32 $0xFFFFF086  }
0x25: {  	[simem:s6], [sflag:s4] =	dma.local [hbm:s3], $0xF7A  }
0x26: {  	[smem:$0x3F9F] =	sst s1;
	(tag) =	ssettag s2;
	_ =	strace s9  }
0x27: {  	s1 =	sld [smem:$0x3FAF]  }
0x28: {  	s2 =	sld [smem:$0x3FB0]  }
0x29: {  	s4 =	sld [smem:$0x3FB2]  }
0x2a: {  	p0 =	seq.s32 s5, $0x0;
	s5 =	sld [smem:$0x3FB3]  }
0x2b: {  	s6 =	sld [smem:$0x3FB4]  }
0x2c: {  	s7 =	sld [smem:$0x3FB5]  }
0x2d: {  	s3 =	simm.s32 $0x108;
	s8 =	sld [smem:$0x3FB6]  }
0x2e: {  	s3 =	simm.s32 @!p0 $0x1082;
	s9 =	sld [smem:$0x3FB7]  }
0x2f: {  	lr =	sadd.s32 s0, s3;
	s0 =	sld [smem:$0x3FAE]  }
0x30: {  	s3 =	sld [smem:$0x3FB1]  }
0x31: {  	[smem:$0x3FBA] =	sst s10  }
0x32: {  	s10 =	sld [smem:$0x3FB8];
	_ =	sdelay $0x3  }
0x33: {  	p0 =	seq.s32 s10, $0x1;
	s10 =	sld [smem:$0x3FBA];
	_ =	sdelay $0x3  }
0x34: {  	[smem:$0x3FBA] =	sst s10  }
0x35: {  	s10 =	sld [smem:$0x3FB9];
	_ =	sdelay $0x3  }
0x36: {  	p1 =	seq.s32 s10, $0x1;
	s10 =	sld [smem:$0x3FBA];
	_ =	sdelay $0x3  }
0x37: {  	[smem:$0x3FBA] =	sst s10  }
0x38: {  	s10 =	sld [smem:$0x3FBB]  }
0x39: {  	_ = 	snop;
	(pc) =	sbr.ind lr, $3  }
0x3a: {  	_ = 	snop  }
0x3b: {  	_ = 	snop  }
0x3c: {  	p2 =	seq.s32 s10, $0x1;
	s10 =	sld [smem:$0x3FBA]  }
0x3d: {  	_ =	shalt  }
0x3e: {  	_ =	shalt  }
0x3f: {  	_ =	shalt  }
0x40: {  	_ =	shalt  }
0x41: {  	_ =	shalt  }
0x42: {  	_ =	shalt  }
0x43: {  	_ =	shalt  }
0x44: {  	_ =	shalt  }
0x45: {  	_ =	shalt  }
0x46: {  	_ =	shalt  }
0x47: {  	_ =	shalt  }
0x48: {  	_ =	shalt  }
0x49: {  	_ =	shalt  }
0x4a: {  	_ =	shalt  }
0x4b: {  	_ =	shalt  }
0x4c: {  	_ =	shalt  }
0x4d: {  	_ =	shalt  }
0x4e: {  	_ =	shalt  }
0x4f: {  	_ =	shalt  }
0x50: {  	_ =	shalt  }
0x51: {  	_ =	shalt  }
0x52: {  	_ =	shalt  }
0x53: {  	_ =	shalt  }
0x54: {  	_ =	shalt  }
0x55: {  	_ =	shalt  }
0x56: {  	_ =	shalt  }
0x57: {  	_ =	shalt  }
0x58: {  	_ =	shalt  }
0x59: {  	_ =	shalt  }
0x5a: {  	_ =	shalt  }
0x5b: {  	_ =	shalt  }
0x5c: {  	_ =	shalt  }
0x5d: {  	_ =	shalt  }
0x5e: {  	_ =	shalt  }
0x5f: {  	_ =	shalt  }
0x60: {  	_ =	shalt  }
0x61: {  	_ =	shalt  }
0x62: {  	_ =	shalt  }
0x63: {  	_ =	shalt  }
0x64: {  	_ =	shalt  }
0x65: {  	_ =	shalt  }
0x66: {  	_ =	shalt  }
0x67: {  	_ =	shalt  }
0x68: {  	_ =	shalt  }
0x69: {  	_ =	shalt  }
0x6a: {  	_ =	shalt  }
0x6b: {  	_ =	shalt  }
0x6c: {  	_ =	shalt  }
0x6d: {  	_ =	shalt  }
0x6e: {  	_ =	shalt  }
0x6f: {  	_ =	shalt  }
0x70: {  	_ =	shalt  }
0x71: {  	_ =	shalt  }
0x72: {  	_ =	shalt  }
0x73: {  	_ =	shalt  }
0x74: {  	_ =	shalt  }
0x75: {  	_ =	shalt  }
0x76: {  	_ =	shalt  }
0x77: {  	_ =	shalt  }
0x78: {  	_ =	shalt  }
0x79: {  	_ =	shalt  }
0x7a: {  	_ =	shalt  }
0x7b: {  	_ =	shalt  }
0x7c: {  	_ =	shalt  }
0x7d: {  	_ =	shalt  }
0x7e: {  	_ =	shalt  }
0x7f: {  	_ =	shalt  }
0x80: {  	_ =	shalt  }
0x81: {  	_ =	shalt  }
0x82: {  	_ =	shalt  }
0x83: {  	_ =	shalt  }
0x84: {  	_ =	shalt  }
0x85: {  	_ =	shalt  }
0x86: {  	_ =	shalt  }
0x87: {  	_ =	shalt  }
.Lfunc_end0:
.L_simem_size_0:
called_computation.1_lowered:
.L_overlay_start_0:
0x88: {  	s2 =	sld [smem:$0x3FD9]  }
0x89: {  	s3 =	sld [smem:$0x3FFE];
	_ =	sdelay $0x1  }
0x8a: {  	s1 =	srdreg.scid  }
0x8b: {  	s0 =	sand.u32 $0x1, s1  }
0x8c: {  	s17 =	sshll.u32 s0, $0xA;
	s2 =	sadd.s32 s3, s2  }
0x8d: {  	s2 =	sadd.s32 s2, s17  }
0x8e: {  	[smem:$0x3FC6] =	sst s2  }
0x8f: {  	_ = 	snop  }
0x90: {  	s2 =	sld [smem:$0x3FD0];
	(tm) =	ssettm $0x1  }
0x91: {  	s18 =	sld [smem:$0x3FFB];
	_ =	sdelay $0x3  }
0x92: {  	_ =	strace s18  }
0x93: {  	s3 =	sld [smem:$0x3FFC];
	_ =	sdelay $0x3  }
0x94: {  	_ =	strace s3  }
0x95: {  	s3 =	sld [smem:$0x3FFD];
	_ =	sdelay $0x3  }
0x96: {  	_ =	strace s3  }
0x97: {  	_ =	strace $0x8FFFFFFF  }
0x98: {  	s19 =	sld [smem:$0x3FDB];
	_ =	sdelay $0x1  }
0x99: {  	s4 =	simm.s32 $_scs_section_size  }
0x9a: {  	s5 =	simm.s32 $_size__tile_overlayer_lowered;
	s6 =	simm.s32 $_tile_overlayer_lowered  }
0x9b: {  	s22 =	simm.s32 $0x1BFF;
	s21 =	sshll.u32 s6, $0x1;
	s3 =	sadd.s32 s4, s19  }
0x9c: {  	s7 =	simm.s32 $0x0;
	s20 =	sshll.u32 s5, $0x1;
	s5 =	sadd.s32 s21, s3  }
0x9d: {  	[timem:s7], [sflag:s22] =	dma.local [hbm:s5], s20  }
0x9e: {  	_ =	swait.ge [sflag:s22], s20  }
0x9f: {  	s4 =	ssub.s32 $0x0, s20;
	[sflag:s22] =	ssyncset.done $0x0  }
0xa0: {  	[sflag:s22] =	ssyncadd.s32 s4;
	_ =	sdelay $0x1  }
0xa1: {  	s23 =	simm.s32 $0x1B8B  }
0xa2: {  	_ =	swait.ge [sflag:s23], $0x1  }
0xa3: {  	[sflag:s23] =	ssyncset.done $0x0  }
0xa4: {  	s25 =	simm.s32 $0x1B8E;
	s24 =	sld [smem:$0x3FFE];
	[sflag:s23] =	ssyncadd.s32 $0xFFFFFFFF  }
0xa5: {  	s26 =	simm.s32 $execute0_lowered;
	[smem:$0x3FD2] =	sst s25  }
0xa6: {  	s5 =	sshll.u32 s26, $0x1;
	_ =	strace $0x80000046;
	[dreg:$0x1] =	wrdreg $0xFFFFFFFF  }
0xa7: {  	s28 =	simm.s32 $_size_execute0_lowered;
	s3 =	sadd.s32 s3, s5;
	[dreg:$0x0] =	wrdreg $0x0  }
0xa8: {  	s5 =	sshll.u32 s28, $0x1;
	[dreg:$0x2] =	wrdreg s3  }
0xa9: {  	[dreg:$0x3] =	wrdreg s5  }
0xaa: {  	[dreg:$0x4] =	wrdreg $0xC0  }
0xab: {  	_ =	task [dreg:s7], $0x5FFFF  }
0xac: {  	[dreg:$0x1] =	wrdreg $0xFFFFFFFF  }
0xad: {  	[dreg:$0x0] =	wrdreg $0x60  }
0xae: {  	[dreg:$0x2] =	wrdreg s24  }
0xaf: {  	[dreg:$0x3] =	wrdreg s2  }
0xb0: {  	[dreg:$0x4] =	wrdreg $0x9  }
0xb1: {  	_ =	task.clear_ibuf [dreg:s7], $0x5FFFF;
	_ =	strace $0x90000046  }
0xb2: {  	s29 =	simm.s32 $0x9;
	_ =	strace $0x80000048  }
0xb3: {  	_ =	swait.ge [sflag:s29], $0x1  }
0xb4: {  	[sflag:s29] =	ssyncadd.s32 $0xFFFFFFFF  }
0xb5: {  	_ =	strace $0x90000048  }
0xb6: {  	_ =	sfence  }
0xb7: {  	s30 =	sld [smem:$0x0];
	_ =	sdelay $0x2  }
0xb8: {  	s31 =	sshll.u32 s1, $0xD;
	s1 =	sshrl.u32 s1, $0x2  }
0xb9: {  	s3 =	sand.u32 $0x4000, s31;
	s1 =	sadd.s32 s1, s30  }
0xba: {  	s0 =	sor.u32 s3, s0;
	s1 =	sshll.u32 s1, $0x11  }
0xbb: {  	s0 =	sor.u32 s1, s0  }
0xbc: {  	s0 =	sadd.s32 $0x8F2B, s0  }
0xbd: {  	[sflag:s0] =	ssyncadd.remote.s32 $0x1  }
0xbe: {  	_ =	sfence.sel $0xFFFF  }
0xbf: {  	[dreg:$0x0] =	wrdreg $0xFFFFFFFF;
	(pc) =	sbr.abs _section_cstart, $3  }
0xc0: {  	[dreg:$0x1] =	wrdreg $0xFFFFFFFF  }
0xc1: {  	_ =	task.clear_ibuf [dreg:s7], $0x2FFFF;
	_ =	strace $0x9FFFFFFF  }
0xc2: {  	(tm) =	ssettm $0x7FFFFFFF  }
0xc3: {  	_ =	shalt  }
tec
execute0_lowered:
.L_overlay_start_1:
0x0: {  	(tag) =	ssettag $0x1  }
0x1: {  	s0 =	srdreg.scid  }
0x2: {  	s9 =	stileid.u32;
	s0 =	sand.u32 $0x1, s0  }
0x3: {  	s3 =	sshll.u32 s9, $0xA;
	s5 =	sshll.u32 s0, $0x9  }
0x4: {  	s5 =	sor.u32 s5, s3  }
0x5: {  	s1 =	rddreg [dreg:$0x0];
	s3 =	sshrl.u32 s5, $0x3  }
0x6: {  	s4 =	rddreg [dreg:$0x1];
	s2 =	simm.s32 $0x0;
	s7 =	sadd.s32 s3, s1  }
0x7: {  	[smem:$0x7FF] =	sst s2;
	s20 =	sadd.s32 $0xA00, s7  }
0x8: {  	_ =	strace $0x80000047;
	s21 =	sadd.s32 $0x1200, s7;
	[dreg:$0x3] =	wrdreg s20  }
0x9: {  	s22 =	sadd.s32 $0x1A00, s7;
	[dreg:$0x4] =	wrdreg s21  }
0xa: {  	s23 =	sadd.s32 $0x2200, s7;
	[dreg:$0x5] =	wrdreg s22  }
0xb: {  	s24 =	sadd.s32 $0x2A00, s7;
	[dreg:$0x6] =	wrdreg s23  }
0xc: {  	s25 =	sadd.s32 $0x3200, s7;
	[dreg:$0x7] =	wrdreg s24  }
0xd: {  	s26 =	sadd.s32 $0x3A00, s7;
	[dreg:$0x8] =	wrdreg s25  }
0xe: {  	s6 =	ssub.s32 $0x2, s0;
	s28 =	sadd.s32 $0x4200, s7;
	[dreg:$0x9] =	wrdreg s26  }
0xf: {  	s8 =	sshrl.u32 s6, $0x1;
	s29 =	sadd.s32 $0x4A00, s7;
	[dreg:$0xa] =	wrdreg s28  }
0x10: {  	s3 =	sadd.s32 $0xF42E00, s1;
	s30 =	sadd.s32 $0x5200, s7;
	[dreg:$0xb] =	wrdreg s29  }
0x11: {  	s1 =	ssub.s32 s6, s8;
	s8 =	sadd.s32 $0x5A00, s7;
	[dreg:$0xc] =	wrdreg s30  }
0x12: {  	s10 =	sadd.s32 $0x6200, s7;
	[dreg:$0xd] =	wrdreg s8  }
0x13: {  	s11 =	sadd.s32 $0x6A00, s7;
	[dreg:$0xe] =	wrdreg s10  }
0x14: {  	s12 =	sadd.s32 $0x7200, s7;
	[dreg:$0xf] =	wrdreg s11  }
0x15: {  	s13 =	sadd.s32 $0x7A00, s7;
	[dreg:$0x10] =	wrdreg s12  }
0x16: {  	s14 =	sadd.s32 $0x8200, s7;
	[dreg:$0x11] =	wrdreg s13  }
0x17: {  	s16 =	sadd.s32 $0x8A00, s7;
	[dreg:$0x12] =	wrdreg s14  }
0x18: {  	s17 =	sadd.s32 $0x9200, s7;
	[dreg:$0x13] =	wrdreg s16  }
0x19: {  	s18 =	sadd.s32 $0x9A00, s7;
	[dreg:$0x14] =	wrdreg s17  }
0x1a: {  	s19 =	sadd.s32 $0xA200, s7;
	[dreg:$0x15] =	wrdreg s18  }
0x1b: {  	s6 =	sadd.s32 $0xFA00, s7;
	[dreg:$0x16] =	wrdreg s19  }
0x1c: {  	s15 =	sshll.u32 s9, $0xC;
	s9 =	sadd.s32 $0x10A00, s7;
	[smem:$0x7E9] =	sst s6  }
0x1d: {  	s21 =	sadd.s32 $0xAA00, s7;
	[smem:$0x7EB] =	sst s9  }
0x1e: {  	s23 =	sadd.s32 $0xB200, s7;
	[dreg:$0x17] =	wrdreg s21  }
0x1f: {  	s24 =	sadd.s32 $0xBA00, s7;
	[dreg:$0x18] =	wrdreg s23  }
0x20: {  	s25 =	sadd.s32 $0xC200, s7;
	[dreg:$0x19] =	wrdreg s24  }
0x21: {  	s26 =	sadd.s32 $0xCA00, s7;
	[dreg:$0x1a] =	wrdreg s25  }
0x22: {  	s28 =	sadd.s32 $0xD200, s7;
	[dreg:$0x1b] =	wrdreg s26  }
0x23: {  	s29 =	sadd.s32 $0xDA00, s7;
	[dreg:$0x1c] =	wrdreg s28  }
0x24: {  	s5 =	sshll.u32 s5, $0x2;
	s30 =	sadd.s32 $0xE200, s7;
	[dreg:$0x1d] =	wrdreg s29  }
0x25: {  	s20 =	sadd.s32 s4, s5;
	s5 =	sadd.s32 $0xF200, s7;
	[dreg:$0x1e] =	wrdreg s30  }
0x26: {  	s8 =	sadd.s32 $0x10200, s7;
	[smem:$0x7E8] =	sst s5  }
0x27: {  	s10 =	sadd.s32 $0x11200, s7;
	[smem:$0x7EA] =	sst s8  }
0x28: {  	s11 =	sadd.s32 $0x11A00, s7;
	[smem:$0x7EC] =	sst s10  }
0x29: {  	s12 =	sadd.s32 $0x12200, s7;
	[smem:$0x7ED] =	sst s11  }
0x2a: {  	s13 =	sadd.s32 $0x12A00, s7;
	[smem:$0x7EE] =	sst s12  }
0x2b: {  	s14 =	sadd.s32 $0x13200, s7;
	[smem:$0x7EF] =	sst s13  }
0x2c: {  	s4 =	sadd.s32 s15, s4;
	s15 =	sadd.s32 $0x13A00, s7;
	[smem:$0x7F0] =	sst s14  }
0x2d: {  	s16 =	sadd.s32 $0x14200, s7;
	[smem:$0x7F1] =	sst s15  }
0x2e: {  	s17 =	sadd.s32 $0x14A00, s7;
	[smem:$0x7F2] =	sst s16  }
0x2f: {  	s0 =	sshll.u32 s0, $0xB;
	s18 =	sadd.s32 $0x15200, s7;
	[smem:$0x7F3] =	sst s17  }
0x30: {  	s19 =	sadd.s32 $0x15A00, s7;
	s9 =	simm.s32 $0x1;
	[smem:$0x7F4] =	sst s18  }
0x31: {  	s22 =	sadd.s32 s0, s4;
	s4 =	sadd.s32 $0xEA00, s7;
	[smem:$0x7F5] =	sst s19  }
0x32: {  	s21 =	sadd.s32 $0x16200, s7;
	s23 =	sadd.s32 $0x16A00, s7;
	s24 =	sadd.s32 $0x17200, s7  }
0x33: {  	s25 =	sadd.s32 $0x17A00, s7;
	s26 =	sadd.s32 $0x18200, s7;
	s28 =	sadd.s32 $0x18A00, s7  }
0x34: {  	s29 =	sadd.s32 $0x19200, s7;
	s30 =	smax.u32 s1, $0x1;
	s31 =	sadd.s32 $0x200, s20  }
0x35: {  	s1 =	sadd.s32 $0x400, s20;
	s0 =	sadd.s32 $0x310000, s20;
	[dreg:$0x1f] =	wrdreg s4  }
0x36: {  	s5 =	sadd.s32 $0x600, s20;
	s6 =	sadd.s32 $0x310400, s20;
	[smem:$0x7F6] =	sst s21  }
0x37: {  	s7 =	sadd.s32 $0x310600, s20;
	s8 =	simm.s32 $0x200;
	[smem:$0x7F7] =	sst s23  }
0x38: {  	s10 =	simm.s32 $0x80;
	s11 =	simm.s32 $0x6400;
	[smem:$0x7F8] =	sst s24  }
0x39: {  	s12 =	simm.s32 $0x7400;
	s13 =	simm.s32 $0x8400;
	[smem:$0x7F9] =	sst s25  }
0x3a: {  	s14 =	simm.s32 $0x2;
	s15 =	simm.s32 $0x9400;
	[smem:$0x7FA] =	sst s26  }
0x3b: {  	s16 =	simm.s32 $0x3;
	s17 =	simm.s32 $0x6;
	[smem:$0x7FB] =	sst s28  }
0x3c: {  	s18 =	simm.s32 $0x4;
	s19 =	simm.s32 $0x7;
	[smem:$0x7FC] =	sst s29  }
0x3d: {  	[smem:$0x7FD] =	sst s30;
	s4 =	sadd.s32 $0x310200, s20;
	s21 =	simm.s32 $0x5  }
0x3e: {  	s23 =	simm.s32 $0x8;
	s24 =	simm.s32 $0x9;
	s25 =	simm.s32 $0x0  }
.LBB2_1:
0x3f: {  	s26 =	rddreg [dreg:$0x3]  }
0x40: {  	[tilespmem:s2], [sflag:$0x1] =	stream.linear.gather [hbm4b:s26+s2], $0x200, $0x38;
	[tilespmem:$0xA400] =	vst v63  }
0x41: {  	s30 =	rddreg [dreg:$0x4]  }
0x42: {  	[tilespmem:s8], [sflag:$0x1] =	stream.linear.gather [hbm4b:s30+s2], $0x200, $0x38;
	[tilespmem:$0xA400] =	vst v63  }
0x43: {  	s28 =	simm.s32 $0x400;
	s30 =	rddreg [dreg:$0x5]  }
0x44: {  	[tilespmem:s28], [sflag:$0x1] =	stream.linear.gather [hbm4b:s30+s2], $0x200, $0x38;
	[tilespmem:$0xA400] =	vst v63  }
0x45: {  	s30 =	rddreg [dreg:$0x6];
	s28 =	simm.s32 $0x600  }
0x46: {  	[tilespmem:s28], [sflag:$0x1] =	stream.linear.gather [hbm4b:s30+s2], $0x200, $0x38;
	[tilespmem:$0xA400] =	vst v63  }
0x47: {  	s30 =	rddreg [dreg:$0x7];
	s28 =	simm.s32 $0x800  }
0x48: {  	[tilespmem:s28], [sflag:$0x1] =	stream.linear.gather [hbm4b:s30+s2], $0x200, $0x38;
	[tilespmem:$0xA400] =	vst v63  }
0x49: {  	s30 =	rddreg [dreg:$0x8];
	s28 =	simm.s32 $0xA00  }
0x4a: {  	[tilespmem:s28], [sflag:$0x1] =	stream.linear.gather [hbm4b:s30+s2], $0x200, $0x38;
	[tilespmem:$0xA400] =	vst v63  }
0x4b: {  	s30 =	rddreg [dreg:$0x9];
	s28 =	simm.s32 $0xC00  }
0x4c: {  	[tilespmem:s28], [sflag:$0x1] =	stream.linear.gather [hbm4b:s30+s2], $0x200, $0x38;
	[tilespmem:$0xA400] =	vst v63  }
0x4d: {  	s30 =	rddreg [dreg:$0xa];
	s28 =	simm.s32 $0xE00  }
0x4e: {  	[tilespmem:s28], [sflag:$0x1] =	stream.linear.gather [hbm4b:s30+s2], $0x200, $0x38;
	[tilespmem:$0xA400] =	vst v63  }
0x4f: {  	s30 =	rddreg [dreg:$0xb];
	s28 =	simm.s32 $0x1000  }
0x50: {  	[tilespmem:s28], [sflag:$0x1] =	stream.linear.gather [hbm4b:s30+s2], $0x200, $0x38;
	[tilespmem:$0xA400] =	vst v63  }
0x51: {  	s30 =	rddreg [dreg:$0xc];
	s28 =	simm.s32 $0x1200  }
0x52: {  	[tilespmem:s28], [sflag:$0x1] =	stream.linear.gather [hbm4b:s30+s2], $0x200, $0x38;
	[tilespmem:$0xA400] =	vst v63  }
0x53: {  	s30 =	rddreg [dreg:$0xd];
	s28 =	simm.s32 $0x1400  }
0x54: {  	[tilespmem:s28], [sflag:$0x1] =	stream.linear.gather [hbm4b:s30+s2], $0x200, $0x38;
	[tilespmem:$0xA400] =	vst v63  }
0x55: {  	s30 =	rddreg [dreg:$0xe];
	s28 =	simm.s32 $0x1600  }
0x56: {  	[tilespmem:s28], [sflag:$0x1] =	stream.linear.gather [hbm4b:s30+s2], $0x200, $0x38;
	[tilespmem:$0xA400] =	vst v63  }
0x57: {  	s30 =	rddreg [dreg:$0xf];
	s28 =	simm.s32 $0x1800  }
0x58: {  	[tilespmem:s28], [sflag:$0x1] =	stream.linear.gather [hbm4b:s30+s2], $0x200, $0x38;
	[tilespmem:$0xA400] =	vst v63  }
0x59: {  	s30 =	rddreg [dreg:$0x10];
	s28 =	simm.s32 $0x1A00  }
0x5a: {  	[tilespmem:s28], [sflag:$0x1] =	stream.linear.gather [hbm4b:s30+s2], $0x200, $0x38;
	[tilespmem:$0xA400] =	vst v63  }
0x5b: {  	s30 =	rddreg [dreg:$0x11];
	s28 =	simm.s32 $0x1C00  }
0x5c: {  	[tilespmem:s28], [sflag:$0x1] =	stream.linear.gather [hbm4b:s30+s2], $0x200, $0x38;
	[tilespmem:$0xA400] =	vst v63  }
0x5d: {  	s30 =	rddreg [dreg:$0x12];
	s28 =	simm.s32 $0x1E00  }
0x5e: {  	[tilespmem:s28], [sflag:$0x1] =	stream.linear.gather [hbm4b:s30+s2], $0x200, $0x38;
	[tilespmem:$0xA400] =	vst v63  }
0x5f: {  	s30 =	rddreg [dreg:$0x13];
	s28 =	simm.s32 $0x2000  }
0x60: {  	[tilespmem:s28], [sflag:$0x1] =	stream.linear.gather [hbm4b:s30+s2], $0x200, $0x38;
	[tilespmem:$0xA400] =	vst v63  }
0x61: {  	s30 =	rddreg [dreg:$0x14];
	s28 =	simm.s32 $0x2200  }
0x62: {  	[tilespmem:s28], [sflag:$0x1] =	stream.linear.gather [hbm4b:s30+s2], $0x200, $0x38;
	[tilespmem:$0xA400] =	vst v63  }
0x63: {  	s30 =	rddreg [dreg:$0x15];
	s28 =	simm.s32 $0x2400  }
0x64: {  	[tilespmem:s28], [sflag:$0x1] =	stream.linear.gather [hbm4b:s30+s2], $0x200, $0x38;
	[tilespmem:$0xA400] =	vst v63  }
0x65: {  	s30 =	rddreg [dreg:$0x16];
	s28 =	simm.s32 $0x2600  }
0x66: {  	[tilespmem:s28], [sflag:$0x1] =	stream.linear.gather [hbm4b:s30+s2], $0x200, $0x38;
	[tilespmem:$0xA400] =	vst v63  }
0x67: {  	s30 =	rddreg [dreg:$0x17];
	s28 =	simm.s32 $0x2800  }
0x68: {  	[tilespmem:s28], [sflag:$0x1] =	stream.linear.gather [hbm4b:s30+s2], $0x200, $0x38;
	[tilespmem:$0xA400] =	vst v63  }
0x69: {  	s30 =	rddreg [dreg:$0x18];
	s28 =	simm.s32 $0x2A00  }
0x6a: {  	[tilespmem:s28], [sflag:$0x1] =	stream.linear.gather [hbm4b:s30+s2], $0x200, $0x38;
	[tilespmem:$0xA400] =	vst v63  }
0x6b: {  	s30 =	rddreg [dreg:$0x19];
	s28 =	simm.s32 $0x2C00  }
0x6c: {  	[tilespmem:s28], [sflag:$0x1] =	stream.linear.gather [hbm4b:s30+s2], $0x200, $0x38;
	[tilespmem:$0xA400] =	vst v63  }
0x6d: {  	s30 =	rddreg [dreg:$0x1a];
	s28 =	simm.s32 $0x2E00  }
0x6e: {  	[tilespmem:s28], [sflag:$0x1] =	stream.linear.gather [hbm4b:s30+s2], $0x200, $0x38;
	[tilespmem:$0xA400] =	vst v63  }
0x6f: {  	s30 =	rddreg [dreg:$0x1b];
	s28 =	simm.s32 $0x3000  }
0x70: {  	[tilespmem:s28], [sflag:$0x1] =	stream.linear.gather [hbm4b:s30+s2], $0x200, $0x38;
	[tilespmem:$0xA400] =	vst v63  }
0x71: {  	s30 =	rddreg [dreg:$0x1c];
	s28 =	simm.s32 $0x3200  }
0x72: {  	[tilespmem:s28], [sflag:$0x1] =	stream.linear.gather [hbm4b:s30+s2], $0x200, $0x38;
	[tilespmem:$0xA400] =	vst v63  }
0x73: {  	s30 =	rddreg [dreg:$0x1d];
	s28 =	simm.s32 $0x3400  }
0x74: {  	[tilespmem:s28], [sflag:$0x1] =	stream.linear.gather [hbm4b:s30+s2], $0x200, $0x38;
	[tilespmem:$0xA400] =	vst v63  }
0x75: {  	s30 =	rddreg [dreg:$0x1e];
	s28 =	simm.s32 $0x3600  }
0x76: {  	[tilespmem:s28], [sflag:$0x1] =	stream.linear.gather [hbm4b:s30+s2], $0x200, $0x38;
	[tilespmem:$0xA400] =	vst v63  }
0x77: {  	s30 =	rddreg [dreg:$0x1f];
	s28 =	simm.s32 $0x3800  }
0x78: {  	[tilespmem:s28], [sflag:$0x1] =	stream.linear.gather [hbm4b:s30+s2], $0x200, $0x38;
	[tilespmem:$0xA400] =	vst v63  }
0x79: {  	s30 =	sld [smem:$0x7E8];
	_ =	sdelay $0x1  }
0x7a: {  	s28 =	simm.s32 $0x3A00  }
0x7b: {  	[tilespmem:s28], [sflag:$0x1] =	stream.linear.gather [hbm4b:s30+s2], $0x200, $0x38;
	[tilespmem:$0xA400] =	vst v63  }
0x7c: {  	s30 =	sld [smem:$0x7E9];
	_ =	sdelay $0x1  }
0x7d: {  	s28 =	simm.s32 $0x3C00  }
0x7e: {  	[tilespmem:s28], [sflag:$0x1] =	stream.linear.gather [hbm4b:s30+s2], $0x200, $0x38;
	[tilespmem:$0xA400] =	vst v63  }
0x7f: {  	s30 =	sld [smem:$0x7EA];
	_ =	sdelay $0x1  }
0x80: {  	s28 =	simm.s32 $0x3E00  }
0x81: {  	[tilespmem:s28], [sflag:$0x1] =	stream.linear.gather [hbm4b:s30+s2], $0x200, $0x38;
	[tilespmem:$0xA400] =	vst v63  }
0x82: {  	s30 =	sld [smem:$0x7EB];
	_ =	sdelay $0x1  }
0x83: {  	s28 =	simm.s32 $0x4000  }
0x84: {  	[tilespmem:s28], [sflag:$0x1] =	stream.linear.gather [hbm4b:s30+s2], $0x200, $0x38;
	[tilespmem:$0xA400] =	vst v63  }
0x85: {  	s30 =	sld [smem:$0x7EC];
	_ =	sdelay $0x1  }
0x86: {  	s28 =	simm.s32 $0x4200  }
0x87: {  	[tilespmem:s28], [sflag:$0x1] =	stream.linear.gather [hbm4b:s30+s2], $0x200, $0x38;
	[tilespmem:$0xA400] =	vst v63  }
0x88: {  	s30 =	sld [smem:$0x7ED];
	_ =	sdelay $0x1  }
0x89: {  	s28 =	simm.s32 $0x4400  }
0x8a: {  	[tilespmem:s28], [sflag:$0x1] =	stream.linear.gather [hbm4b:s30+s2], $0x200, $0x38;
	[tilespmem:$0xA400] =	vst v63  }
0x8b: {  	s30 =	sld [smem:$0x7EE];
	_ =	sdelay $0x1  }
0x8c: {  	s28 =	simm.s32 $0x4600  }
0x8d: {  	[tilespmem:s28], [sflag:$0x1] =	stream.linear.gather [hbm4b:s30+s2], $0x200, $0x38;
	[tilespmem:$0xA400] =	vst v63  }
0x8e: {  	s30 =	sld [smem:$0x7EF];
	_ =	sdelay $0x1  }
0x8f: {  	s28 =	simm.s32 $0x4800  }
0x90: {  	[tilespmem:s28], [sflag:$0x1] =	stream.linear.gather [hbm4b:s30+s2], $0x200, $0x38;
	[tilespmem:$0xA400] =	vst v63  }
0x91: {  	s30 =	sld [smem:$0x7F0];
	_ =	sdelay $0x1  }
0x92: {  	s28 =	simm.s32 $0x4A00  }
0x93: {  	[tilespmem:s28], [sflag:$0x1] =	stream.linear.gather [hbm4b:s30+s2], $0x200, $0x38;
	[tilespmem:$0xA400] =	vst v63  }
0x94: {  	s30 =	sld [smem:$0x7F1];
	_ =	sdelay $0x1  }
0x95: {  	s28 =	simm.s32 $0x4C00  }
0x96: {  	[tilespmem:s28], [sflag:$0x1] =	stream.linear.gather [hbm4b:s30+s2], $0x200, $0x38;
	[tilespmem:$0xA400] =	vst v63  }
0x97: {  	s30 =	sld [smem:$0x7F2];
	_ =	sdelay $0x1  }
0x98: {  	s28 =	simm.s32 $0x4E00  }
0x99: {  	[tilespmem:s28], [sflag:$0x1] =	stream.linear.gather [hbm4b:s30+s2], $0x200, $0x38;
	[tilespmem:$0xA400] =	vst v63  }
0x9a: {  	s30 =	sld [smem:$0x7F3];
	_ =	sdelay $0x1  }
0x9b: {  	s28 =	simm.s32 $0x5000  }
0x9c: {  	[tilespmem:s28], [sflag:$0x1] =	stream.linear.gather [hbm4b:s30+s2], $0x200, $0x38;
	[tilespmem:$0xA400] =	vst v63  }
0x9d: {  	s30 =	sld [smem:$0x7F4];
	_ =	sdelay $0x1  }
0x9e: {  	s28 =	simm.s32 $0x5200  }
0x9f: {  	[tilespmem:s28], [sflag:$0x1] =	stream.linear.gather [hbm4b:s30+s2], $0x200, $0x38;
	[tilespmem:$0xA400] =	vst v63  }
0xa0: {  	s30 =	sld [smem:$0x7F5];
	_ =	sdelay $0x1  }
0xa1: {  	s28 =	simm.s32 $0x5400  }
0xa2: {  	[tilespmem:s28], [sflag:$0x1] =	stream.linear.gather [hbm4b:s30+s2], $0x200, $0x38;
	[tilespmem:$0xA400] =	vst v63  }
0xa3: {  	s30 =	sld [smem:$0x7F6];
	_ =	sdelay $0x1  }
0xa4: {  	s28 =	simm.s32 $0x5600  }
0xa5: {  	[tilespmem:s28], [sflag:$0x1] =	stream.linear.gather [hbm4b:s30+s2], $0x200, $0x38;
	[tilespmem:$0xA400] =	vst v63  }
0xa6: {  	s30 =	sld [smem:$0x7F7];
	_ =	sdelay $0x1  }
0xa7: {  	s28 =	simm.s32 $0x5800  }
0xa8: {  	[tilespmem:s28], [sflag:$0x1] =	stream.linear.gather [hbm4b:s30+s2], $0x200, $0x38;
	[tilespmem:$0xA400] =	vst v63  }
0xa9: {  	s30 =	sld [smem:$0x7F8];
	_ =	sdelay $0x1  }
0xaa: {  	s28 =	simm.s32 $0x5A00  }
0xab: {  	[tilespmem:s28], [sflag:$0x1] =	stream.linear.gather [hbm4b:s30+s2], $0x200, $0x38;
	[tilespmem:$0xA400] =	vst v63  }
0xac: {  	s30 =	sld [smem:$0x7F9];
	_ =	sdelay $0x1  }
0xad: {  	s28 =	simm.s32 $0x5C00  }
0xae: {  	[tilespmem:s28], [sflag:$0x1] =	stream.linear.gather [hbm4b:s30+s2], $0x200, $0x38;
	[tilespmem:$0xA400] =	vst v63  }
0xaf: {  	s30 =	sld [smem:$0x7FA];
	_ =	sdelay $0x1  }
0xb0: {  	s28 =	simm.s32 $0x5E00  }
0xb1: {  	[tilespmem:s28], [sflag:$0x1] =	stream.linear.gather [hbm4b:s30+s2], $0x200, $0x38;
	[tilespmem:$0xA400] =	vst v63  }
0xb2: {  	s30 =	sld [smem:$0x7FB];
	_ =	sdelay $0x1  }
0xb3: {  	s28 =	simm.s32 $0x6000  }
0xb4: {  	[tilespmem:s28], [sflag:$0x1] =	stream.linear.gather [hbm4b:s30+s2], $0x200, $0x38;
	[tilespmem:$0xA400] =	vst v63  }
0xb5: {  	s30 =	sld [smem:$0x7FC];
	_ =	sdelay $0x1  }
0xb6: {  	s28 =	simm.s32 $0x6200  }
0xb7: {  	[tilespmem:s28], [sflag:$0x1] =	stream.linear.gather [hbm4b:s30+s2], $0x200, $0x38;
	[tilespmem:$0xA400] =	vst v63  }
0xb8: {  	_ =	swait.ge [sflag:s9], $0x200  }
0xb9: {  	[sflag:s9] =	ssyncset.done $0x0  }
0xba: {  	[sflag:s9] =	ssyncadd.s32 $0xFFFFFE00  }
0xbb: {  	_ =	swait.ge [sflag:s9], $0x200  }
0xbc: {  	[sflag:s9] =	ssyncset.done $0x0  }
0xbd: {  	[sflag:s9] =	ssyncadd.s32 $0xFFFFFE00  }
0xbe: {  	_ =	swait.ge [sflag:s9], $0x200  }
0xbf: {  	[sflag:s9] =	ssyncset.done $0x0  }
0xc0: {  	[sflag:s9] =	ssyncadd.s32 $0xFFFFFE00  }
0xc1: {  	_ =	swait.ge [sflag:s9], $0x200  }
0xc2: {  	[sflag:s9] =	ssyncset.done $0x0  }
0xc3: {  	[sflag:s9] =	ssyncadd.s32 $0xFFFFFE00  }
0xc4: {  	_ =	swait.ge [sflag:s9], $0x200  }
0xc5: {  	[sflag:s9] =	ssyncset.done $0x0  }
0xc6: {  	[sflag:s9] =	ssyncadd.s32 $0xFFFFFE00  }
0xc7: {  	_ =	swait.ge [sflag:s9], $0x200  }
0xc8: {  	[sflag:s9] =	ssyncset.done $0x0  }
0xc9: {  	[sflag:s9] =	ssyncadd.s32 $0xFFFFFE00  }
0xca: {  	_ =	swait.ge [sflag:s9], $0x200  }
0xcb: {  	[sflag:s9] =	ssyncset.done $0x0  }
0xcc: {  	[sflag:s9] =	ssyncadd.s32 $0xFFFFFE00  }
0xcd: {  	_ =	swait.ge [sflag:s9], $0x200  }
0xce: {  	[sflag:s9] =	ssyncset.done $0x0  }
0xcf: {  	[sflag:s9] =	ssyncadd.s32 $0xFFFFFE00  }
0xd0: {  	_ =	swait.ge [sflag:s9], $0x200  }
0xd1: {  	[sflag:s9] =	ssyncset.done $0x0  }
0xd2: {  	[sflag:s9] =	ssyncadd.s32 $0xFFFFFE00  }
0xd3: {  	_ =	swait.ge [sflag:s9], $0x200  }
0xd4: {  	[sflag:s9] =	ssyncset.done $0x0  }
0xd5: {  	[sflag:s9] =	ssyncadd.s32 $0xFFFFFE00  }
0xd6: {  	_ =	swait.ge [sflag:s9], $0x200  }
0xd7: {  	[sflag:s9] =	ssyncset.done $0x0  }
0xd8: {  	[sflag:s9] =	ssyncadd.s32 $0xFFFFFE00  }
0xd9: {  	_ =	swait.ge [sflag:s9], $0x200  }
0xda: {  	[sflag:s9] =	ssyncset.done $0x0  }
0xdb: {  	[sflag:s9] =	ssyncadd.s32 $0xFFFFFE00  }
0xdc: {  	_ =	swait.ge [sflag:s9], $0x200  }
0xdd: {  	[sflag:s9] =	ssyncset.done $0x0  }
0xde: {  	[sflag:s9] =	ssyncadd.s32 $0xFFFFFE00  }
0xdf: {  	_ =	swait.ge [sflag:s9], $0x200  }
0xe0: {  	[sflag:s9] =	ssyncset.done $0x0  }
0xe1: {  	[sflag:s9] =	ssyncadd.s32 $0xFFFFFE00  }
0xe2: {  	_ =	swait.ge [sflag:s9], $0x200  }
0xe3: {  	[sflag:s9] =	ssyncset.done $0x0  }
0xe4: {  	[sflag:s9] =	ssyncadd.s32 $0xFFFFFE00  }
0xe5: {  	_ =	swait.ge [sflag:s9], $0x200  }
0xe6: {  	[sflag:s9] =	ssyncset.done $0x0  }
0xe7: {  	[sflag:s9] =	ssyncadd.s32 $0xFFFFFE00  }
0xe8: {  	_ =	swait.ge [sflag:s9], $0x200  }
0xe9: {  	[sflag:s9] =	ssyncset.done $0x0  }
0xea: {  	[sflag:s9] =	ssyncadd.s32 $0xFFFFFE00  }
0xeb: {  	_ =	swait.ge [sflag:s9], $0x200  }
0xec: {  	[sflag:s9] =	ssyncset.done $0x0  }
0xed: {  	[sflag:s9] =	ssyncadd.s32 $0xFFFFFE00  }
0xee: {  	_ =	swait.ge [sflag:s9], $0x200  }
0xef: {  	[sflag:s9] =	ssyncset.done $0x0  }
0xf0: {  	[sflag:s9] =	ssyncadd.s32 $0xFFFFFE00  }
0xf1: {  	_ =	swait.ge [sflag:s9], $0x200  }
0xf2: {  	[sflag:s9] =	ssyncset.done $0x0  }
0xf3: {  	[sflag:s9] =	ssyncadd.s32 $0xFFFFFE00  }
0xf4: {  	_ =	swait.ge [sflag:s9], $0x200  }
0xf5: {  	[sflag:s9] =	ssyncset.done $0x0  }
0xf6: {  	[sflag:s9] =	ssyncadd.s32 $0xFFFFFE00  }
0xf7: {  	_ =	swait.ge [sflag:s9], $0x200  }
0xf8: {  	[sflag:s9] =	ssyncset.done $0x0  }
0xf9: {  	[sflag:s9] =	ssyncadd.s32 $0xFFFFFE00  }
0xfa: {  	_ =	swait.ge [sflag:s9], $0x200  }
0xfb: {  	[sflag:s9] =	ssyncset.done $0x0  }
0xfc: {  	[sflag:s9] =	ssyncadd.s32 $0xFFFFFE00  }
0xfd: {  	_ =	swait.ge [sflag:s9], $0x200  }
0xfe: {  	[sflag:s9] =	ssyncset.done $0x0  }
0xff: {  	[sflag:s9] =	ssyncadd.s32 $0xFFFFFE00  }
0x100: {  	_ =	swait.ge [sflag:s9], $0x200  }
0x101: {  	[sflag:s9] =	ssyncset.done $0x0  }
0x102: {  	[sflag:s9] =	ssyncadd.s32 $0xFFFFFE00  }
0x103: {  	_ =	swait.ge [sflag:s9], $0x200  }
0x104: {  	[sflag:s9] =	ssyncset.done $0x0  }
0x105: {  	[sflag:s9] =	ssyncadd.s32 $0xFFFFFE00  }
0x106: {  	_ =	swait.ge [sflag:s9], $0x200  }
0x107: {  	[sflag:s9] =	ssyncset.done $0x0  }
0x108: {  	[sflag:s9] =	ssyncadd.s32 $0xFFFFFE00  }
0x109: {  	_ =	swait.ge [sflag:s9], $0x200  }
0x10a: {  	[sflag:s9] =	ssyncset.done $0x0  }
0x10b: {  	[sflag:s9] =	ssyncadd.s32 $0xFFFFFE00  }
0x10c: {  	_ =	swait.ge [sflag:s9], $0x200  }
0x10d: {  	[sflag:s9] =	ssyncset.done $0x0  }
0x10e: {  	[sflag:s9] =	ssyncadd.s32 $0xFFFFFE00  }
0x10f: {  	_ =	swait.ge [sflag:s9], $0x200  }
0x110: {  	[sflag:s9] =	ssyncset.done $0x0  }
0x111: {  	[sflag:s9] =	ssyncadd.s32 $0xFFFFFE00  }
0x112: {  	_ =	swait.ge [sflag:s9], $0x200  }
0x113: {  	[sflag:s9] =	ssyncset.done $0x0  }
0x114: {  	[sflag:s9] =	ssyncadd.s32 $0xFFFFFE00  }
0x115: {  	_ =	swait.ge [sflag:s9], $0x200  }
0x116: {  	[sflag:s9] =	ssyncset.done $0x0  }
0x117: {  	[sflag:s9] =	ssyncadd.s32 $0xFFFFFE00  }
0x118: {  	_ =	swait.ge [sflag:s9], $0x200  }
0x119: {  	[sflag:s9] =	ssyncset.done $0x0  }
0x11a: {  	[sflag:s9] =	ssyncadd.s32 $0xFFFFFE00  }
0x11b: {  	_ =	swait.ge [sflag:s9], $0x200  }
0x11c: {  	[sflag:s9] =	ssyncset.done $0x0  }
0x11d: {  	[sflag:s9] =	ssyncadd.s32 $0xFFFFFE00  }
0x11e: {  	_ =	swait.ge [sflag:s9], $0x200  }
0x11f: {  	[sflag:s9] =	ssyncset.done $0x0  }
0x120: {  	[sflag:s9] =	ssyncadd.s32 $0xFFFFFE00  }
0x121: {  	_ =	swait.ge [sflag:s9], $0x200  }
0x122: {  	[sflag:s9] =	ssyncset.done $0x0  }
0x123: {  	[sflag:s9] =	ssyncadd.s32 $0xFFFFFE00  }
0x124: {  	_ =	swait.ge [sflag:s9], $0x200  }
0x125: {  	[sflag:s9] =	ssyncset.done $0x0  }
0x126: {  	[sflag:s9] =	ssyncadd.s32 $0xFFFFFE00  }
0x127: {  	_ =	swait.ge [sflag:s9], $0x200  }
0x128: {  	[sflag:s9] =	ssyncset.done $0x0  }
0x129: {  	[sflag:s9] =	ssyncadd.s32 $0xFFFFFE00  }
0x12a: {  	_ =	swait.ge [sflag:s9], $0x200  }
0x12b: {  	[sflag:s9] =	ssyncset.done $0x0  }
0x12c: {  	[sflag:s9] =	ssyncadd.s32 $0xFFFFFE00  }
0x12d: {  	_ =	swait.ge [sflag:s9], $0x200  }
0x12e: {  	[sflag:s9] =	ssyncset.done $0x0  }
0x12f: {  	[sflag:s9] =	ssyncadd.s32 $0xFFFFFE00  }
0x130: {  	_ =	swait.ge [sflag:s9], $0x200  }
0x131: {  	[sflag:s9] =	ssyncset.done $0x0  }
0x132: {  	[sflag:s9] =	ssyncadd.s32 $0xFFFFFE00  }
0x133: {  	_ =	swait.ge [sflag:s9], $0x200  }
0x134: {  	[sflag:s9] =	ssyncset.done $0x0  }
0x135: {  	[sflag:s9] =	ssyncadd.s32 $0xFFFFFE00  }
0x136: {  	_ =	swait.ge [sflag:s9], $0x200  }
0x137: {  	[sflag:s9] =	ssyncset.done $0x0  }
0x138: {  	[sflag:s9] =	ssyncadd.s32 $0xFFFFFE00  }
0x139: {  	_ =	swait.ge [sflag:s9], $0x200  }
0x13a: {  	[sflag:s9] =	ssyncset.done $0x0  }
0x13b: {  	[sflag:s9] =	ssyncadd.s32 $0xFFFFFE00  }
0x13c: {  	_ =	swait.ge [sflag:s9], $0x200  }
0x13d: {  	[sflag:s9] =	ssyncset.done $0x0  }
0x13e: {  	[sflag:s9] =	ssyncadd.s32 $0xFFFFFE00  }
0x13f: {  	_ =	swait.ge [sflag:s9], $0x200  }
0x140: {  	[sflag:s9] =	ssyncset.done $0x0  }
0x141: {  	[sflag:s9] =	ssyncadd.s32 $0xFFFFFE00  }
0x142: {  	_ =	swait.ge [sflag:s9], $0x200  }
0x143: {  	[sflag:s9] =	ssyncset.done $0x0  }
0x144: {  	[sflag:s9] =	ssyncadd.s32 $0xFFFFFE00  }
0x145: {  	_ =	swait.ge [sflag:s9], $0x200  }
0x146: {  	[sflag:s9] =	ssyncset.done $0x0  }
0x147: {  	[sflag:s9] =	ssyncadd.s32 $0xFFFFFE00  }
0x148: {  	_ =	swait.ge [sflag:s9], $0x200  }
0x149: {  	[sflag:s9] =	ssyncset.done $0x0  }
0x14a: {  	[sflag:s9] =	ssyncadd.s32 $0xFFFFFE00  }
0x14b: {  	_ =	swait.ge [sflag:s9], $0x200  }
0x14c: {  	[sflag:s9] =	ssyncset.done $0x0  }
0x14d: {  	[sflag:s9] =	ssyncadd.s32 $0xFFFFFE00  }
0x14e: {  	[tilespmem:s11], [sflag:$0x2] =	stream.indirect.gather [hbm4b:s3+s10], $0x20, s2, s10, $0xb8;
	[tilespmem:$0xA400] =	vst v63  }
0x14f: {  	_ = 	snop  }
0x150: {  	[tilespmem:s12], [sflag:$0x3] =	stream.indirect.gather [hbm4b:s3+s10], $0x20, s10, s10, $0xb8;
	[tilespmem:$0xA400] =	vst v63  }
0x151: {  	s30 =	simm.s32 $0x100  }
0x152: {  	[tilespmem:s13], [sflag:$0x4] =	stream.indirect.gather [hbm4b:s3+s10], $0x20, s30, s10, $0xb8;
	[tilespmem:$0xA400] =	vst v63  }
0x153: {  	_ =	swait.ge [sflag:s14], $0x1000  }
0x154: {  	[sflag:s14] =	ssyncset.done $0x0  }
0x155: {  	s30 =	simm.s32 $0x180;
	[sflag:s14] =	ssyncadd.s32 $0xFFFFF000  }
0x156: {  	[tilespmem:s15], [sflag:$0x5] =	stream.indirect.gather [hbm4b:s3+s10], $0x20, s30, s10, $0xb8;
	[tilespmem:$0xA400] =	vst v63  }
0x157: {  	_ = 	snop  }
0x158: {  	[hbm4b:s20+s2] =	stream.linear.scatter [tilespmem:s11], [sflag:$0x6], $0x1000, $0x38;
	[tilespmem:$0xA400] =	vst v63  }
0x159: {  	_ =	swait.ge [sflag:s16], $0x1000  }
0x15a: {  	[sflag:s16] =	ssyncset.done $0x0  }
0x15b: {  	[sflag:s16] =	ssyncadd.s32 $0xFFFFF000  }
0x15c: {  	_ =	swait.ge [sflag:s17], $0x1000  }
0x15d: {  	[sflag:s17] =	ssyncset.done $0x0  }
0x15e: {  	[sflag:s17] =	ssyncadd.s32 $0xFFFFF000  }
0x15f: {  	[tilespmem:s11], [sflag:$0x2] =	stream.indirect.gather [hbm4b:s3+s10], $0x20, s8, s10, $0xb8;
	[tilespmem:$0xA400] =	vst v63  }
0x160: {  	_ = 	snop  }
0x161: {  	[hbm4b:s31+s2] =	stream.linear.scatter [tilespmem:s12], [sflag:$0x7], $0x1000, $0x38;
	[tilespmem:$0xA400] =	vst v63  }
0x162: {  	_ =	swait.ge [sflag:s18], $0x1000  }
0x163: {  	[sflag:s18] =	ssyncset.done $0x0  }
0x164: {  	[sflag:s18] =	ssyncadd.s32 $0xFFFFF000  }
0x165: {  	_ =	swait.ge [sflag:s19], $0x1000  }
0x166: {  	[sflag:s19] =	ssyncset.done $0x0  }
0x167: {  	s30 =	simm.s32 $0x280;
	[sflag:s19] =	ssyncadd.s32 $0xFFFFF000  }
0x168: {  	[tilespmem:s12], [sflag:$0x3] =	stream.indirect.gather [hbm4b:s3+s10], $0x20, s30, s10, $0xb8;
	[tilespmem:$0xA400] =	vst v63  }
0x169: {  	_ = 	snop  }
0x16a: {  	[hbm4b:s1+s2] =	stream.linear.scatter [tilespmem:s13], [sflag:$0x8], $0x1000, $0x38;
	[tilespmem:$0xA400] =	vst v63  }
0x16b: {  	_ =	swait.ge [sflag:s21], $0x1000  }
0x16c: {  	[sflag:s21] =	ssyncset.done $0x0  }
0x16d: {  	[sflag:s21] =	ssyncadd.s32 $0xFFFFF000  }
0x16e: {  	_ =	swait.ge [sflag:s23], $0x1000  }
0x16f: {  	[sflag:s23] =	ssyncset.done $0x0  }
0x170: {  	s30 =	simm.s32 $0x300;
	[sflag:s23] =	ssyncadd.s32 $0xFFFFF000  }
0x171: {  	[tilespmem:s13], [sflag:$0x4] =	stream.indirect.gather [hbm4b:s3+s10], $0x20, s30, s10, $0xb8;
	[tilespmem:$0xA400] =	vst v63  }
0x172: {  	_ = 	snop  }
0x173: {  	[hbm4b:s5+s2] =	stream.linear.scatter [tilespmem:s15], [sflag:$0x9], $0x1000, $0x38;
	[tilespmem:$0xA400] =	vst v63  }
0x174: {  	_ =	swait.ge [sflag:s14], $0x1000  }
0x175: {  	[sflag:s14] =	ssyncset.done $0x0  }
0x176: {  	[sflag:s14] =	ssyncadd.s32 $0xFFFFF000  }
0x177: {  	_ =	swait.ge [sflag:s24], $0x1000  }
0x178: {  	[sflag:s24] =	ssyncset.done $0x0  }
0x179: {  	s28 =	sadd.s32 $0x0, s22;
	s30 =	simm.s32 $0x380;
	[sflag:s24] =	ssyncadd.s32 $0xFFFFF000  }
0x17a: {  	[tilespmem:s15], [sflag:$0x5] =	stream.indirect.gather [hbm4b:s3+s10], $0x20, s30, s10, $0xb8;
	[tilespmem:$0xA400] =	vst v63  }
0x17b: {  	s30 =	sadd.s32 $0x10000, s28  }
0x17c: {  	[hbm4b:s30+s2] =	stream.linear.scatter [tilespmem:s11], [sflag:$0x6], $0x1000, $0x38;
	[tilespmem:$0xA400] =	vst v63  }
0x17d: {  	_ =	swait.ge [sflag:s16], $0x1000  }
0x17e: {  	[sflag:s16] =	ssyncset.done $0x0  }
0x17f: {  	[sflag:s16] =	ssyncadd.s32 $0xFFFFF000  }
0x180: {  	_ =	swait.ge [sflag:s17], $0x1000  }
0x181: {  	[sflag:s17] =	ssyncset.done $0x0  }
0x182: {  	s30 =	simm.s32 $0x400;
	[sflag:s17] =	ssyncadd.s32 $0xFFFFF000  }
0x183: {  	[tilespmem:s11], [sflag:$0x2] =	stream.indirect.gather [hbm4b:s3+s10], $0x20, s30, s10, $0xb8;
	[tilespmem:$0xA400] =	vst v63  }
0x184: {  	s30 =	sadd.s32 $0x10200, s28  }
0x185: {  	[hbm4b:s30+s2] =	stream.linear.scatter [tilespmem:s12], [sflag:$0x7], $0x1000, $0x38;
	[tilespmem:$0xA400] =	vst v63  }
0x186: {  	_ =	swait.ge [sflag:s18], $0x1000  }
0x187: {  	[sflag:s18] =	ssyncset.done $0x0  }
0x188: {  	[sflag:s18] =	ssyncadd.s32 $0xFFFFF000  }
0x189: {  	_ =	swait.ge [sflag:s19], $0x1000  }
0x18a: {  	[sflag:s19] =	ssyncset.done $0x0  }
0x18b: {  	s30 =	simm.s32 $0x480;
	[sflag:s19] =	ssyncadd.s32 $0xFFFFF000  }
0x18c: {  	[tilespmem:s12], [sflag:$0x3] =	stream.indirect.gather [hbm4b:s3+s10], $0x20, s30, s10, $0xb8;
	[tilespmem:$0xA400] =	vst v63  }
0x18d: {  	s30 =	sadd.s32 $0x10400, s28  }
0x18e: {  	[hbm4b:s30+s2] =	stream.linear.scatter [tilespmem:s13], [sflag:$0x8], $0x1000, $0x38;
	[tilespmem:$0xA400] =	vst v63  }
0x18f: {  	_ =	swait.ge [sflag:s21], $0x1000  }
0x190: {  	[sflag:s21] =	ssyncset.done $0x0  }
0x191: {  	[sflag:s21] =	ssyncadd.s32 $0xFFFFF000  }
0x192: {  	_ =	swait.ge [sflag:s23], $0x1000  }
0x193: {  	s26 =	simm.s32 $0x10000;
	s29 =	sadd.s32 $0x10600, s28;
	[sflag:s23] =	ssyncset.done $0x0  }
0x194: {  	s28 =	simm.s32 $0x700;
	s30 =	simm.s32 $0x500;
	[sflag:s23] =	ssyncadd.s32 $0xFFFFF000  }
0x195: {  	[tilespmem:s13], [sflag:$0x4] =	stream.indirect.gather [hbm4b:s3+s10], $0x20, s30, s10, $0xb8;
	[tilespmem:$0xA400] =	vst v63  }
.LBB2_2:
0x196: {  	[hbm4b:s29+s2] =	stream.linear.scatter [tilespmem:s15], [sflag:$0x9], $0x1000, $0x38;
	[tilespmem:$0xA400] =	vst v63  }
0x197: {  	s29 =	smov.u32 s26  }
0x198: {  	p0 =	sne.s32 s26, $0x2F0000;
	s26 =	sadd.s32 $0x10000, s26;
	_ =	swait.ge [sflag:s14], $0x1000  }
0x199: {  	[sflag:s14] =	ssyncset.done $0x0  }
0x19a: {  	[sflag:s14] =	ssyncadd.s32 $0xFFFFF000  }
0x19b: {  	_ =	swait.ge [sflag:s24], $0x1000  }
0x19c: {  	[sflag:s24] =	ssyncset.done $0x0  }
0x19d: {  	s30 =	sadd.s32 $0xFFFFFE80, s28;
	s29 =	sadd.s32 s29, s22;
	[sflag:s24] =	ssyncadd.s32 $0xFFFFF000  }
0x19e: {  	[tilespmem:s15], [sflag:$0x5] =	stream.indirect.gather [hbm4b:s3+s10], $0x20, s30, s10, $0xb8;
	[tilespmem:$0xA400] =	vst v63  }
0x19f: {  	s30 =	sadd.s32 $0x10000, s29  }
0x1a0: {  	[hbm4b:s30+s2] =	stream.linear.scatter [tilespmem:s11], [sflag:$0x6], $0x1000, $0x38;
	[tilespmem:$0xA400] =	vst v63  }
0x1a1: {  	_ =	swait.ge [sflag:s16], $0x1000  }
0x1a2: {  	[sflag:s16] =	ssyncset.done $0x0  }
0x1a3: {  	[sflag:s16] =	ssyncadd.s32 $0xFFFFF000  }
0x1a4: {  	_ =	swait.ge [sflag:s17], $0x1000  }
0x1a5: {  	[sflag:s17] =	ssyncset.done $0x0  }
0x1a6: {  	s30 =	sadd.s32 $0xFFFFFF00, s28;
	[sflag:s17] =	ssyncadd.s32 $0xFFFFF000  }
0x1a7: {  	[tilespmem:s11], [sflag:$0x2] =	stream.indirect.gather [hbm4b:s3+s10], $0x20, s30, s10, $0xb8;
	[tilespmem:$0xA400] =	vst v63  }
0x1a8: {  	s30 =	sadd.s32 $0x10200, s29  }
0x1a9: {  	[hbm4b:s30+s2] =	stream.linear.scatter [tilespmem:s12], [sflag:$0x7], $0x1000, $0x38;
	[tilespmem:$0xA400] =	vst v63  }
0x1aa: {  	_ =	swait.ge [sflag:s18], $0x1000  }
0x1ab: {  	[sflag:s18] =	ssyncset.done $0x0  }
0x1ac: {  	[sflag:s18] =	ssyncadd.s32 $0xFFFFF000  }
0x1ad: {  	_ =	swait.ge [sflag:s19], $0x1000  }
0x1ae: {  	[sflag:s19] =	ssyncset.done $0x0  }
0x1af: {  	s30 =	sadd.s32 $0xFFFFFF80, s28;
	[sflag:s19] =	ssyncadd.s32 $0xFFFFF000  }
0x1b0: {  	[tilespmem:s12], [sflag:$0x3] =	stream.indirect.gather [hbm4b:s3+s10], $0x20, s30, s10, $0xb8;
	[tilespmem:$0xA400] =	vst v63  }
0x1b1: {  	s30 =	sadd.s32 $0x10400, s29  }
0x1b2: {  	[hbm4b:s30+s2] =	stream.linear.scatter [tilespmem:s13], [sflag:$0x8], $0x1000, $0x38;
	[tilespmem:$0xA400] =	vst v63  }
0x1b3: {  	_ =	swait.ge [sflag:s21], $0x1000  }
0x1b4: {  	[sflag:s21] =	ssyncset.done $0x0  }
0x1b5: {  	[sflag:s21] =	ssyncadd.s32 $0xFFFFF000  }
.Ltmp0:
0x1b6: {  	_ =	swait.ge [sflag:s23], $0x1000;
	(pc) =	sbr.rel @p0 .LBB2_2-.Ltmp0, $4  }
0x1b7: {  	[sflag:s23] =	ssyncset.done $0x0  }
0x1b8: {  	[sflag:s23] =	ssyncadd.s32 $0xFFFFF000  }
0x1b9: {  	[tilespmem:s13], [sflag:$0x4] =	stream.indirect.gather [hbm4b:s3+s10], $0x20, s28, s10, $0xb8;
	[tilespmem:$0xA400] =	vst v63  }
0x1ba: {  	s29 =	sadd.s32 $0x10600, s29;
	s28 =	sadd.s32 $0x200, s28  }
0x1bb: {  	[hbm4b:s29+s2] =	stream.linear.scatter [tilespmem:s15], [sflag:$0x9], $0x1000, $0x38;
	[tilespmem:$0xA400] =	vst v63  }
0x1bc: {  	_ =	swait.ge [sflag:s14], $0x1000  }
0x1bd: {  	[sflag:s14] =	ssyncset.done $0x0  }
0x1be: {  	[sflag:s14] =	ssyncadd.s32 $0xFFFFF000  }
0x1bf: {  	_ =	swait.ge [sflag:s24], $0x1000  }
0x1c0: {  	[sflag:s24] =	ssyncset.done $0x0  }
0x1c1: {  	s26 =	simm.s32 $0x6380;
	[sflag:s24] =	ssyncadd.s32 $0xFFFFF000  }
0x1c2: {  	[tilespmem:s15], [sflag:$0x5] =	stream.indirect.gather [hbm4b:s3+s10], $0x20, s26, s10, $0xb8;
	[tilespmem:$0xA400] =	vst v63  }
0x1c3: {  	_ = 	snop  }
0x1c4: {  	[hbm4b:s0+s2] =	stream.linear.scatter [tilespmem:s11], [sflag:$0x6], $0x1000, $0x38;
	[tilespmem:$0xA400] =	vst v63  }
0x1c5: {  	_ =	swait.ge [sflag:s16], $0x1000  }
0x1c6: {  	[sflag:s16] =	ssyncset.done $0x0  }
0x1c7: {  	[sflag:s16] =	ssyncadd.s32 $0xFFFFF000  }
0x1c8: {  	[hbm4b:s4+s2] =	stream.linear.scatter [tilespmem:s12], [sflag:$0x7], $0x1000, $0x38;
	[tilespmem:$0xA400] =	vst v63  }
0x1c9: {  	_ =	swait.ge [sflag:s18], $0x1000  }
0x1ca: {  	[sflag:s18] =	ssyncset.done $0x0  }
0x1cb: {  	[sflag:s18] =	ssyncadd.s32 $0xFFFFF000  }
0x1cc: {  	[hbm4b:s6+s2] =	stream.linear.scatter [tilespmem:s13], [sflag:$0x8], $0x1000, $0x38;
	[tilespmem:$0xA400] =	vst v63  }
0x1cd: {  	_ =	swait.ge [sflag:s21], $0x1000  }
0x1ce: {  	[sflag:s21] =	ssyncset.done $0x0  }
0x1cf: {  	[sflag:s21] =	ssyncadd.s32 $0xFFFFF000  }
0x1d0: {  	[hbm4b:s7+s2] =	stream.linear.scatter [tilespmem:s15], [sflag:$0x9], $0x1000, $0x38;
	[tilespmem:$0xA400] =	vst v63  }
0x1d1: {  	_ =	swait.ge [sflag:s17], $0x1000  }
0x1d2: {  	[sflag:s17] =	ssyncset.done $0x0  }
0x1d3: {  	[sflag:s17] =	ssyncadd.s32 $0xFFFFF000  }
0x1d4: {  	_ =	swait.ge [sflag:s19], $0x1000  }
0x1d5: {  	[sflag:s19] =	ssyncset.done $0x0  }
0x1d6: {  	[sflag:s19] =	ssyncadd.s32 $0xFFFFF000  }
0x1d7: {  	_ =	swait.ge [sflag:s23], $0x1000  }
0x1d8: {  	[sflag:s23] =	ssyncset.done $0x0  }
0x1d9: {  	[sflag:s23] =	ssyncadd.s32 $0xFFFFF000  }
0x1da: {  	_ =	swait.ge [sflag:s24], $0x1000  }
0x1db: {  	s30 =	sld [smem:$0x7FD];
	_ =	sdelay $0x1  }
0x1dc: {  	s25 =	sadd.s32 $0x1, s25  }
0x1dd: {  	p0 =	sne.s32 s25, s30  }
.Ltmp1:
0x1de: {  	_ = 	snop;
	(pc) =	sbr.rel @p0 .LBB2_1-.Ltmp1, $3  }
0x1df: {  	_ =	sdelay $0x1  }
0x1e0: {  	[sflag:s24] =	ssyncset.done $0x0  }
0x1e1: {  	[sflag:s24] =	ssyncadd.s32 $0xFFFFF000  }
0x1e2: {  	_ =	sfence.sel $0x180000  }
0x1e3: {  	[bflag:$0x0] =	sbarrier.arrive $0xFFFF  }
0x1e4: {  	_ =	strace $0x90000047  }
0x1e5: {  	s0 =	stileid.u32;
	[bflag:$0x2] =	sbarrier.arrive $0xFFFF  }
0x1e6: {  	p0 =	sne.s32 s0, $0x0;
	s0 =	rddreg [dreg:$0x2]  }
0x1e7: {  	s0 =	sadd.s32 @!p0 $0x100000, s0  }
0x1e8: {  	[sflag:s0] =	ssyncadd.tile.s32 @!p0 $0x1;
	_ =	shalt  }
.Lfunc_end2:
_tile_overlayer_lowered:
.L_overlay_start_2:
0x1e9: {  	(tag) =	ssettag $0x2  }
0x1ea: {  	s0 =	rddreg [dreg:$0x0];
	s2 =	stileid.u32  }
0x1eb: {  	s1 =	rddreg [dreg:$0x1];
	p0 =	sne.s32 s2, $0x0  }
0x1ec: {  	s3 =	rddreg [dreg:$0x2];
	[bflag:$0x3] =	sbarrier.arrive $0xFFFF;
	s2 =	simm.s32 @!p0 $0x1C0A  }
0x1ed: {  	[timem:s3], [sflag:s2] =	dma.local @!p0 [hbm:s0], s1  }
0x1ee: {  	s0 =	simm.s32 @!p0 $0xA  }
0x1ef: {  	_ =	swait.ge @!p0 [sflag:s0], s1  }
0x1f0: {  	s1 =	ssub.s32 @!p0 $0x0, s1;
	[sflag:s0] =	ssyncset.done @!p0 $0x0  }
0x1f1: {  	[sflag:s0] =	ssyncadd.s32 @!p0 s1  }
0x1f2: {  	[bflag:$0x3] =	sbarrier.arrive $0xFFFF  }
0x1f3: {  	_ =	shalt  }

// kernel: sparse-core-data-format-call.cloned.1.call-start
scs
called_computation_lowered:
.L_overlay_start_0:
0x0: {  	s2 =	sld [smem:$0x3FD9]  }
0x1: {  	s3 =	sld [smem:$0x3FFE];
	_ =	sdelay $0x1  }
0x2: {  	s1 =	srdreg.scid  }
0x3: {  	s0 =	sand.u32 $0x1, s1  }
0x4: {  	s18 =	sshll.u32 s0, $0xA;
	s2 =	sadd.s32 s3, s2  }
0x5: {  	s2 =	sadd.s32 s2, s18  }
0x6: {  	[smem:$0x3FC6] =	sst s2  }
0x7: {  	_ = 	snop  }
0x8: {  	s2 =	sld [smem:$0x3FD0];
	(tm) =	ssettm $0x1  }
0x9: {  	s19 =	sld [smem:$0x3FFB];
	_ =	sdelay $0x3  }
0xa: {  	_ =	strace s19  }
0xb: {  	s3 =	sld [smem:$0x3FFC];
	_ =	sdelay $0x3  }
0xc: {  	_ =	strace s3  }
0xd: {  	s3 =	sld [smem:$0x3FFD];
	_ =	sdelay $0x3  }
0xe: {  	_ =	strace s3  }
0xf: {  	_ =	strace $0x8FFFFFFF  }
0x10: {  	s20 =	sld [smem:$0x3FDB];
	_ =	sdelay $0x1  }
0x11: {  	s4 =	simm.s32 $_scs_section_size  }
0x12: {  	s5 =	simm.s32 $_size__tile_overlayer_lowered;
	s6 =	simm.s32 $_tile_overlayer_lowered  }
0x13: {  	s23 =	simm.s32 $0x1BFF;
	s22 =	sshll.u32 s6, $0x1;
	s3 =	sadd.s32 s4, s20  }
0x14: {  	s7 =	simm.s32 $0x0;
	s21 =	sshll.u32 s5, $0x1;
	s5 =	sadd.s32 s22, s3  }
0x15: {  	[timem:s7], [sflag:s23] =	dma.local [hbm:s5], s21  }
0x16: {  	_ =	swait.ge [sflag:s23], s21  }
0x17: {  	s4 =	ssub.s32 $0x0, s21;
	[sflag:s23] =	ssyncset.done $0x0  }
0x18: {  	[sflag:s23] =	ssyncadd.s32 s4;
	_ =	sdelay $0x1  }
0x19: {  	s24 =	simm.s32 $0x1B8B  }
0x1a: {  	_ =	swait.ge [sflag:s24], $0x1  }
0x1b: {  	[sflag:s24] =	ssyncset.done $0x0  }
0x1c: {  	s26 =	simm.s32 $0x1B8E;
	s25 =	sld [smem:$0x3FFE];
	[sflag:s24] =	ssyncadd.s32 $0xFFFFFFFF  }
0x1d: {  	s27 =	simm.s32 $execute0_lowered;
	[smem:$0x3FD2] =	sst s26  }
0x1e: {  	s5 =	sshll.u32 s27, $0x1;
	_ =	strace $0x80000049;
	[dreg:$0x1] =	wrdreg $0xFFFFFFFF  }
0x1f: {  	s28 =	simm.s32 $_size_execute0_lowered;
	s3 =	sadd.s32 s3, s5;
	[dreg:$0x0] =	wrdreg $0x0  }
0x20: {  	s5 =	sshll.u32 s28, $0x1;
	[dreg:$0x2] =	wrdreg s3  }
0x21: {  	[dreg:$0x3] =	wrdreg s5  }
0x22: {  	[dreg:$0x4] =	wrdreg $0xC0  }
0x23: {  	_ =	task [dreg:s7], $0x5FFFF  }
0x24: {  	[dreg:$0x1] =	wrdreg $0xFFFFFFFF  }
0x25: {  	[dreg:$0x0] =	wrdreg $0x60  }
0x26: {  	[dreg:$0x2] =	wrdreg s25  }
0x27: {  	[dreg:$0x3] =	wrdreg s2  }
0x28: {  	[dreg:$0x4] =	wrdreg $0x9  }
0x29: {  	_ =	task.clear_ibuf [dreg:s7], $0x5FFFF;
	_ =	strace $0x90000049  }
0x2a: {  	s29 =	simm.s32 $0x9;
	_ =	strace $0x8000004B  }
0x2b: {  	_ =	swait.ge [sflag:s29], $0x1  }
0x2c: {  	[sflag:s29] =	ssyncadd.s32 $0xFFFFFFFF  }
0x2d: {  	_ =	strace $0x9000004B  }
0x2e: {  	_ =	sfence  }
0x2f: {  	s30 =	sld [smem:$0x0];
	_ =	sdelay $0x2  }
0x30: {  	s31 =	sshll.u32 s1, $0xD;
	s1 =	sshrl.u32 s1, $0x2  }
0x31: {  	s3 =	sand.u32 $0x4000, s31;
	s1 =	sadd.s32 s1, s30  }
0x32: {  	s0 =	sor.u32 s3, s0;
	s1 =	sshll.u32 s1, $0x11  }
0x33: {  	s0 =	sor.u32 s1, s0  }
0x34: {  	s0 =	sadd.s32 $0x8F2B, s0  }
0x35: {  	[sflag:s0] =	ssyncadd.remote.s32 $0x1  }
0x36: {  	_ =	sfence.sel $0xFFFF  }
0x37: {  	[dreg:$0x0] =	wrdreg $0xFFFFFFFF;
	(pc) =	sbr.abs _section_cstart, $3  }
0x38: {  	[dreg:$0x1] =	wrdreg $0xFFFFFFFF  }
0x39: {  	_ =	task.clear_ibuf [dreg:s7], $0x2FFFF;
	_ =	strace $0x9FFFFFFF  }
0x3a: {  	(tm) =	ssettm $0x7FFFFFFF  }
0x3b: {  	_ =	shalt  }
tec
execute0_lowered:
.L_overlay_start_1:
0x0: {  	(tag) =	ssettag $0x1  }
0x1: {  	s0 =	srdreg.scid  }
0x2: {  	s1 =	sshll.u32 s0, $0x4  }
0x3: {  	s0 =	stileid.u32;
	s1 =	sand.u32 $0x10, s1  }
0x4: {  	s7 =	rddreg [dreg:$0x0];
	s1 =	sor.u32 s0, s1  }
0x5: {  	s4 =	simm.s32 $0x1;
	s8 =	simm.s32 $0x2;
	s2 =	sshll.u32 s1, $0x7  }
0x6: {  	s13 =	simm.s32 $0x0;
	s9 =	simm.s32 $0x20000;
	s1 =	ssub.s32 $0x4000, s2  }
0x7: {  	s14 =	simm.s32 $0x0;
	s11 =	simm.s32 $0x0;
	s3 =	sand.u32 $0xF80, s1  }
0x8: {  	s12 =	simm.s32 $0x0;
	s5 =	sshrl.u32 s1, $0xC;
	p0 =	sne.s32 s3, $0x0  }
.Ltmp0:
0x9: {  	s1 =	rddreg [dreg:$0x2];
	s4 =	simm.s32 @!p0 $0x0;
	(pc) =	sbr.rel .LBB1_1-.Ltmp0, $4  }
0xa: {  	s6 =	sadd.s32 $0xA00, s7;
	s3 =	rddreg [dreg:$0x1];
	s5 =	sadd.s32 s4, s5  }
0xb: {  	_ =	strace $0x8000004A;
	s4 =	simm.s32 $0x1;
	s5 =	smul.u32 $0x19, s5  }
0xc: {  	s7 =	sadd.s32 $0x40A00, s7;
	s10 =	smov.u32 s2;
	[sflag:s4] =	ssyncpa.u1 $0x0  }
0xd: {  	p0 =	por $0x0, $0x0;
	[sflag:s8] =	ssyncpa.u1 $0x0;
	s8 =	sadd.s32 $0x1, s5  }
.LBB1_7:
0xe: {  	s15 =	sadd.s32 $0x1000, s10  }
0xf: {  	s13 =	sadd.s32 $0x2, s11;
	s17 =	smov.u32 s11;
	p2 =	sgt.s32 s15, $0x3FFF  }
0x10: {  	s17 =	smov.u32 @p2 s13  }
0x11: {  	s15 =	smov.u32 @p2 s2;
	p2 =	sgt.s32 s17, $0x31  }
0x12: {  	s17 =	simm.s32 @p2 $0x0;
	p2 =	sne.s32 s12, s8  }
.Ltmp1:
0x13: {  	p1 =	slt.u32 s12, $0x2;
	(pc) =	sbr.rel @!p2 .LBB1_8-.Ltmp1, $4  }
0x14: {  	s16 =	simm.s32 @!p1 $0x2  }
0x15: {  	s14 =	smov.u32 s11;
	p0 =	por !p0, !p0;
	_ =	swait.ge @!p1 [sflag:s16], $0x2000  }
0x16: {  	s13 =	smov.u32 s10;
	[sflag:s16] =	ssyncset.done @!p1 $0x0;
	s10 =	smov.u32 s15  }
0x17: {  	s12 =	sadd.s32 $0x1, s12;
	[sflag:s16] =	ssyncadd.s32 @!p1 $0xFFFFE000;
	s11 =	smov.u32 s17  }
.LBB1_1:
0x18: {  	p1 =	sge.u32 s12, s5  }
0x19: {  	s15 =	sxor.u32 @!p1 $0xFFFFFFFF, s12;
	s16 =	sshll.u32 @!p1 s11, $0x12  }
0x1a: {  	s17 =	sshll.u32 @!p1 s10, $0x4;
	s19 =	simm.s32 @!p1 $0x20;
	s20 =	simm.s32 @!p1 $0x80  }
0x1b: {  	s15 =	sshll.u32 @!p1 s15, $0xD;
	s17 =	sand.u32 @!p1 $0x3FFF0, s17;
	s18 =	sadd.s32 @!p1 s6, s16  }
0x1c: {  	s16 =	sadd.s32 @!p1 s16, s7;
	s15 =	sand.u32 @!p1 $0x2000, s15;
	s18 =	sadd.s32 @!p1 s17, s18  }
0x1d: {  	[tilespmem:s15], [sflag:$0x1] =	stream.strided.gather @!p1 [hbm4b:s18+s19], $0x1000, s20, s19, $0x38;
	[tilespmem:$0x8080] =	vst v63  }
0x1e: {  	s31 =	sadd.s32 $0xFFFFFFFF, s12;
	s16 =	sadd.s32 @!p1 s17, s16;
	s15 =	sor.u32 @!p1 $0x1000, s15  }
0x1f: {  	[tilespmem:s15], [sflag:$0x1] =	stream.strided.gather @!p1 [hbm4b:s16+s19], $0x1000, s20, s19, $0x38;
	[tilespmem:$0x8080] =	vst v63  }
0x20: {  	p1 =	sge.u32 s31, s5  }
.Ltmp2:
0x21: {  	_ = 	snop;
	(pc) =	sbr.rel @p1 .LBB1_7-.Ltmp2, $1  }
0x22: {  	_ =	sdelay $0x3  }
0x23: {  	s15 =	simm.s32 $0x1;
	s17 =	sand.u32 $0x1, s12  }
0x24: {  	_ =	swait.ge [sflag:s4], $0x2000;
	s15 =	simm.s32 @!p0 $0x0;
	s17 =	smul.u32 $0x8100, s17  }
0x25: {  	p2 =	por $0x1, $0x1;
	[sflag:s4] =	ssyncset.done $0x0;
	s16 =	smul.u32 $0x8100, s15  }
0x26: {  	s18 =	sshll.u32 s15, $0xF;
	[sflag:s4] =	ssyncadd.s32 $0xFFFFE000;
	s30 =	sshrl.u32 s17, $0x2  }
0x27: {  	s31 =	sshrl.u32 s18, $0x2;
	s18 =	simm.s32 $0x0;
	s16 =	sshrl.u32 s16, $0x2  }
0x28: {  	s15 =	sor.u32 $0x4000, s30;
	s17 =	sadd.s32 $0x10, s31;
	s16 =	sor.u32 $0x4000, s16  }
.LBB1_3:
0x29: {  	s19 =	sshll.u32 s18, $0xC  }
0x2a: {  	s19 =	sand.u32 $0x3FFFF000, s19  }
0x2b: {  	s20 =	sadd.s32 s19, s17  }
0x2c: {  	s31 =	smul.u32 $0x4080, s18;
	v1 =	vld [tilespmem:s20+$0x0]  }
0x2d: {  	v0 =	vld [tilespmem:s20+$0xFFFFFFF0]  }
0x2e: {  	s18 =	sshra.s32 s31, $0x2  }
0x2f: {  	s18 =	sadd.s32 s18, s16  }
0x30: {  	s21 =	sadd.s32 $0x0, s18  }
0x31: {  	p1 =	por p2, p2;
	s19 =	simm.s32 $0x4;
	s20 =	sadd.s32 $0x20, s20;
	[tilespmem:s21+$0x810 ss:$0x81] =	vst.msk $0xffff, v1  }
.LBB1_4:
0x32: {  	v1 =	vld [tilespmem:s20+$0x0];
	p2 =	sne.s32 s19, $0x1FC;
	[tilespmem:s21+$0x0 ss:$0x81] =	vst.msk $0xffff, v0;
	s21 =	smov.u32 s19;
	s19 =	sadd.s32 $0x4, s19  }
.Ltmp3:
0x33: {  	v0 =	vld [tilespmem:s20+$0xFFFFFFF0];
	(pc) =	sbr.rel @p2 .LBB1_4-.Ltmp3, $4  }
0x34: {  	_ = 	snop  }
0x35: {  	s21 =	sshra.s32 s21, $0x2  }
0x36: {  	s21 =	sadd.s32 s21, s18  }
0x37: {  	s20 =	sadd.s32 $0x20, s20;
	[tilespmem:s21+$0x810 ss:$0x81] =	vst.msk $0xffff, v1  }
.Ltmp4:
0x38: {  	(pc) =	sbr.rel @p1 .LBB1_3-.Ltmp4, $2  }
0x39: {  	_ =	sdelay $0x2  }
0x3a: {  	[tilespmem:s21+$0x0 ss:$0x81] =	vst.msk $0xffff, v0;
	s18 =	simm.s32 $0x1;
	p2 =	por $0x0, $0x0  }
0x3b: {  	s16 =	sshll.u32 s13, $0x3;
	s17 =	sand.u32 $0x78, s13;
	s14 =	sshll.u32 s14, $0x10  }
.Ltmp5:
0x3c: {  	s30 =	sand.u32 $0xF800, s13;
	s16 =	sand.u32 $0x3C00, s16;
	(pc) =	sbr.rel .LBB1_7-.Ltmp5, $4  }
0x3d: {  	s31 =	sand.u32 $0x7, s13;
	s14 =	sadd.s32 s3, s14;
	s16 =	sor.u32 s17, s16  }
0x3e: {  	s13 =	sshll.u32 s31, $0x12;
	s14 =	sadd.s32 s30, s14;
	s16 =	sshrl.u32 s16, $0x3  }
0x3f: {  	s13 =	sor.u32 $0x400, s13;
	s14 =	sadd.s32 s16, s14  }
0x40: {  	[hbm4b:s14+s13] =	stream.strided.scatter [tilespmem:s15], [sflag:$0x2], $0x2000, s9, s13, $0x20;
	[tilespmem:$0x8080] =	vst v63  }
.LBB1_8:
0x41: {  	_ =	sfence.sel $0x180000  }
0x42: {  	s2 =	simm.s32 $0x1;
	[bflag:$0x0] =	sbarrier.arrive $0xFFFF  }
0x43: {  	s31 =	simm.s32 $0x2;
	[sflag:s2] =	ssyncpa.u1 $0x1  }
0x44: {  	[sflag:s31] =	ssyncpa.u1 $0x1  }
0x45: {  	p0 =	sne.s32 s0, $0x0;
	_ =	strace $0x9000004A  }
0x46: {  	s0 =	sadd.s32 @!p0 $0x100000, s1;
	[bflag:$0x2] =	sbarrier.arrive $0xFFFF  }
0x47: {  	[sflag:s0] =	ssyncadd.tile.s32 @!p0 $0x1;
	_ =	shalt  }
.Lfunc_end1:
_tile_overlayer_lowered:
.L_overlay_start_2:
0x48: {  	(tag) =	ssettag $0x2  }
0x49: {  	s0 =	rddreg [dreg:$0x0];
	s2 =	stileid.u32  }
0x4a: {  	s1 =	rddreg [dreg:$0x1];
	p0 =	sne.s32 s2, $0x0  }
0x4b: {  	s3 =	rddreg [dreg:$0x2];
	[bflag:$0x3] =	sbarrier.arrive $0xFFFF;
	s2 =	simm.s32 @!p0 $0x1C01  }
0x4c: {  	[timem:s3], [sflag:s2] =	dma.local @!p0 [hbm:s0], s1  }
0x4d: {  	s0 =	simm.s32 @!p0 $0x1  }
0x4e: {  	_ =	swait.ge @!p0 [sflag:s0], s1  }
0x4f: {  	s1 =	ssub.s32 @!p0 $0x0, s1;
	[sflag:s0] =	ssyncset.done @!p0 $0x0  }
0x50: {  	[sflag:s0] =	ssyncadd.s32 @!p0 s1  }
0x51: {  	[bflag:$0x3] =	sbarrier.arrive $0xFFFF  }
0x52: {  	_ =	shalt  }

</sc_bundles>
